<compile_context>
chip_gen: v7x
topology: tpu7x:2x2x1
jax: 0.10.2.dev20260603
libtpu: 0.0.44.dev20260713+nightly
codegen_flags: <defaults>
</compile_context>

<pallas_src>
import functools

import jax
import jax.numpy as jnp
from jax import lax
from jax.experimental import pallas as pl
from jax.experimental.pallas import tpu as pltpu
from jax.experimental.pallas import tpu_sc as plsc

_B = 16384
_SUB = 32
_TROWS = 54
_NUM_WORKERS = 32
_CHUNK = _B // _NUM_WORKERS
_GROUPS = _CHUNK // 16
_OUT_PER_WORKER = 4 * _CHUNK * _SUB


def _body(ts_hbm, table_hbm, out_hbm, ts_v, table_v, dst_v, sem):
    wid = lax.axis_index("s") * 2 + lax.axis_index("c")
    base = wid * _CHUNK
    pltpu.async_copy(table_hbm, table_v, sem)
    pltpu.async_copy(ts_hbm.at[pl.ds(base, _CHUNK)], ts_v, sem).wait()
    pltpu.make_async_copy(table_hbm, table_v, sem).wait()

    lanes = lax.iota(jnp.int32, 16)
    obase = wid * _OUT_PER_WORKER

    def group_step(g, carry):
        ts = ts_v[pl.ds(g * 16, 16)]
        dn0 = (ts.astype(jnp.float32) * jnp.float32(1.0 / 86400.0)).astype(
            jnp.int32
        )
        r = ts - dn0 * 86400
        dn = dn0 + jnp.where(r >= 86400, 1, 0) - jnp.where(r < 0, 1, 0)
        dow = dn - ((dn * 18725) >> 17) * 7
        doy = dn - ((dn * 22983) >> 23) * 365
        q30 = (doy * 1093) >> 15
        month = q30 - jnp.where(q30 >= 12, 12, 0)
        dom = doy - ((doy * 4229) >> 17) * 31
        quarter = (month * 11) >> 5

        addr = [
            dow * _SUB,
            (month + 7) * _SUB,
            (dom + 19) * _SUB,
            (quarter + 50) * _SUB,
        ]
        gbase = 64 * _SUB * g

        for b0 in range(0, 16, 2):
            vals = []
            for b in (b0, b0 + 1):
                for k in range(4):
                    rowoff = lax.gather(
                        addr[k],
                        jnp.full((16, 1), b, jnp.int32),
                        lax.GatherDimensionNumbers(
                            offset_dims=(),
                            collapsed_slice_dims=(0,),
                            start_index_map=(0,),
                        ),
                        (1,),
                        mode=lax.GatherScatterMode.PROMISE_IN_BOUNDS,
                    )
                    for m in (0, 16):
                        vals.append(
                            plsc.load_gather(table_v, [rowoff + (m + lanes)])
                        )
            i = 0
            for b in (b0, b0 + 1):
                dbase = gbase + 128 * b
                for k in range(4):
                    for m in (0, 16):
                        dst_v[pl.ds(dbase + 32 * k + m, 16)] = vals[i]
                        i += 1
        @pl.when(lax.rem(g, 2) == 1)
        def _():
            sbase = gbase - 64 * _SUB
            pltpu.async_copy(
                dst_v.at[pl.ds(sbase, 128 * _SUB)],
                out_hbm.at[pl.ds(obase + sbase, 128 * _SUB)],
                sem,
            )
        return carry

    lax.fori_loop(0, _GROUPS, group_step, 0)

    for _ in range(_GROUPS // 2):
        pltpu.make_async_copy(
            dst_v.at[pl.ds(0, 128 * _SUB)],
            out_hbm.at[pl.ds(obase, 128 * _SUB)],
            sem,
        ).wait()


@functools.partial(jax.jit)
def _sc_lookup(ts, table_flat):
    mesh = plsc.VectorSubcoreMesh(core_axis_name="c", subcore_axis_name="s")
    k = functools.partial(
        pl.kernel,
        mesh=mesh,
        out_type=jax.ShapeDtypeStruct((4 * _B * _SUB,), jnp.float32),
        scratch_types=[
            pltpu.VMEM((_CHUNK,), jnp.int32),
            pltpu.VMEM((_TROWS * _SUB,), jnp.float32),
            pltpu.VMEM((_OUT_PER_WORKER,), jnp.float32),
            pltpu.SemaphoreType.DMA,
        ],
        compiler_params=pltpu.CompilerParams(
            use_tc_tiling_on_sc=False,
            needs_layout_passes=False,
        ),
    )(_body)
    return k(ts, table_flat)


def kernel(timestamps, dow_table, month_table, dom_table, quarter_table):
    table = jnp.concatenate(
        [dow_table, month_table, dom_table, quarter_table], axis=0
    ).reshape(-1)
    ts = timestamps.astype(jnp.int32)
    out = _sc_lookup(ts, table)
    return out.reshape(_B, 4 * _SUB)

# --- scband reference (transcript-rebuilt; emitter-appended) ---
"""Pipeline reference for scband-temporal-encoding-56246891708539 (READ-ONLY COPY).

The authoritative reference and input builder live on the scoring server;
editing this copy changes nothing except your own understanding.
"""

import jax, jax.numpy as jnp
import numpy as np

ENCODING_DIM = 128
SUB = ENCODING_DIM // 4
B = 16384

def setup_inputs(seed: int = 0) -> dict:
    key = jax.random.key(seed)
    k0, k1, k2, k3, k4 = jax.random.split(key, 5)
    timestamps = jax.random.randint(k0, (B,), 0, 1700000000, dtype=jnp.int64) if jax.config.jax_enable_x64 else jax.random.randint(k0, (B,), 0, 1700000000, dtype=jnp.int32)
    dow_table = jax.random.normal(k1, (7, SUB), dtype=jnp.float32)
    month_table = jax.random.normal(k2, (12, SUB), dtype=jnp.float32)
    dom_table = jax.random.normal(k3, (31, SUB), dtype=jnp.float32)
    quarter_table = jax.random.normal(k4, (4, SUB), dtype=jnp.float32)
    return {
        "timestamps": timestamps,
        "dow_table": dow_table,
        "month_table": month_table,
        "dom_table": dom_table,
        "quarter_table": quarter_table,
    }

def reference(timestamps, dow_table, month_table, dom_table, quarter_table):
    ts = timestamps
    day_of_week = (ts // 86400) % 7
    day_of_year = (ts // 86400) % 365
    month = (day_of_year // 30) % 12
    day_of_month = day_of_year % 31
    quarter = month // 3
    day_of_week = jnp.clip(day_of_week, 0, 6).astype(jnp.int32)
    month = jnp.clip(month, 0, 11).astype(jnp.int32)
    day_of_month = jnp.clip(day_of_month, 0, 30).astype(jnp.int32)
    quarter = jnp.clip(quarter, 0, 3).astype(jnp.int32)
    dow_emb = jnp.take(dow_table, day_of_week, axis=0)
    month_emb = jnp.take(month_table, month, axis=0)
    dom_emb = jnp.take(dom_table, day_of_month, axis=0)
    quarter_emb = jnp.take(quarter_table, quarter, axis=0)
    return jnp.concatenate([dow_emb, month_emb, dom_emb, quarter_emb], axis=-1)

if __name__ == "__main__":
    import jax
    _d = setup_inputs()
    print(jax.jit(kernel)(*tuple(_d.values())))

</pallas_src>

<mosaic_0001>
#map = affine_map<(d0, d1) -> (0)>
module attributes {stable_mosaic.version = 14 : i64} {
  func.func @_body(%arg0: i32, %arg1: i32, %arg2: memref<16384xi32, #tpu.memory_space<hbm>>, %arg3: memref<1728xf32, #tpu.memory_space<hbm>>, %arg4: memref<2097152xf32, #tpu.memory_space<hbm>>, %arg5: memref<512xi32, #tpu.memory_space<vmem>>, %arg6: memref<1728xf32, #tpu.memory_space<vmem>>, %arg7: memref<65536xf32, #tpu.memory_space<vmem>>, %arg8: memref<!tpu.dma_semaphore, #tpu.memory_space<semaphore_mem>>) attributes {dimension_semantics = [#tpu.dimension_semantics<core_parallel>, #tpu.dimension_semantics<subcore_parallel>], iteration_bounds = array<i64: 2, 16>, scalar_prefetch = 0 : i64, scratch_operands = 4 : i64, tpu.core_type = #tpu.core_type<sc_vector_subcore>, window_params = [{transform_indices = #map}, {transform_indices = #map}, {transform_indices = #map}]} {
    %mul3A = arith.constant 2 : i32
    %mul3A_0 = arith.muli %arg1, %mul3A : i32
    %add3A = arith.addi %mul3A_0, %arg0 : i32
    %mul3A_1 = arith.constant 512 : i32
    %mul3A_2 = arith.muli %add3A, %mul3A_1 : i32
    tpu.enqueue_dma source(%arg3 : memref<1728xf32, #tpu.memory_space<hbm>>) target(%arg6 : memref<1728xf32, #tpu.memory_space<vmem>>) target_semaphore(%arg8 : memref<!tpu.dma_semaphore, #tpu.memory_space<semaphore_mem>>)
    %dma_start3A = tpu.memref_slice %arg2[%mul3A_2] : memref<16384xi32, #tpu.memory_space<hbm>> -> memref<512xi32, #tpu.memory_space<hbm>>
    %dma_start3A_3 = tpu.memref_slice %arg2[%mul3A_2] : memref<16384xi32, #tpu.memory_space<hbm>> -> memref<512xi32, #tpu.memory_space<hbm>>
    tpu.enqueue_dma source(%dma_start3A_3 : memref<512xi32, #tpu.memory_space<hbm>>) target(%arg5 : memref<512xi32, #tpu.memory_space<vmem>>) target_semaphore(%arg8 : memref<!tpu.dma_semaphore, #tpu.memory_space<semaphore_mem>>)
    %dma_wait3A = tpu.memref_slice %arg2[%mul3A_2] : memref<16384xi32, #tpu.memory_space<hbm>> -> memref<512xi32, #tpu.memory_space<hbm>>
    %dma_wait3A_4 = tpu.memref_slice %arg2[%mul3A_2] : memref<16384xi32, #tpu.memory_space<hbm>> -> memref<512xi32, #tpu.memory_space<hbm>>
    tpu.wait_dma2 semaphore(%arg8 : memref<!tpu.dma_semaphore, #tpu.memory_space<semaphore_mem>>) src(%dma_wait3A_4 : memref<512xi32, #tpu.memory_space<hbm>>) dst(%arg5 : memref<512xi32, #tpu.memory_space<vmem>>)
    tpu.wait_dma2 semaphore(%arg8 : memref<!tpu.dma_semaphore, #tpu.memory_space<semaphore_mem>>) src(%arg3 : memref<1728xf32, #tpu.memory_space<hbm>>) dst(%arg6 : memref<1728xf32, #tpu.memory_space<vmem>>)
    %iota3A = tpu.iota {dimensions = array<i32: 0>} : vector<16xi32>
    %mul3A_5 = arith.constant 65536 : i32
    %mul3A_6 = arith.muli %add3A, %mul3A_5 : i32
    %scan3A = arith.constant 0 : i32
    %scan3A_7 = arith.constant 0 : i32
    %scan3A_8 = arith.constant 32 : i32
    %scan3A_9 = arith.addi %scan3A_7, %scan3A_8 : i32
    %scan3A_10 = arith.constant 1 : i32
    scf.for %scan3A_108 = %scan3A_7 to %scan3A_9 step %scan3A_10  : i32 {
      %mul3A_109 = arith.constant 16 : i32
      %mul3A_110 = arith.muli %scan3A_108, %mul3A_109 : i32
      %get3A = arith.index_cast %mul3A_110 : i32 to index
      %get3A_111 = tpu.vector_load %arg5[%get3A] {strides = array<i32>} : memref<512xi32, #tpu.memory_space<vmem>>, vector<16xi32>,
      %convert_element_type3A = arith.sitofp %get3A_111 : vector<16xi32> to vector<16xf32>
      %mul3A_112 = arith.constant 1.15740741E-5 : f32
      %mul3A_113 = vector.broadcast %mul3A_112 : f32 to vector<16xf32>
      %mul3A_114 = arith.mulf %convert_element_type3A, %mul3A_113 : vector<16xf32>
      %convert_element_type3A_115 = arith.fptosi %mul3A_114 : vector<16xf32> to vector<16xi32>
      %mul3A_116 = arith.constant 86400 : i32
      %mul3A_117 = vector.broadcast %mul3A_116 : i32 to vector<16xi32>
      %mul3A_118 = arith.muli %convert_element_type3A_115, %mul3A_117 : vector<16xi32>
      %sub3A = arith.subi %get3A_111, %mul3A_118 : vector<16xi32>
      %ge3A = arith.constant 86400 : i32
      %ge3A_119 = vector.broadcast %ge3A : i32 to vector<16xi32>
      %ge3A_120 = arith.cmpi sge, %sub3A, %ge3A_119 : vector<16xi32>
      %jit3A = arith.constant 1 : i32
      %jit3A_121 = arith.constant 0 : i32
      %broadcast_in_dim3A = vector.broadcast %jit3A : i32 to vector<16xi32>
      %broadcast_in_dim3A_122 = vector.broadcast %jit3A_121 : i32 to vector<16xi32>
      %select_n3A = arith.select %ge3A_120, %broadcast_in_dim3A, %broadcast_in_dim3A_122 : vector<16xi1>, vector<16xi32>
      %add3A_123 = arith.addi %convert_element_type3A_115, %select_n3A : vector<16xi32>
      %lt3A = arith.constant 0 : i32
      %lt3A_124 = vector.broadcast %lt3A : i32 to vector<16xi32>
      %lt3A_125 = arith.cmpi slt, %sub3A, %lt3A_124 : vector<16xi32>
      %jit3A_126 = arith.constant 1 : i32
      %jit3A_127 = arith.constant 0 : i32
      %broadcast_in_dim3A_128 = vector.broadcast %jit3A_126 : i32 to vector<16xi32>
      %broadcast_in_dim3A_129 = vector.broadcast %jit3A_127 : i32 to vector<16xi32>
      %select_n3A_130 = arith.select %lt3A_125, %broadcast_in_dim3A_128, %broadcast_in_dim3A_129 : vector<16xi1>, vector<16xi32>
      %sub3A_131 = arith.subi %add3A_123, %select_n3A_130 : vector<16xi32>
      %mul3A_132 = arith.constant 18725 : i32
      %mul3A_133 = vector.broadcast %mul3A_132 : i32 to vector<16xi32>
      %mul3A_134 = arith.muli %sub3A_131, %mul3A_133 : vector<16xi32>
      %shift_right_arithmetic3A = arith.constant 17 : i32
      %shift_right_arithmetic3A_135 = vector.broadcast %shift_right_arithmetic3A : i32 to vector<16xi32>
      %shift_right_arithmetic3A_136 = arith.shrsi %mul3A_134, %shift_right_arithmetic3A_135 : vector<16xi32>
      %mul3A_137 = arith.constant 7 : i32
      %mul3A_138 = vector.broadcast %mul3A_137 : i32 to vector<16xi32>
      %mul3A_139 = arith.muli %shift_right_arithmetic3A_136, %mul3A_138 : vector<16xi32>
      %sub3A_140 = arith.subi %sub3A_131, %mul3A_139 : vector<16xi32>
      %mul3A_141 = arith.constant 22983 : i32
      %mul3A_142 = vector.broadcast %mul3A_141 : i32 to vector<16xi32>
      %mul3A_143 = arith.muli %sub3A_131, %mul3A_142 : vector<16xi32>
      %shift_right_arithmetic3A_144 = arith.constant 23 : i32
      %shift_right_arithmetic3A_145 = vector.broadcast %shift_right_arithmetic3A_144 : i32 to vector<16xi32>
      %shift_right_arithmetic3A_146 = arith.shrsi %mul3A_143, %shift_right_arithmetic3A_145 : vector<16xi32>
      %mul3A_147 = arith.constant 365 : i32
      %mul3A_148 = vector.broadcast %mul3A_147 : i32 to vector<16xi32>
      %mul3A_149 = arith.muli %shift_right_arithmetic3A_146, %mul3A_148 : vector<16xi32>
      %sub3A_150 = arith.subi %sub3A_131, %mul3A_149 : vector<16xi32>
      %mul3A_151 = arith.constant 1093 : i32
      %mul3A_152 = vector.broadcast %mul3A_151 : i32 to vector<16xi32>
      %mul3A_153 = arith.muli %sub3A_150, %mul3A_152 : vector<16xi32>
      %shift_right_arithmetic3A_154 = arith.constant 15 : i32
      %shift_right_arithmetic3A_155 = vector.broadcast %shift_right_arithmetic3A_154 : i32 to vector<16xi32>
      %shift_right_arithmetic3A_156 = arith.shrsi %mul3A_153, %shift_right_arithmetic3A_155 : vector<16xi32>
      %ge3A_157 = arith.constant 12 : i32
      %ge3A_158 = vector.broadcast %ge3A_157 : i32 to vector<16xi32>
      %ge3A_159 = arith.cmpi sge, %shift_right_arithmetic3A_156, %ge3A_158 : vector<16xi32>
      %jit3A_160 = arith.constant 12 : i32
      %jit3A_161 = arith.constant 0 : i32
      %broadcast_in_dim3A_162 = vector.broadcast %jit3A_160 : i32 to vector<16xi32>
      %broadcast_in_dim3A_163 = vector.broadcast %jit3A_161 : i32 to vector<16xi32>
      %select_n3A_164 = arith.select %ge3A_159, %broadcast_in_dim3A_162, %broadcast_in_dim3A_163 : vector<16xi1>, vector<16xi32>
      %sub3A_165 = arith.subi %shift_right_arithmetic3A_156, %select_n3A_164 : vector<16xi32>
      %mul3A_166 = arith.constant 4229 : i32
      %mul3A_167 = vector.broadcast %mul3A_166 : i32 to vector<16xi32>
      %mul3A_168 = arith.muli %sub3A_150, %mul3A_167 : vector<16xi32>
      %shift_right_arithmetic3A_169 = arith.constant 17 : i32
      %shift_right_arithmetic3A_170 = vector.broadcast %shift_right_arithmetic3A_169 : i32 to vector<16xi32>
      %shift_right_arithmetic3A_171 = arith.shrsi %mul3A_168, %shift_right_arithmetic3A_170 : vector<16xi32>
      %mul3A_172 = arith.constant 31 : i32
      %mul3A_173 = vector.broadcast %mul3A_172 : i32 to vector<16xi32>
      %mul3A_174 = arith.muli %shift_right_arithmetic3A_171, %mul3A_173 : vector<16xi32>
      %sub3A_175 = arith.subi %sub3A_150, %mul3A_174 : vector<16xi32>
      %mul3A_176 = arith.constant 11 : i32
      %mul3A_177 = vector.broadcast %mul3A_176 : i32 to vector<16xi32>
      %mul3A_178 = arith.muli %sub3A_165, %mul3A_177 : vector<16xi32>
      %shift_right_arithmetic3A_179 = arith.constant 5 : i32
      %shift_right_arithmetic3A_180 = vector.broadcast %shift_right_arithmetic3A_179 : i32 to vector<16xi32>
      %shift_right_arithmetic3A_181 = arith.shrsi %mul3A_178, %shift_right_arithmetic3A_180 : vector<16xi32>
      %mul3A_182 = arith.constant 32 : i32
      %mul3A_183 = vector.broadcast %mul3A_182 : i32 to vector<16xi32>
      %mul3A_184 = arith.muli %sub3A_140, %mul3A_183 : vector<16xi32>
      %add3A_185 = arith.constant 7 : i32
      %add3A_186 = vector.broadcast %add3A_185 : i32 to vector<16xi32>
      %add3A_187 = arith.addi %sub3A_165, %add3A_186 : vector<16xi32>
      %mul3A_188 = arith.constant 32 : i32
      %mul3A_189 = vector.broadcast %mul3A_188 : i32 to vector<16xi32>
      %mul3A_190 = arith.muli %add3A_187, %mul3A_189 : vector<16xi32>
      %add3A_191 = arith.constant 19 : i32
      %add3A_192 = vector.broadcast %add3A_191 : i32 to vector<16xi32>
      %add3A_193 = arith.addi %sub3A_175, %add3A_192 : vector<16xi32>
      %mul3A_194 = arith.constant 32 : i32
      %mul3A_195 = vector.broadcast %mul3A_194 : i32 to vector<16xi32>
      %mul3A_196 = arith.muli %add3A_193, %mul3A_195 : vector<16xi32>
      %add3A_197 = arith.constant 50 : i32
      %add3A_198 = vector.broadcast %add3A_197 : i32 to vector<16xi32>
      %add3A_199 = arith.addi %shift_right_arithmetic3A_181, %add3A_198 : vector<16xi32>
      %mul3A_200 = arith.constant 32 : i32
      %mul3A_201 = vector.broadcast %mul3A_200 : i32 to vector<16xi32>
      %mul3A_202 = arith.muli %add3A_199, %mul3A_201 : vector<16xi32>
      %mul3A_203 = arith.constant 2048 : i32
      %mul3A_204 = arith.muli %mul3A_203, %scan3A_108 : i32
      %broadcast_in_dim3A_205 = arith.constant 0 : i32
      %broadcast_in_dim3A_206 = vector.broadcast %broadcast_in_dim3A_205 : i32 to vector<16x1xi32>
      %gather3A = vector.shape_cast %broadcast_in_dim3A_206 : vector<16x1xi32> to vector<16xi32>
      %gather3A_207 = tpu.dynamic_gather %mul3A_184[%gather3A] in [0] : vector<16xi32>, vector<16xi32> -> vector<16xi32>
      %add3A_208 = arith.constant 0 : i32
      %add3A_209 = vector.broadcast %add3A_208 : i32 to vector<16xi32>
      %add3A_210 = arith.addi %add3A_209, %iota3A : vector<16xi32>
      %add3A_211 = arith.addi %gather3A_207, %add3A_210 : vector<16xi32>
      %gather3A_212 = tpu.vector_load_idx %arg6[%add3A_211] : memref<1728xf32, #tpu.memory_space<vmem>>[vector<16xi32>], vector<16xf32>,
      %add3A_213 = arith.constant 16 : i32
      %add3A_214 = vector.broadcast %add3A_213 : i32 to vector<16xi32>
      %add3A_215 = arith.addi %add3A_214, %iota3A : vector<16xi32>
      %add3A_216 = arith.addi %gather3A_207, %add3A_215 : vector<16xi32>
      %gather3A_217 = tpu.vector_load_idx %arg6[%add3A_216] : memref<1728xf32, #tpu.memory_space<vmem>>[vector<16xi32>], vector<16xf32>,
      %broadcast_in_dim3A_218 = arith.constant 0 : i32
      %broadcast_in_dim3A_219 = vector.broadcast %broadcast_in_dim3A_218 : i32 to vector<16x1xi32>
      %gather3A_220 = vector.shape_cast %broadcast_in_dim3A_219 : vector<16x1xi32> to vector<16xi32>
      %gather3A_221 = tpu.dynamic_gather %mul3A_190[%gather3A_220] in [0] : vector<16xi32>, vector<16xi32> -> vector<16xi32>
      %add3A_222 = arith.constant 0 : i32
      %add3A_223 = vector.broadcast %add3A_222 : i32 to vector<16xi32>
      %add3A_224 = arith.addi %add3A_223, %iota3A : vector<16xi32>
      %add3A_225 = arith.addi %gather3A_221, %add3A_224 : vector<16xi32>
      %gather3A_226 = tpu.vector_load_idx %arg6[%add3A_225] : memref<1728xf32, #tpu.memory_space<vmem>>[vector<16xi32>], vector<16xf32>,
      %add3A_227 = arith.constant 16 : i32
      %add3A_228 = vector.broadcast %add3A_227 : i32 to vector<16xi32>
      %add3A_229 = arith.addi %add3A_228, %iota3A : vector<16xi32>
      %add3A_230 = arith.addi %gather3A_221, %add3A_229 : vector<16xi32>
      %gather3A_231 = tpu.vector_load_idx %arg6[%add3A_230] : memref<1728xf32, #tpu.memory_space<vmem>>[vector<16xi32>], vector<16xf32>,
      %broadcast_in_dim3A_232 = arith.constant 0 : i32
      %broadcast_in_dim3A_233 = vector.broadcast %broadcast_in_dim3A_232 : i32 to vector<16x1xi32>
      %gather3A_234 = vector.shape_cast %broadcast_in_dim3A_233 : vector<16x1xi32> to vector<16xi32>
      %gather3A_235 = tpu.dynamic_gather %mul3A_196[%gather3A_234] in [0] : vector<16xi32>, vector<16xi32> -> vector<16xi32>
      %add3A_236 = arith.constant 0 : i32
      %add3A_237 = vector.broadcast %add3A_236 : i32 to vector<16xi32>
      %add3A_238 = arith.addi %add3A_237, %iota3A : vector<16xi32>
      %add3A_239 = arith.addi %gather3A_235, %add3A_238 : vector<16xi32>
      %gather3A_240 = tpu.vector_load_idx %arg6[%add3A_239] : memref<1728xf32, #tpu.memory_space<vmem>>[vector<16xi32>], vector<16xf32>,
      %add3A_241 = arith.constant 16 : i32
      %add3A_242 = vector.broadcast %add3A_241 : i32 to vector<16xi32>
      %add3A_243 = arith.addi %add3A_242, %iota3A : vector<16xi32>
      %add3A_244 = arith.addi %gather3A_235, %add3A_243 : vector<16xi32>
      %gather3A_245 = tpu.vector_load_idx %arg6[%add3A_244] : memref<1728xf32, #tpu.memory_space<vmem>>[vector<16xi32>], vector<16xf32>,
      %broadcast_in_dim3A_246 = arith.constant 0 : i32
      %broadcast_in_dim3A_247 = vector.broadcast %broadcast_in_dim3A_246 : i32 to vector<16x1xi32>
      %gather3A_248 = vector.shape_cast %broadcast_in_dim3A_247 : vector<16x1xi32> to vector<16xi32>
      %gather3A_249 = tpu.dynamic_gather %mul3A_202[%gather3A_248] in [0] : vector<16xi32>, vector<16xi32> -> vector<16xi32>
      %add3A_250 = arith.constant 0 : i32
      %add3A_251 = vector.broadcast %add3A_250 : i32 to vector<16xi32>
      %add3A_252 = arith.addi %add3A_251, %iota3A : vector<16xi32>
      %add3A_253 = arith.addi %gather3A_249, %add3A_252 : vector<16xi32>
      %gather3A_254 = tpu.vector_load_idx %arg6[%add3A_253] : memref<1728xf32, #tpu.memory_space<vmem>>[vector<16xi32>], vector<16xf32>,
      %add3A_255 = arith.constant 16 : i32
      %add3A_256 = vector.broadcast %add3A_255 : i32 to vector<16xi32>
      %add3A_257 = arith.addi %add3A_256, %iota3A : vector<16xi32>
      %add3A_258 = arith.addi %gather3A_249, %add3A_257 : vector<16xi32>
      %gather3A_259 = tpu.vector_load_idx %arg6[%add3A_258] : memref<1728xf32, #tpu.memory_space<vmem>>[vector<16xi32>], vector<16xf32>,
      %broadcast_in_dim3A_260 = arith.constant 1 : i32
      %broadcast_in_dim3A_261 = vector.broadcast %broadcast_in_dim3A_260 : i32 to vector<16x1xi32>
      %gather3A_262 = vector.shape_cast %broadcast_in_dim3A_261 : vector<16x1xi32> to vector<16xi32>
      %gather3A_263 = tpu.dynamic_gather %mul3A_184[%gather3A_262] in [0] : vector<16xi32>, vector<16xi32> -> vector<16xi32>
      %add3A_264 = arith.constant 0 : i32
      %add3A_265 = vector.broadcast %add3A_264 : i32 to vector<16xi32>
      %add3A_266 = arith.addi %add3A_265, %iota3A : vector<16xi32>
      %add3A_267 = arith.addi %gather3A_263, %add3A_266 : vector<16xi32>
      %gather3A_268 = tpu.vector_load_idx %arg6[%add3A_267] : memref<1728xf32, #tpu.memory_space<vmem>>[vector<16xi32>], vector<16xf32>,
      %add3A_269 = arith.constant 16 : i32
      %add3A_270 = vector.broadcast %add3A_269 : i32 to vector<16xi32>
      %add3A_271 = arith.addi %add3A_270, %iota3A : vector<16xi32>
      %add3A_272 = arith.addi %gather3A_263, %add3A_271 : vector<16xi32>
      %gather3A_273 = tpu.vector_load_idx %arg6[%add3A_272] : memref<1728xf32, #tpu.memory_space<vmem>>[vector<16xi32>], vector<16xf32>,
      %broadcast_in_dim3A_274 = arith.constant 1 : i32
      %broadcast_in_dim3A_275 = vector.broadcast %broadcast_in_dim3A_274 : i32 to vector<16x1xi32>
      %gather3A_276 = vector.shape_cast %broadcast_in_dim3A_275 : vector<16x1xi32> to vector<16xi32>
      %gather3A_277 = tpu.dynamic_gather %mul3A_190[%gather3A_276] in [0] : vector<16xi32>, vector<16xi32> -> vector<16xi32>
      %add3A_278 = arith.constant 0 : i32
      %add3A_279 = vector.broadcast %add3A_278 : i32 to vector<16xi32>
      %add3A_280 = arith.addi %add3A_279, %iota3A : vector<16xi32>
      %add3A_281 = arith.addi %gather3A_277, %add3A_280 : vector<16xi32>
      %gather3A_282 = tpu.vector_load_idx %arg6[%add3A_281] : memref<1728xf32, #tpu.memory_space<vmem>>[vector<16xi32>], vector<16xf32>,
      %add3A_283 = arith.constant 16 : i32
      %add3A_284 = vector.broadcast %add3A_283 : i32 to vector<16xi32>
      %add3A_285 = arith.addi %add3A_284, %iota3A : vector<16xi32>
      %add3A_286 = arith.addi %gather3A_277, %add3A_285 : vector<16xi32>
      %gather3A_287 = tpu.vector_load_idx %arg6[%add3A_286] : memref<1728xf32, #tpu.memory_space<vmem>>[vector<16xi32>], vector<16xf32>,
      %broadcast_in_dim3A_288 = arith.constant 1 : i32
      %broadcast_in_dim3A_289 = vector.broadcast %broadcast_in_dim3A_288 : i32 to vector<16x1xi32>
      %gather3A_290 = vector.shape_cast %broadcast_in_dim3A_289 : vector<16x1xi32> to vector<16xi32>
      %gather3A_291 = tpu.dynamic_gather %mul3A_196[%gather3A_290] in [0] : vector<16xi32>, vector<16xi32> -> vector<16xi32>
      %add3A_292 = arith.constant 0 : i32
      %add3A_293 = vector.broadcast %add3A_292 : i32 to vector<16xi32>
      %add3A_294 = arith.addi %add3A_293, %iota3A : vector<16xi32>
      %add3A_295 = arith.addi %gather3A_291, %add3A_294 : vector<16xi32>
      %gather3A_296 = tpu.vector_load_idx %arg6[%add3A_295] : memref<1728xf32, #tpu.memory_space<vmem>>[vector<16xi32>], vector<16xf32>,
      %add3A_297 = arith.constant 16 : i32
      %add3A_298 = vector.broadcast %add3A_297 : i32 to vector<16xi32>
      %add3A_299 = arith.addi %add3A_298, %iota3A : vector<16xi32>
      %add3A_300 = arith.addi %gather3A_291, %add3A_299 : vector<16xi32>
      %gather3A_301 = tpu.vector_load_idx %arg6[%add3A_300] : memref<1728xf32, #tpu.memory_space<vmem>>[vector<16xi32>], vector<16xf32>,
      %broadcast_in_dim3A_302 = arith.constant 1 : i32
      %broadcast_in_dim3A_303 = vector.broadcast %broadcast_in_dim3A_302 : i32 to vector<16x1xi32>
      %gather3A_304 = vector.shape_cast %broadcast_in_dim3A_303 : vector<16x1xi32> to vector<16xi32>
      %gather3A_305 = tpu.dynamic_gather %mul3A_202[%gather3A_304] in [0] : vector<16xi32>, vector<16xi32> -> vector<16xi32>
      %add3A_306 = arith.constant 0 : i32
      %add3A_307 = vector.broadcast %add3A_306 : i32 to vector<16xi32>
      %add3A_308 = arith.addi %add3A_307, %iota3A : vector<16xi32>
      %add3A_309 = arith.addi %gather3A_305, %add3A_308 : vector<16xi32>
      %gather3A_310 = tpu.vector_load_idx %arg6[%add3A_309] : memref<1728xf32, #tpu.memory_space<vmem>>[vector<16xi32>], vector<16xf32>,
      %add3A_311 = arith.constant 16 : i32
      %add3A_312 = vector.broadcast %add3A_311 : i32 to vector<16xi32>
      %add3A_313 = arith.addi %add3A_312, %iota3A : vector<16xi32>
      %add3A_314 = arith.addi %gather3A_305, %add3A_313 : vector<16xi32>
      %gather3A_315 = tpu.vector_load_idx %arg6[%add3A_314] : memref<1728xf32, #tpu.memory_space<vmem>>[vector<16xi32>], vector<16xf32>,
      %add3A_316 = arith.constant 0 : i32
      %add3A_317 = arith.addi %mul3A_204, %add3A_316 : i32
      %add3A_318 = arith.constant 0 : i32
      %add3A_319 = arith.addi %add3A_317, %add3A_318 : i32
      %add3A_320 = arith.constant 0 : i32
      %add3A_321 = arith.addi %add3A_319, %add3A_320 : i32
      %swap3A = arith.index_cast %add3A_321 : i32 to index
      %swap3A_322 = tpu.vector_load %arg7[%swap3A] {strides = array<i32>} : memref<65536xf32, #tpu.memory_space<vmem>>, vector<16xf32>,
      tpu.vector_store %arg7[%swap3A], %gather3A_212 {strides = array<i32>} : memref<65536xf32, #tpu.memory_space<vmem>>, vector<16xf32>,
      %add3A_323 = arith.constant 0 : i32
      %add3A_324 = arith.addi %add3A_317, %add3A_323 : i32
      %add3A_325 = arith.constant 16 : i32
      %add3A_326 = arith.addi %add3A_324, %add3A_325 : i32
      %swap3A_327 = arith.index_cast %add3A_326 : i32 to index
      %swap3A_328 = tpu.vector_load %arg7[%swap3A_327] {strides = array<i32>} : memref<65536xf32, #tpu.memory_space<vmem>>, vector<16xf32>,
      tpu.vector_store %arg7[%swap3A_327], %gather3A_217 {strides = array<i32>} : memref<65536xf32, #tpu.memory_space<vmem>>, vector<16xf32>,
      %add3A_329 = arith.constant 32 : i32
      %add3A_330 = arith.addi %add3A_317, %add3A_329 : i32
      %add3A_331 = arith.constant 0 : i32
      %add3A_332 = arith.addi %add3A_330, %add3A_331 : i32
      %swap3A_333 = arith.index_cast %add3A_332 : i32 to index
      %swap3A_334 = tpu.vector_load %arg7[%swap3A_333] {strides = array<i32>} : memref<65536xf32, #tpu.memory_space<vmem>>, vector<16xf32>,
      tpu.vector_store %arg7[%swap3A_333], %gather3A_226 {strides = array<i32>} : memref<65536xf32, #tpu.memory_space<vmem>>, vector<16xf32>,
      %add3A_335 = arith.constant 32 : i32
      %add3A_336 = arith.addi %add3A_317, %add3A_335 : i32
      %add3A_337 = arith.constant 16 : i32
      %add3A_338 = arith.addi %add3A_336, %add3A_337 : i32
      %swap3A_339 = arith.index_cast %add3A_338 : i32 to index
      %swap3A_340 = tpu.vector_load %arg7[%swap3A_339] {strides = array<i32>} : memref<65536xf32, #tpu.memory_space<vmem>>, vector<16xf32>,
      tpu.vector_store %arg7[%swap3A_339], %gather3A_231 {strides = array<i32>} : memref<65536xf32, #tpu.memory_space<vmem>>, vector<16xf32>,
      %add3A_341 = arith.constant 64 : i32
      %add3A_342 = arith.addi %add3A_317, %add3A_341 : i32
      %add3A_343 = arith.constant 0 : i32
      %add3A_344 = arith.addi %add3A_342, %add3A_343 : i32
      %swap3A_345 = arith.index_cast %add3A_344 : i32 to index
      %swap3A_346 = tpu.vector_load %arg7[%swap3A_345] {strides = array<i32>} : memref<65536xf32, #tpu.memory_space<vmem>>, vector<16xf32>,
      tpu.vector_store %arg7[%swap3A_345], %gather3A_240 {strides = array<i32>} : memref<65536xf32, #tpu.memory_space<vmem>>, vector<16xf32>,
      %add3A_347 = arith.constant 64 : i32
      %add3A_348 = arith.addi %add3A_317, %add3A_347 : i32
      %add3A_349 = arith.constant 16 : i32
      %add3A_350 = arith.addi %add3A_348, %add3A_349 : i32
      %swap3A_351 = arith.index_cast %add3A_350 : i32 to index
      %swap3A_352 = tpu.vector_load %arg7[%swap3A_351] {strides = array<i32>} : memref<65536xf32, #tpu.memory_space<vmem>>, vector<16xf32>,
      tpu.vector_store %arg7[%swap3A_351], %gather3A_245 {strides = array<i32>} : memref<65536xf32, #tpu.memory_space<vmem>>, vector<16xf32>,
      %add3A_353 = arith.constant 96 : i32
      %add3A_354 = arith.addi %add3A_317, %add3A_353 : i32
      %add3A_355 = arith.constant 0 : i32
      %add3A_356 = arith.addi %add3A_354, %add3A_355 : i32
      %swap3A_357 = arith.index_cast %add3A_356 : i32 to index
      %swap3A_358 = tpu.vector_load %arg7[%swap3A_357] {strides = array<i32>} : memref<65536xf32, #tpu.memory_space<vmem>>, vector<16xf32>,
      tpu.vector_store %arg7[%swap3A_357], %gather3A_254 {strides = array<i32>} : memref<65536xf32, #tpu.memory_space<vmem>>, vector<16xf32>,
      %add3A_359 = arith.constant 96 : i32
      %add3A_360 = arith.addi %add3A_317, %add3A_359 : i32
      %add3A_361 = arith.constant 16 : i32
      %add3A_362 = arith.addi %add3A_360, %add3A_361 : i32
      %swap3A_363 = arith.index_cast %add3A_362 : i32 to index
      %swap3A_364 = tpu.vector_load %arg7[%swap3A_363] {strides = array<i32>} : memref<65536xf32, #tpu.memory_space<vmem>>, vector<16xf32>,
      tpu.vector_store %arg7[%swap3A_363], %gather3A_259 {strides = array<i32>} : memref<65536xf32, #tpu.memory_space<vmem>>, vector<16xf32>,
      %add3A_365 = arith.constant 128 : i32
      %add3A_366 = arith.addi %mul3A_204, %add3A_365 : i32
      %add3A_367 = arith.constant 0 : i32
      %add3A_368 = arith.addi %add3A_366, %add3A_367 : i32
      %add3A_369 = arith.constant 0 : i32
      %add3A_370 = arith.addi %add3A_368, %add3A_369 : i32
      %swap3A_371 = arith.index_cast %add3A_370 : i32 to index
      %swap3A_372 = tpu.vector_load %arg7[%swap3A_371] {strides = array<i32>} : memref<65536xf32, #tpu.memory_space<vmem>>, vector<16xf32>,
      tpu.vector_store %arg7[%swap3A_371], %gather3A_268 {strides = array<i32>} : memref<65536xf32, #tpu.memory_space<vmem>>, vector<16xf32>,
      %add3A_373 = arith.constant 0 : i32
      %add3A_374 = arith.addi %add3A_366, %add3A_373 : i32
      %add3A_375 = arith.constant 16 : i32
      %add3A_376 = arith.addi %add3A_374, %add3A_375 : i32
      %swap3A_377 = arith.index_cast %add3A_376 : i32 to index
      %swap3A_378 = tpu.vector_load %arg7[%swap3A_377] {strides = array<i32>} : memref<65536xf32, #tpu.memory_space<vmem>>, vector<16xf32>,
      tpu.vector_store %arg7[%swap3A_377], %gather3A_273 {strides = array<i32>} : memref<65536xf32, #tpu.memory_space<vmem>>, vector<16xf32>,
      %add3A_379 = arith.constant 32 : i32
      %add3A_380 = arith.addi %add3A_366, %add3A_379 : i32
      %add3A_381 = arith.constant 0 : i32
      %add3A_382 = arith.addi %add3A_380, %add3A_381 : i32
      %swap3A_383 = arith.index_cast %add3A_382 : i32 to index
      %swap3A_384 = tpu.vector_load %arg7[%swap3A_383] {strides = array<i32>} : memref<65536xf32, #tpu.memory_space<vmem>>, vector<16xf32>,
      tpu.vector_store %arg7[%swap3A_383], %gather3A_282 {strides = array<i32>} : memref<65536xf32, #tpu.memory_space<vmem>>, vector<16xf32>,
      %add3A_385 = arith.constant 32 : i32
      %add3A_386 = arith.addi %add3A_366, %add3A_385 : i32
      %add3A_387 = arith.constant 16 : i32
      %add3A_388 = arith.addi %add3A_386, %add3A_387 : i32
      %swap3A_389 = arith.index_cast %add3A_388 : i32 to index
      %swap3A_390 = tpu.vector_load %arg7[%swap3A_389] {strides = array<i32>} : memref<65536xf32, #tpu.memory_space<vmem>>, vector<16xf32>,
      tpu.vector_store %arg7[%swap3A_389], %gather3A_287 {strides = array<i32>} : memref<65536xf32, #tpu.memory_space<vmem>>, vector<16xf32>,
      %add3A_391 = arith.constant 64 : i32
      %add3A_392 = arith.addi %add3A_366, %add3A_391 : i32
      %add3A_393 = arith.constant 0 : i32
      %add3A_394 = arith.addi %add3A_392, %add3A_393 : i32
      %swap3A_395 = arith.index_cast %add3A_394 : i32 to index
      %swap3A_396 = tpu.vector_load %arg7[%swap3A_395] {strides = array<i32>} : memref<65536xf32, #tpu.memory_space<vmem>>, vector<16xf32>,
      tpu.vector_store %arg7[%swap3A_395], %gather3A_296 {strides = array<i32>} : memref<65536xf32, #tpu.memory_space<vmem>>, vector<16xf32>,
      %add3A_397 = arith.constant 64 : i32
      %add3A_398 = arith.addi %add3A_366, %add3A_397 : i32
      %add3A_399 = arith.constant 16 : i32
      %add3A_400 = arith.addi %add3A_398, %add3A_399 : i32
      %swap3A_401 = arith.index_cast %add3A_400 : i32 to index
      %swap3A_402 = tpu.vector_load %arg7[%swap3A_401] {strides = array<i32>} : memref<65536xf32, #tpu.memory_space<vmem>>, vector<16xf32>,
      tpu.vector_store %arg7[%swap3A_401], %gather3A_301 {strides = array<i32>} : memref<65536xf32, #tpu.memory_space<vmem>>, vector<16xf32>,
      %add3A_403 = arith.constant 96 : i32
      %add3A_404 = arith.addi %add3A_366, %add3A_403 : i32
      %add3A_405 = arith.constant 0 : i32
      %add3A_406 = arith.addi %add3A_404, %add3A_405 : i32
      %swap3A_407 = arith.index_cast %add3A_406 : i32 to index
      %swap3A_408 = tpu.vector_load %arg7[%swap3A_407] {strides = array<i32>} : memref<65536xf32, #tpu.memory_space<vmem>>, vector<16xf32>,
      tpu.vector_store %arg7[%swap3A_407], %gather3A_310 {strides = array<i32>} : memref<65536xf32, #tpu.memory_space<vmem>>, vector<16xf32>,
      %add3A_409 = arith.constant 96 : i32
      %add3A_410 = arith.addi %add3A_366, %add3A_409 : i32
      %add3A_411 = arith.constant 16 : i32
      %add3A_412 = arith.addi %add3A_410, %add3A_411 : i32
      %swap3A_413 = arith.index_cast %add3A_412 : i32 to index
      %swap3A_414 = tpu.vector_load %arg7[%swap3A_413] {strides = array<i32>} : memref<65536xf32, #tpu.memory_space<vmem>>, vector<16xf32>,
      tpu.vector_store %arg7[%swap3A_413], %gather3A_315 {strides = array<i32>} : memref<65536xf32, #tpu.memory_space<vmem>>, vector<16xf32>,
      %broadcast_in_dim3A_415 = arith.constant 2 : i32
      %broadcast_in_dim3A_416 = vector.broadcast %broadcast_in_dim3A_415 : i32 to vector<16x1xi32>
      %gather3A_417 = vector.shape_cast %broadcast_in_dim3A_416 : vector<16x1xi32> to vector<16xi32>
      %gather3A_418 = tpu.dynamic_gather %mul3A_184[%gather3A_417] in [0] : vector<16xi32>, vector<16xi32> -> vector<16xi32>
      %add3A_419 = arith.constant 0 : i32
      %add3A_420 = vector.broadcast %add3A_419 : i32 to vector<16xi32>
      %add3A_421 = arith.addi %add3A_420, %iota3A : vector<16xi32>
      %add3A_422 = arith.addi %gather3A_418, %add3A_421 : vector<16xi32>
      %gather3A_423 = tpu.vector_load_idx %arg6[%add3A_422] : memref<1728xf32, #tpu.memory_space<vmem>>[vector<16xi32>], vector<16xf32>,
      %add3A_424 = arith.constant 16 : i32
      %add3A_425 = vector.broadcast %add3A_424 : i32 to vector<16xi32>
      %add3A_426 = arith.addi %add3A_425, %iota3A : vector<16xi32>
      %add3A_427 = arith.addi %gather3A_418, %add3A_426 : vector<16xi32>
      %gather3A_428 = tpu.vector_load_idx %arg6[%add3A_427] : memref<1728xf32, #tpu.memory_space<vmem>>[vector<16xi32>], vector<16xf32>,
      %broadcast_in_dim3A_429 = arith.constant 2 : i32
      %broadcast_in_dim3A_430 = vector.broadcast %broadcast_in_dim3A_429 : i32 to vector<16x1xi32>
      %gather3A_431 = vector.shape_cast %broadcast_in_dim3A_430 : vector<16x1xi32> to vector<16xi32>
      %gather3A_432 = tpu.dynamic_gather %mul3A_190[%gather3A_431] in [0] : vector<16xi32>, vector<16xi32> -> vector<16xi32>
      %add3A_433 = arith.constant 0 : i32
      %add3A_434 = vector.broadcast %add3A_433 : i32 to vector<16xi32>
      %add3A_435 = arith.addi %add3A_434, %iota3A : vector<16xi32>
      %add3A_436 = arith.addi %gather3A_432, %add3A_435 : vector<16xi32>
      %gather3A_437 = tpu.vector_load_idx %arg6[%add3A_436] : memref<1728xf32, #tpu.memory_space<vmem>>[vector<16xi32>], vector<16xf32>,
      %add3A_438 = arith.constant 16 : i32
      %add3A_439 = vector.broadcast %add3A_438 : i32 to vector<16xi32>
      %add3A_440 = arith.addi %add3A_439, %iota3A : vector<16xi32>
      %add3A_441 = arith.addi %gather3A_432, %add3A_440 : vector<16xi32>
      %gather3A_442 = tpu.vector_load_idx %arg6[%add3A_441] : memref<1728xf32, #tpu.memory_space<vmem>>[vector<16xi32>], vector<16xf32>,
      %broadcast_in_dim3A_443 = arith.constant 2 : i32
      %broadcast_in_dim3A_444 = vector.broadcast %broadcast_in_dim3A_443 : i32 to vector<16x1xi32>
      %gather3A_445 = vector.shape_cast %broadcast_in_dim3A_444 : vector<16x1xi32> to vector<16xi32>
      %gather3A_446 = tpu.dynamic_gather %mul3A_196[%gather3A_445] in [0] : vector<16xi32>, vector<16xi32> -> vector<16xi32>
      %add3A_447 = arith.constant 0 : i32
      %add3A_448 = vector.broadcast %add3A_447 : i32 to vector<16xi32>
      %add3A_449 = arith.addi %add3A_448, %iota3A : vector<16xi32>
      %add3A_450 = arith.addi %gather3A_446, %add3A_449 : vector<16xi32>
      %gather3A_451 = tpu.vector_load_idx %arg6[%add3A_450] : memref<1728xf32, #tpu.memory_space<vmem>>[vector<16xi32>], vector<16xf32>,
      %add3A_452 = arith.constant 16 : i32
      %add3A_453 = vector.broadcast %add3A_452 : i32 to vector<16xi32>
      %add3A_454 = arith.addi %add3A_453, %iota3A : vector<16xi32>
      %add3A_455 = arith.addi %gather3A_446, %add3A_454 : vector<16xi32>
      %gather3A_456 = tpu.vector_load_idx %arg6[%add3A_455] : memref<1728xf32, #tpu.memory_space<vmem>>[vector<16xi32>], vector<16xf32>,
      %broadcast_in_dim3A_457 = arith.constant 2 : i32
      %broadcast_in_dim3A_458 = vector.broadcast %broadcast_in_dim3A_457 : i32 to vector<16x1xi32>
      %gather3A_459 = vector.shape_cast %broadcast_in_dim3A_458 : vector<16x1xi32> to vector<16xi32>
      %gather3A_460 = tpu.dynamic_gather %mul3A_202[%gather3A_459] in [0] : vector<16xi32>, vector<16xi32> -> vector<16xi32>
      %add3A_461 = arith.constant 0 : i32
      %add3A_462 = vector.broadcast %add3A_461 : i32 to vector<16xi32>
      %add3A_463 = arith.addi %add3A_462, %iota3A : vector<16xi32>
      %add3A_464 = arith.addi %gather3A_460, %add3A_463 : vector<16xi32>
      %gather3A_465 = tpu.vector_load_idx %arg6[%add3A_464] : memref<1728xf32, #tpu.memory_space<vmem>>[vector<16xi32>], vector<16xf32>,
      %add3A_466 = arith.constant 16 : i32
      %add3A_467 = vector.broadcast %add3A_466 : i32 to vector<16xi32>
      %add3A_468 = arith.addi %add3A_467, %iota3A : vector<16xi32>
      %add3A_469 = arith.addi %gather3A_460, %add3A_468 : vector<16xi32>
      %gather3A_470 = tpu.vector_load_idx %arg6[%add3A_469] : memref<1728xf32, #tpu.memory_space<vmem>>[vector<16xi32>], vector<16xf32>,
      %broadcast_in_dim3A_471 = arith.constant 3 : i32
      %broadcast_in_dim3A_472 = vector.broadcast %broadcast_in_dim3A_471 : i32 to vector<16x1xi32>
      %gather3A_473 = vector.shape_cast %broadcast_in_dim3A_472 : vector<16x1xi32> to vector<16xi32>
      %gather3A_474 = tpu.dynamic_gather %mul3A_184[%gather3A_473] in [0] : vector<16xi32>, vector<16xi32> -> vector<16xi32>
      %add3A_475 = arith.constant 0 : i32
      %add3A_476 = vector.broadcast %add3A_475 : i32 to vector<16xi32>
      %add3A_477 = arith.addi %add3A_476, %iota3A : vector<16xi32>
      %add3A_478 = arith.addi %gather3A_474, %add3A_477 : vector<16xi32>
      %gather3A_479 = tpu.vector_load_idx %arg6[%add3A_478] : memref<1728xf32, #tpu.memory_space<vmem>>[vector<16xi32>], vector<16xf32>,
      %add3A_480 = arith.constant 16 : i32
      %add3A_481 = vector.broadcast %add3A_480 : i32 to vector<16xi32>
      %add3A_482 = arith.addi %add3A_481, %iota3A : vector<16xi32>
      %add3A_483 = arith.addi %gather3A_474, %add3A_482 : vector<16xi32>
      %gather3A_484 = tpu.vector_load_idx %arg6[%add3A_483] : memref<1728xf32, #tpu.memory_space<vmem>>[vector<16xi32>], vector<16xf32>,
      %broadcast_in_dim3A_485 = arith.constant 3 : i32
      %broadcast_in_dim3A_486 = vector.broadcast %broadcast_in_dim3A_485 : i32 to vector<16x1xi32>
      %gather3A_487 = vector.shape_cast %broadcast_in_dim3A_486 : vector<16x1xi32> to vector<16xi32>
      %gather3A_488 = tpu.dynamic_gather %mul3A_190[%gather3A_487] in [0] : vector<16xi32>, vector<16xi32> -> vector<16xi32>
      %add3A_489 = arith.constant 0 : i32
      %add3A_490 = vector.broadcast %add3A_489 : i32 to vector<16xi32>
      %add3A_491 = arith.addi %add3A_490, %iota3A : vector<16xi32>
      %add3A_492 = arith.addi %gather3A_488, %add3A_491 : vector<16xi32>
      %gather3A_493 = tpu.vector_load_idx %arg6[%add3A_492] : memref<1728xf32, #tpu.memory_space<vmem>>[vector<16xi32>], vector<16xf32>,
      %add3A_494 = arith.constant 16 : i32
      %add3A_495 = vector.broadcast %add3A_494 : i32 to vector<16xi32>
      %add3A_496 = arith.addi %add3A_495, %iota3A : vector<16xi32>
      %add3A_497 = arith.addi %gather3A_488, %add3A_496 : vector<16xi32>
      %gather3A_498 = tpu.vector_load_idx %arg6[%add3A_497] : memref<1728xf32, #tpu.memory_space<vmem>>[vector<16xi32>], vector<16xf32>,
      %broadcast_in_dim3A_499 = arith.constant 3 : i32
      %broadcast_in_dim3A_500 = vector.broadcast %broadcast_in_dim3A_499 : i32 to vector<16x1xi32>
      %gather3A_501 = vector.shape_cast %broadcast_in_dim3A_500 : vector<16x1xi32> to vector<16xi32>
      %gather3A_502 = tpu.dynamic_gather %mul3A_196[%gather3A_501] in [0] : vector<16xi32>, vector<16xi32> -> vector<16xi32>
      %add3A_503 = arith.constant 0 : i32
      %add3A_504 = vector.broadcast %add3A_503 : i32 to vector<16xi32>
      %add3A_505 = arith.addi %add3A_504, %iota3A : vector<16xi32>
      %add3A_506 = arith.addi %gather3A_502, %add3A_505 : vector<16xi32>
      %gather3A_507 = tpu.vector_load_idx %arg6[%add3A_506] : memref<1728xf32, #tpu.memory_space<vmem>>[vector<16xi32>], vector<16xf32>,
      %add3A_508 = arith.constant 16 : i32
      %add3A_509 = vector.broadcast %add3A_508 : i32 to vector<16xi32>
      %add3A_510 = arith.addi %add3A_509, %iota3A : vector<16xi32>
      %add3A_511 = arith.addi %gather3A_502, %add3A_510 : vector<16xi32>
      %gather3A_512 = tpu.vector_load_idx %arg6[%add3A_511] : memref<1728xf32, #tpu.memory_space<vmem>>[vector<16xi32>], vector<16xf32>,
      %broadcast_in_dim3A_513 = arith.constant 3 : i32
      %broadcast_in_dim3A_514 = vector.broadcast %broadcast_in_dim3A_513 : i32 to vector<16x1xi32>
      %gather3A_515 = vector.shape_cast %broadcast_in_dim3A_514 : vector<16x1xi32> to vector<16xi32>
      %gather3A_516 = tpu.dynamic_gather %mul3A_202[%gather3A_515] in [0] : vector<16xi32>, vector<16xi32> -> vector<16xi32>
      %add3A_517 = arith.constant 0 : i32
      %add3A_518 = vector.broadcast %add3A_517 : i32 to vector<16xi32>
      %add3A_519 = arith.addi %add3A_518, %iota3A : vector<16xi32>
      %add3A_520 = arith.addi %gather3A_516, %add3A_519 : vector<16xi32>
      %gather3A_521 = tpu.vector_load_idx %arg6[%add3A_520] : memref<1728xf32, #tpu.memory_space<vmem>>[vector<16xi32>], vector<16xf32>,
      %add3A_522 = arith.constant 16 : i32
      %add3A_523 = vector.broadcast %add3A_522 : i32 to vector<16xi32>
      %add3A_524 = arith.addi %add3A_523, %iota3A : vector<16xi32>
      %add3A_525 = arith.addi %gather3A_516, %add3A_524 : vector<16xi32>
      %gather3A_526 = tpu.vector_load_idx %arg6[%add3A_525] : memref<1728xf32, #tpu.memory_space<vmem>>[vector<16xi32>], vector<16xf32>,
      %add3A_527 = arith.constant 256 : i32
      %add3A_528 = arith.addi %mul3A_204, %add3A_527 : i32
      %add3A_529 = arith.constant 0 : i32
      %add3A_530 = arith.addi %add3A_528, %add3A_529 : i32
      %add3A_531 = arith.constant 0 : i32
      %add3A_532 = arith.addi %add3A_530, %add3A_531 : i32
      %swap3A_533 = arith.index_cast %add3A_532 : i32 to index
      %swap3A_534 = tpu.vector_load %arg7[%swap3A_533] {strides = array<i32>} : memref<65536xf32, #tpu.memory_space<vmem>>, vector<16xf32>,
      tpu.vector_store %arg7[%swap3A_533], %gather3A_423 {strides = array<i32>} : memref<65536xf32, #tpu.memory_space<vmem>>, vector<16xf32>,
      %add3A_535 = arith.constant 0 : i32
      %add3A_536 = arith.addi %add3A_528, %add3A_535 : i32
      %add3A_537 = arith.constant 16 : i32
      %add3A_538 = arith.addi %add3A_536, %add3A_537 : i32
      %swap3A_539 = arith.index_cast %add3A_538 : i32 to index
      %swap3A_540 = tpu.vector_load %arg7[%swap3A_539] {strides = array<i32>} : memref<65536xf32, #tpu.memory_space<vmem>>, vector<16xf32>,
      tpu.vector_store %arg7[%swap3A_539], %gather3A_428 {strides = array<i32>} : memref<65536xf32, #tpu.memory_space<vmem>>, vector<16xf32>,
      %add3A_541 = arith.constant 32 : i32
      %add3A_542 = arith.addi %add3A_528, %add3A_541 : i32
      %add3A_543 = arith.constant 0 : i32
      %add3A_544 = arith.addi %add3A_542, %add3A_543 : i32
      %swap3A_545 = arith.index_cast %add3A_544 : i32 to index
      %swap3A_546 = tpu.vector_load %arg7[%swap3A_545] {strides = array<i32>} : memref<65536xf32, #tpu.memory_space<vmem>>, vector<16xf32>,
      tpu.vector_store %arg7[%swap3A_545], %gather3A_437 {strides = array<i32>} : memref<65536xf32, #tpu.memory_space<vmem>>, vector<16xf32>,
      %add3A_547 = arith.constant 32 : i32
      %add3A_548 = arith.addi %add3A_528, %add3A_547 : i32
      %add3A_549 = arith.constant 16 : i32
      %add3A_550 = arith.addi %add3A_548, %add3A_549 : i32
      %swap3A_551 = arith.index_cast %add3A_550 : i32 to index
      %swap3A_552 = tpu.vector_load %arg7[%swap3A_551] {strides = array<i32>} : memref<65536xf32, #tpu.memory_space<vmem>>, vector<16xf32>,
      tpu.vector_store %arg7[%swap3A_551], %gather3A_442 {strides = array<i32>} : memref<65536xf32, #tpu.memory_space<vmem>>, vector<16xf32>,
      %add3A_553 = arith.constant 64 : i32
      %add3A_554 = arith.addi %add3A_528, %add3A_553 : i32
      %add3A_555 = arith.constant 0 : i32
      %add3A_556 = arith.addi %add3A_554, %add3A_555 : i32
      %swap3A_557 = arith.index_cast %add3A_556 : i32 to index
      %swap3A_558 = tpu.vector_load %arg7[%swap3A_557] {strides = array<i32>} : memref<65536xf32, #tpu.memory_space<vmem>>, vector<16xf32>,
      tpu.vector_store %arg7[%swap3A_557], %gather3A_451 {strides = array<i32>} : memref<65536xf32, #tpu.memory_space<vmem>>, vector<16xf32>,
      %add3A_559 = arith.constant 64 : i32
      %add3A_560 = arith.addi %add3A_528, %add3A_559 : i32
      %add3A_561 = arith.constant 16 : i32
      %add3A_562 = arith.addi %add3A_560, %add3A_561 : i32
      %swap3A_563 = arith.index_cast %add3A_562 : i32 to index
      %swap3A_564 = tpu.vector_load %arg7[%swap3A_563] {strides = array<i32>} : memref<65536xf32, #tpu.memory_space<vmem>>, vector<16xf32>,
      tpu.vector_store %arg7[%swap3A_563], %gather3A_456 {strides = array<i32>} : memref<65536xf32, #tpu.memory_space<vmem>>, vector<16xf32>,
      %add3A_565 = arith.constant 96 : i32
      %add3A_566 = arith.addi %add3A_528, %add3A_565 : i32
      %add3A_567 = arith.constant 0 : i32
      %add3A_568 = arith.addi %add3A_566, %add3A_567 : i32
      %swap3A_569 = arith.index_cast %add3A_568 : i32 to index
      %swap3A_570 = tpu.vector_load %arg7[%swap3A_569] {strides = array<i32>} : memref<65536xf32, #tpu.memory_space<vmem>>, vector<16xf32>,
      tpu.vector_store %arg7[%swap3A_569], %gather3A_465 {strides = array<i32>} : memref<65536xf32, #tpu.memory_space<vmem>>, vector<16xf32>,
      %add3A_571 = arith.constant 96 : i32
      %add3A_572 = arith.addi %add3A_528, %add3A_571 : i32
      %add3A_573 = arith.constant 16 : i32
      %add3A_574 = arith.addi %add3A_572, %add3A_573 : i32
      %swap3A_575 = arith.index_cast %add3A_574 : i32 to index
      %swap3A_576 = tpu.vector_load %arg7[%swap3A_575] {strides = array<i32>} : memref<65536xf32, #tpu.memory_space<vmem>>, vector<16xf32>,
      tpu.vector_store %arg7[%swap3A_575], %gather3A_470 {strides = array<i32>} : memref<65536xf32, #tpu.memory_space<vmem>>, vector<16xf32>,
      %add3A_577 = arith.constant 384 : i32
      %add3A_578 = arith.addi %mul3A_204, %add3A_577 : i32
      %add3A_579 = arith.constant 0 : i32
      %add3A_580 = arith.addi %add3A_578, %add3A_579 : i32
      %add3A_581 = arith.constant 0 : i32
      %add3A_582 = arith.addi %add3A_580, %add3A_581 : i32
      %swap3A_583 = arith.index_cast %add3A_582 : i32 to index
      %swap3A_584 = tpu.vector_load %arg7[%swap3A_583] {strides = array<i32>} : memref<65536xf32, #tpu.memory_space<vmem>>, vector<16xf32>,
      tpu.vector_store %arg7[%swap3A_583], %gather3A_479 {strides = array<i32>} : memref<65536xf32, #tpu.memory_space<vmem>>, vector<16xf32>,
      %add3A_585 = arith.constant 0 : i32
      %add3A_586 = arith.addi %add3A_578, %add3A_585 : i32
      %add3A_587 = arith.constant 16 : i32
      %add3A_588 = arith.addi %add3A_586, %add3A_587 : i32
      %swap3A_589 = arith.index_cast %add3A_588 : i32 to index
      %swap3A_590 = tpu.vector_load %arg7[%swap3A_589] {strides = array<i32>} : memref<65536xf32, #tpu.memory_space<vmem>>, vector<16xf32>,
      tpu.vector_store %arg7[%swap3A_589], %gather3A_484 {strides = array<i32>} : memref<65536xf32, #tpu.memory_space<vmem>>, vector<16xf32>,
      %add3A_591 = arith.constant 32 : i32
      %add3A_592 = arith.addi %add3A_578, %add3A_591 : i32
      %add3A_593 = arith.constant 0 : i32
      %add3A_594 = arith.addi %add3A_592, %add3A_593 : i32
      %swap3A_595 = arith.index_cast %add3A_594 : i32 to index
      %swap3A_596 = tpu.vector_load %arg7[%swap3A_595] {strides = array<i32>} : memref<65536xf32, #tpu.memory_space<vmem>>, vector<16xf32>,
      tpu.vector_store %arg7[%swap3A_595], %gather3A_493 {strides = array<i32>} : memref<65536xf32, #tpu.memory_space<vmem>>, vector<16xf32>,
      %add3A_597 = arith.constant 32 : i32
      %add3A_598 = arith.addi %add3A_578, %add3A_597 : i32
      %add3A_599 = arith.constant 16 : i32
      %add3A_600 = arith.addi %add3A_598, %add3A_599 : i32
      %swap3A_601 = arith.index_cast %add3A_600 : i32 to index
      %swap3A_602 = tpu.vector_load %arg7[%swap3A_601] {strides = array<i32>} : memref<65536xf32, #tpu.memory_space<vmem>>, vector<16xf32>,
      tpu.vector_store %arg7[%swap3A_601], %gather3A_498 {strides = array<i32>} : memref<65536xf32, #tpu.memory_space<vmem>>, vector<16xf32>,
      %add3A_603 = arith.constant 64 : i32
      %add3A_604 = arith.addi %add3A_578, %add3A_603 : i32
      %add3A_605 = arith.constant 0 : i32
      %add3A_606 = arith.addi %add3A_604, %add3A_605 : i32
      %swap3A_607 = arith.index_cast %add3A_606 : i32 to index
      %swap3A_608 = tpu.vector_load %arg7[%swap3A_607] {strides = array<i32>} : memref<65536xf32, #tpu.memory_space<vmem>>, vector<16xf32>,
      tpu.vector_store %arg7[%swap3A_607], %gather3A_507 {strides = array<i32>} : memref<65536xf32, #tpu.memory_space<vmem>>, vector<16xf32>,
      %add3A_609 = arith.constant 64 : i32
      %add3A_610 = arith.addi %add3A_578, %add3A_609 : i32
      %add3A_611 = arith.constant 16 : i32
      %add3A_612 = arith.addi %add3A_610, %add3A_611 : i32
      %swap3A_613 = arith.index_cast %add3A_612 : i32 to index
      %swap3A_614 = tpu.vector_load %arg7[%swap3A_613] {strides = array<i32>} : memref<65536xf32, #tpu.memory_space<vmem>>, vector<16xf32>,
      tpu.vector_store %arg7[%swap3A_613], %gather3A_512 {strides = array<i32>} : memref<65536xf32, #tpu.memory_space<vmem>>, vector<16xf32>,
      %add3A_615 = arith.constant 96 : i32
      %add3A_616 = arith.addi %add3A_578, %add3A_615 : i32
      %add3A_617 = arith.constant 0 : i32
      %add3A_618 = arith.addi %add3A_616, %add3A_617 : i32
      %swap3A_619 = arith.index_cast %add3A_618 : i32 to index
      %swap3A_620 = tpu.vector_load %arg7[%swap3A_619] {strides = array<i32>} : memref<65536xf32, #tpu.memory_space<vmem>>, vector<16xf32>,
      tpu.vector_store %arg7[%swap3A_619], %gather3A_521 {strides = array<i32>} : memref<65536xf32, #tpu.memory_space<vmem>>, vector<16xf32>,
      %add3A_621 = arith.constant 96 : i32
      %add3A_622 = arith.addi %add3A_578, %add3A_621 : i32
      %add3A_623 = arith.constant 16 : i32
      %add3A_624 = arith.addi %add3A_622, %add3A_623 : i32
      %swap3A_625 = arith.index_cast %add3A_624 : i32 to index
      %swap3A_626 = tpu.vector_load %arg7[%swap3A_625] {strides = array<i32>} : memref<65536xf32, #tpu.memory_space<vmem>>, vector<16xf32>,
      tpu.vector_store %arg7[%swap3A_625], %gather3A_526 {strides = array<i32>} : memref<65536xf32, #tpu.memory_space<vmem>>, vector<16xf32>,
      %broadcast_in_dim3A_627 = arith.constant 4 : i32
      %broadcast_in_dim3A_628 = vector.broadcast %broadcast_in_dim3A_627 : i32 to vector<16x1xi32>
      %gather3A_629 = vector.shape_cast %broadcast_in_dim3A_628 : vector<16x1xi32> to vector<16xi32>
      %gather3A_630 = tpu.dynamic_gather %mul3A_184[%gather3A_629] in [0] : vector<16xi32>, vector<16xi32> -> vector<16xi32>
      %add3A_631 = arith.constant 0 : i32
      %add3A_632 = vector.broadcast %add3A_631 : i32 to vector<16xi32>
      %add3A_633 = arith.addi %add3A_632, %iota3A : vector<16xi32>
      %add3A_634 = arith.addi %gather3A_630, %add3A_633 : vector<16xi32>
      %gather3A_635 = tpu.vector_load_idx %arg6[%add3A_634] : memref<1728xf32, #tpu.memory_space<vmem>>[vector<16xi32>], vector<16xf32>,
      %add3A_636 = arith.constant 16 : i32
      %add3A_637 = vector.broadcast %add3A_636 : i32 to vector<16xi32>
      %add3A_638 = arith.addi %add3A_637, %iota3A : vector<16xi32>
      %add3A_639 = arith.addi %gather3A_630, %add3A_638 : vector<16xi32>
      %gather3A_640 = tpu.vector_load_idx %arg6[%add3A_639] : memref<1728xf32, #tpu.memory_space<vmem>>[vector<16xi32>], vector<16xf32>,
      %broadcast_in_dim3A_641 = arith.constant 4 : i32
      %broadcast_in_dim3A_642 = vector.broadcast %broadcast_in_dim3A_641 : i32 to vector<16x1xi32>
      %gather3A_643 = vector.shape_cast %broadcast_in_dim3A_642 : vector<16x1xi32> to vector<16xi32>
      %gather3A_644 = tpu.dynamic_gather %mul3A_190[%gather3A_643] in [0] : vector<16xi32>, vector<16xi32> -> vector<16xi32>
      %add3A_645 = arith.constant 0 : i32
      %add3A_646 = vector.broadcast %add3A_645 : i32 to vector<16xi32>
      %add3A_647 = arith.addi %add3A_646, %iota3A : vector<16xi32>
      %add3A_648 = arith.addi %gather3A_644, %add3A_647 : vector<16xi32>
      %gather3A_649 = tpu.vector_load_idx %arg6[%add3A_648] : memref<1728xf32, #tpu.memory_space<vmem>>[vector<16xi32>], vector<16xf32>,
      %add3A_650 = arith.constant 16 : i32
      %add3A_651 = vector.broadcast %add3A_650 : i32 to vector<16xi32>
      %add3A_652 = arith.addi %add3A_651, %iota3A : vector<16xi32>
      %add3A_653 = arith.addi %gather3A_644, %add3A_652 : vector<16xi32>
      %gather3A_654 = tpu.vector_load_idx %arg6[%add3A_653] : memref<1728xf32, #tpu.memory_space<vmem>>[vector<16xi32>], vector<16xf32>,
      %broadcast_in_dim3A_655 = arith.constant 4 : i32
      %broadcast_in_dim3A_656 = vector.broadcast %broadcast_in_dim3A_655 : i32 to vector<16x1xi32>
      %gather3A_657 = vector.shape_cast %broadcast_in_dim3A_656 : vector<16x1xi32> to vector<16xi32>
      %gather3A_658 = tpu.dynamic_gather %mul3A_196[%gather3A_657] in [0] : vector<16xi32>, vector<16xi32> -> vector<16xi32>
      %add3A_659 = arith.constant 0 : i32
      %add3A_660 = vector.broadcast %add3A_659 : i32 to vector<16xi32>
      %add3A_661 = arith.addi %add3A_660, %iota3A : vector<16xi32>
      %add3A_662 = arith.addi %gather3A_658, %add3A_661 : vector<16xi32>
      %gather3A_663 = tpu.vector_load_idx %arg6[%add3A_662] : memref<1728xf32, #tpu.memory_space<vmem>>[vector<16xi32>], vector<16xf32>,
      %add3A_664 = arith.constant 16 : i32
      %add3A_665 = vector.broadcast %add3A_664 : i32 to vector<16xi32>
      %add3A_666 = arith.addi %add3A_665, %iota3A : vector<16xi32>
      %add3A_667 = arith.addi %gather3A_658, %add3A_666 : vector<16xi32>
      %gather3A_668 = tpu.vector_load_idx %arg6[%add3A_667] : memref<1728xf32, #tpu.memory_space<vmem>>[vector<16xi32>], vector<16xf32>,
      %broadcast_in_dim3A_669 = arith.constant 4 : i32
      %broadcast_in_dim3A_670 = vector.broadcast %broadcast_in_dim3A_669 : i32 to vector<16x1xi32>
      %gather3A_671 = vector.shape_cast %broadcast_in_dim3A_670 : vector<16x1xi32> to vector<16xi32>
      %gather3A_672 = tpu.dynamic_gather %mul3A_202[%gather3A_671] in [0] : vector<16xi32>, vector<16xi32> -> vector<16xi32>
      %add3A_673 = arith.constant 0 : i32
      %add3A_674 = vector.broadcast %add3A_673 : i32 to vector<16xi32>
      %add3A_675 = arith.addi %add3A_674, %iota3A : vector<16xi32>
      %add3A_676 = arith.addi %gather3A_672, %add3A_675 : vector<16xi32>
      %gather3A_677 = tpu.vector_load_idx %arg6[%add3A_676] : memref<1728xf32, #tpu.memory_space<vmem>>[vector<16xi32>], vector<16xf32>,
      %add3A_678 = arith.constant 16 : i32
      %add3A_679 = vector.broadcast %add3A_678 : i32 to vector<16xi32>
      %add3A_680 = arith.addi %add3A_679, %iota3A : vector<16xi32>
      %add3A_681 = arith.addi %gather3A_672, %add3A_680 : vector<16xi32>
      %gather3A_682 = tpu.vector_load_idx %arg6[%add3A_681] : memref<1728xf32, #tpu.memory_space<vmem>>[vector<16xi32>], vector<16xf32>,
      %broadcast_in_dim3A_683 = arith.constant 5 : i32
      %broadcast_in_dim3A_684 = vector.broadcast %broadcast_in_dim3A_683 : i32 to vector<16x1xi32>
      %gather3A_685 = vector.shape_cast %broadcast_in_dim3A_684 : vector<16x1xi32> to vector<16xi32>
      %gather3A_686 = tpu.dynamic_gather %mul3A_184[%gather3A_685] in [0] : vector<16xi32>, vector<16xi32> -> vector<16xi32>
      %add3A_687 = arith.constant 0 : i32
      %add3A_688 = vector.broadcast %add3A_687 : i32 to vector<16xi32>
      %add3A_689 = arith.addi %add3A_688, %iota3A : vector<16xi32>
      %add3A_690 = arith.addi %gather3A_686, %add3A_689 : vector<16xi32>
      %gather3A_691 = tpu.vector_load_idx %arg6[%add3A_690] : memref<1728xf32, #tpu.memory_space<vmem>>[vector<16xi32>], vector<16xf32>,
      %add3A_692 = arith.constant 16 : i32
      %add3A_693 = vector.broadcast %add3A_692 : i32 to vector<16xi32>
      %add3A_694 = arith.addi %add3A_693, %iota3A : vector<16xi32>
      %add3A_695 = arith.addi %gather3A_686, %add3A_694 : vector<16xi32>
      %gather3A_696 = tpu.vector_load_idx %arg6[%add3A_695] : memref<1728xf32, #tpu.memory_space<vmem>>[vector<16xi32>], vector<16xf32>,
      %broadcast_in_dim3A_697 = arith.constant 5 : i32
      %broadcast_in_dim3A_698 = vector.broadcast %broadcast_in_dim3A_697 : i32 to vector<16x1xi32>
      %gather3A_699 = vector.shape_cast %broadcast_in_dim3A_698 : vector<16x1xi32> to vector<16xi32>
      %gather3A_700 = tpu.dynamic_gather %mul3A_190[%gather3A_699] in [0] : vector<16xi32>, vector<16xi32> -> vector<16xi32>
      %add3A_701 = arith.constant 0 : i32
      %add3A_702 = vector.broadcast %add3A_701 : i32 to vector<16xi32>
      %add3A_703 = arith.addi %add3A_702, %iota3A : vector<16xi32>
      %add3A_704 = arith.addi %gather3A_700, %add3A_703 : vector<16xi32>
      %gather3A_705 = tpu.vector_load_idx %arg6[%add3A_704] : memref<1728xf32, #tpu.memory_space<vmem>>[vector<16xi32>], vector<16xf32>,
      %add3A_706 = arith.constant 16 : i32
      %add3A_707 = vector.broadcast %add3A_706 : i32 to vector<16xi32>
      %add3A_708 = arith.addi %add3A_707, %iota3A : vector<16xi32>
      %add3A_709 = arith.addi %gather3A_700, %add3A_708 : vector<16xi32>
      %gather3A_710 = tpu.vector_load_idx %arg6[%add3A_709] : memref<1728xf32, #tpu.memory_space<vmem>>[vector<16xi32>], vector<16xf32>,
      %broadcast_in_dim3A_711 = arith.constant 5 : i32
      %broadcast_in_dim3A_712 = vector.broadcast %broadcast_in_dim3A_711 : i32 to vector<16x1xi32>
      %gather3A_713 = vector.shape_cast %broadcast_in_dim3A_712 : vector<16x1xi32> to vector<16xi32>
      %gather3A_714 = tpu.dynamic_gather %mul3A_196[%gather3A_713] in [0] : vector<16xi32>, vector<16xi32> -> vector<16xi32>
      %add3A_715 = arith.constant 0 : i32
      %add3A_716 = vector.broadcast %add3A_715 : i32 to vector<16xi32>
      %add3A_717 = arith.addi %add3A_716, %iota3A : vector<16xi32>
      %add3A_718 = arith.addi %gather3A_714, %add3A_717 : vector<16xi32>
      %gather3A_719 = tpu.vector_load_idx %arg6[%add3A_718] : memref<1728xf32, #tpu.memory_space<vmem>>[vector<16xi32>], vector<16xf32>,
      %add3A_720 = arith.constant 16 : i32
      %add3A_721 = vector.broadcast %add3A_720 : i32 to vector<16xi32>
      %add3A_722 = arith.addi %add3A_721, %iota3A : vector<16xi32>
      %add3A_723 = arith.addi %gather3A_714, %add3A_722 : vector<16xi32>
      %gather3A_724 = tpu.vector_load_idx %arg6[%add3A_723] : memref<1728xf32, #tpu.memory_space<vmem>>[vector<16xi32>], vector<16xf32>,
      %broadcast_in_dim3A_725 = arith.constant 5 : i32
      %broadcast_in_dim3A_726 = vector.broadcast %broadcast_in_dim3A_725 : i32 to vector<16x1xi32>
      %gather3A_727 = vector.shape_cast %broadcast_in_dim3A_726 : vector<16x1xi32> to vector<16xi32>
      %gather3A_728 = tpu.dynamic_gather %mul3A_202[%gather3A_727] in [0] : vector<16xi32>, vector<16xi32> -> vector<16xi32>
      %add3A_729 = arith.constant 0 : i32
      %add3A_730 = vector.broadcast %add3A_729 : i32 to vector<16xi32>
      %add3A_731 = arith.addi %add3A_730, %iota3A : vector<16xi32>
      %add3A_732 = arith.addi %gather3A_728, %add3A_731 : vector<16xi32>
      %gather3A_733 = tpu.vector_load_idx %arg6[%add3A_732] : memref<1728xf32, #tpu.memory_space<vmem>>[vector<16xi32>], vector<16xf32>,
      %add3A_734 = arith.constant 16 : i32
      %add3A_735 = vector.broadcast %add3A_734 : i32 to vector<16xi32>
      %add3A_736 = arith.addi %add3A_735, %iota3A : vector<16xi32>
      %add3A_737 = arith.addi %gather3A_728, %add3A_736 : vector<16xi32>
      %gather3A_738 = tpu.vector_load_idx %arg6[%add3A_737] : memref<1728xf32, #tpu.memory_space<vmem>>[vector<16xi32>], vector<16xf32>,
      %add3A_739 = arith.constant 512 : i32
      %add3A_740 = arith.addi %mul3A_204, %add3A_739 : i32
      %add3A_741 = arith.constant 0 : i32
      %add3A_742 = arith.addi %add3A_740, %add3A_741 : i32
      %add3A_743 = arith.constant 0 : i32
      %add3A_744 = arith.addi %add3A_742, %add3A_743 : i32
      %swap3A_745 = arith.index_cast %add3A_744 : i32 to index
      %swap3A_746 = tpu.vector_load %arg7[%swap3A_745] {strides = array<i32>} : memref<65536xf32, #tpu.memory_space<vmem>>, vector<16xf32>,
      tpu.vector_store %arg7[%swap3A_745], %gather3A_635 {strides = array<i32>} : memref<65536xf32, #tpu.memory_space<vmem>>, vector<16xf32>,
      %add3A_747 = arith.constant 0 : i32
      %add3A_748 = arith.addi %add3A_740, %add3A_747 : i32
      %add3A_749 = arith.constant 16 : i32
      %add3A_750 = arith.addi %add3A_748, %add3A_749 : i32
      %swap3A_751 = arith.index_cast %add3A_750 : i32 to index
      %swap3A_752 = tpu.vector_load %arg7[%swap3A_751] {strides = array<i32>} : memref<65536xf32, #tpu.memory_space<vmem>>, vector<16xf32>,
      tpu.vector_store %arg7[%swap3A_751], %gather3A_640 {strides = array<i32>} : memref<65536xf32, #tpu.memory_space<vmem>>, vector<16xf32>,
      %add3A_753 = arith.constant 32 : i32
      %add3A_754 = arith.addi %add3A_740, %add3A_753 : i32
      %add3A_755 = arith.constant 0 : i32
      %add3A_756 = arith.addi %add3A_754, %add3A_755 : i32
      %swap3A_757 = arith.index_cast %add3A_756 : i32 to index
      %swap3A_758 = tpu.vector_load %arg7[%swap3A_757] {strides = array<i32>} : memref<65536xf32, #tpu.memory_space<vmem>>, vector<16xf32>,
      tpu.vector_store %arg7[%swap3A_757], %gather3A_649 {strides = array<i32>} : memref<65536xf32, #tpu.memory_space<vmem>>, vector<16xf32>,
      %add3A_759 = arith.constant 32 : i32
      %add3A_760 = arith.addi %add3A_740, %add3A_759 : i32
      %add3A_761 = arith.constant 16 : i32
      %add3A_762 = arith.addi %add3A_760, %add3A_761 : i32
      %swap3A_763 = arith.index_cast %add3A_762 : i32 to index
      %swap3A_764 = tpu.vector_load %arg7[%swap3A_763] {strides = array<i32>} : memref<65536xf32, #tpu.memory_space<vmem>>, vector<16xf32>,
      tpu.vector_store %arg7[%swap3A_763], %gather3A_654 {strides = array<i32>} : memref<65536xf32, #tpu.memory_space<vmem>>, vector<16xf32>,
      %add3A_765 = arith.constant 64 : i32
      %add3A_766 = arith.addi %add3A_740, %add3A_765 : i32
      %add3A_767 = arith.constant 0 : i32
      %add3A_768 = arith.addi %add3A_766, %add3A_767 : i32
      %swap3A_769 = arith.index_cast %add3A_768 : i32 to index
      %swap3A_770 = tpu.vector_load %arg7[%swap3A_769] {strides = array<i32>} : memref<65536xf32, #tpu.memory_space<vmem>>, vector<16xf32>,
      tpu.vector_store %arg7[%swap3A_769], %gather3A_663 {strides = array<i32>} : memref<65536xf32, #tpu.memory_space<vmem>>, vector<16xf32>,
      %add3A_771 = arith.constant 64 : i32
      %add3A_772 = arith.addi %add3A_740, %add3A_771 : i32
      %add3A_773 = arith.constant 16 : i32
      %add3A_774 = arith.addi %add3A_772, %add3A_773 : i32
      %swap3A_775 = arith.index_cast %add3A_774 : i32 to index
      %swap3A_776 = tpu.vector_load %arg7[%swap3A_775] {strides = array<i32>} : memref<65536xf32, #tpu.memory_space<vmem>>, vector<16xf32>,
      tpu.vector_store %arg7[%swap3A_775], %gather3A_668 {strides = array<i32>} : memref<65536xf32, #tpu.memory_space<vmem>>, vector<16xf32>,
      %add3A_777 = arith.constant 96 : i32
      %add3A_778 = arith.addi %add3A_740, %add3A_777 : i32
      %add3A_779 = arith.constant 0 : i32
      %add3A_780 = arith.addi %add3A_778, %add3A_779 : i32
      %swap3A_781 = arith.index_cast %add3A_780 : i32 to index
      %swap3A_782 = tpu.vector_load %arg7[%swap3A_781] {strides = array<i32>} : memref<65536xf32, #tpu.memory_space<vmem>>, vector<16xf32>,
      tpu.vector_store %arg7[%swap3A_781], %gather3A_677 {strides = array<i32>} : memref<65536xf32, #tpu.memory_space<vmem>>, vector<16xf32>,
      %add3A_783 = arith.constant 96 : i32
      %add3A_784 = arith.addi %add3A_740, %add3A_783 : i32
      %add3A_785 = arith.constant 16 : i32
      %add3A_786 = arith.addi %add3A_784, %add3A_785 : i32
      %swap3A_787 = arith.index_cast %add3A_786 : i32 to index
      %swap3A_788 = tpu.vector_load %arg7[%swap3A_787] {strides = array<i32>} : memref<65536xf32, #tpu.memory_space<vmem>>, vector<16xf32>,
      tpu.vector_store %arg7[%swap3A_787], %gather3A_682 {strides = array<i32>} : memref<65536xf32, #tpu.memory_space<vmem>>, vector<16xf32>,
      %add3A_789 = arith.constant 640 : i32
      %add3A_790 = arith.addi %mul3A_204, %add3A_789 : i32
      %add3A_791 = arith.constant 0 : i32
      %add3A_792 = arith.addi %add3A_790, %add3A_791 : i32
      %add3A_793 = arith.constant 0 : i32
      %add3A_794 = arith.addi %add3A_792, %add3A_793 : i32
      %swap3A_795 = arith.index_cast %add3A_794 : i32 to index
      %swap3A_796 = tpu.vector_load %arg7[%swap3A_795] {strides = array<i32>} : memref<65536xf32, #tpu.memory_space<vmem>>, vector<16xf32>,
      tpu.vector_store %arg7[%swap3A_795], %gather3A_691 {strides = array<i32>} : memref<65536xf32, #tpu.memory_space<vmem>>, vector<16xf32>,
      %add3A_797 = arith.constant 0 : i32
      %add3A_798 = arith.addi %add3A_790, %add3A_797 : i32
      %add3A_799 = arith.constant 16 : i32
      %add3A_800 = arith.addi %add3A_798, %add3A_799 : i32
      %swap3A_801 = arith.index_cast %add3A_800 : i32 to index
      %swap3A_802 = tpu.vector_load %arg7[%swap3A_801] {strides = array<i32>} : memref<65536xf32, #tpu.memory_space<vmem>>, vector<16xf32>,
      tpu.vector_store %arg7[%swap3A_801], %gather3A_696 {strides = array<i32>} : memref<65536xf32, #tpu.memory_space<vmem>>, vector<16xf32>,
      %add3A_803 = arith.constant 32 : i32
      %add3A_804 = arith.addi %add3A_790, %add3A_803 : i32
      %add3A_805 = arith.constant 0 : i32
      %add3A_806 = arith.addi %add3A_804, %add3A_805 : i32
      %swap3A_807 = arith.index_cast %add3A_806 : i32 to index
      %swap3A_808 = tpu.vector_load %arg7[%swap3A_807] {strides = array<i32>} : memref<65536xf32, #tpu.memory_space<vmem>>, vector<16xf32>,
      tpu.vector_store %arg7[%swap3A_807], %gather3A_705 {strides = array<i32>} : memref<65536xf32, #tpu.memory_space<vmem>>, vector<16xf32>,
      %add3A_809 = arith.constant 32 : i32
      %add3A_810 = arith.addi %add3A_790, %add3A_809 : i32
      %add3A_811 = arith.constant 16 : i32
      %add3A_812 = arith.addi %add3A_810, %add3A_811 : i32
      %swap3A_813 = arith.index_cast %add3A_812 : i32 to index
      %swap3A_814 = tpu.vector_load %arg7[%swap3A_813] {strides = array<i32>} : memref<65536xf32, #tpu.memory_space<vmem>>, vector<16xf32>,
      tpu.vector_store %arg7[%swap3A_813], %gather3A_710 {strides = array<i32>} : memref<65536xf32, #tpu.memory_space<vmem>>, vector<16xf32>,
      %add3A_815 = arith.constant 64 : i32
      %add3A_816 = arith.addi %add3A_790, %add3A_815 : i32
      %add3A_817 = arith.constant 0 : i32
      %add3A_818 = arith.addi %add3A_816, %add3A_817 : i32
      %swap3A_819 = arith.index_cast %add3A_818 : i32 to index
      %swap3A_820 = tpu.vector_load %arg7[%swap3A_819] {strides = array<i32>} : memref<65536xf32, #tpu.memory_space<vmem>>, vector<16xf32>,
      tpu.vector_store %arg7[%swap3A_819], %gather3A_719 {strides = array<i32>} : memref<65536xf32, #tpu.memory_space<vmem>>, vector<16xf32>,
      %add3A_821 = arith.constant 64 : i32
      %add3A_822 = arith.addi %add3A_790, %add3A_821 : i32
      %add3A_823 = arith.constant 16 : i32
      %add3A_824 = arith.addi %add3A_822, %add3A_823 : i32
      %swap3A_825 = arith.index_cast %add3A_824 : i32 to index
      %swap3A_826 = tpu.vector_load %arg7[%swap3A_825] {strides = array<i32>} : memref<65536xf32, #tpu.memory_space<vmem>>, vector<16xf32>,
      tpu.vector_store %arg7[%swap3A_825], %gather3A_724 {strides = array<i32>} : memref<65536xf32, #tpu.memory_space<vmem>>, vector<16xf32>,
      %add3A_827 = arith.constant 96 : i32
      %add3A_828 = arith.addi %add3A_790, %add3A_827 : i32
      %add3A_829 = arith.constant 0 : i32
      %add3A_830 = arith.addi %add3A_828, %add3A_829 : i32
      %swap3A_831 = arith.index_cast %add3A_830 : i32 to index
      %swap3A_832 = tpu.vector_load %arg7[%swap3A_831] {strides = array<i32>} : memref<65536xf32, #tpu.memory_space<vmem>>, vector<16xf32>,
      tpu.vector_store %arg7[%swap3A_831], %gather3A_733 {strides = array<i32>} : memref<65536xf32, #tpu.memory_space<vmem>>, vector<16xf32>,
      %add3A_833 = arith.constant 96 : i32
      %add3A_834 = arith.addi %add3A_790, %add3A_833 : i32
      %add3A_835 = arith.constant 16 : i32
      %add3A_836 = arith.addi %add3A_834, %add3A_835 : i32
      %swap3A_837 = arith.index_cast %add3A_836 : i32 to index
      %swap3A_838 = tpu.vector_load %arg7[%swap3A_837] {strides = array<i32>} : memref<65536xf32, #tpu.memory_space<vmem>>, vector<16xf32>,
      tpu.vector_store %arg7[%swap3A_837], %gather3A_738 {strides = array<i32>} : memref<65536xf32, #tpu.memory_space<vmem>>, vector<16xf32>,
      %broadcast_in_dim3A_839 = arith.constant 6 : i32
      %broadcast_in_dim3A_840 = vector.broadcast %broadcast_in_dim3A_839 : i32 to vector<16x1xi32>
      %gather3A_841 = vector.shape_cast %broadcast_in_dim3A_840 : vector<16x1xi32> to vector<16xi32>
      %gather3A_842 = tpu.dynamic_gather %mul3A_184[%gather3A_841] in [0] : vector<16xi32>, vector<16xi32> -> vector<16xi32>
      %add3A_843 = arith.constant 0 : i32
      %add3A_844 = vector.broadcast %add3A_843 : i32 to vector<16xi32>
      %add3A_845 = arith.addi %add3A_844, %iota3A : vector<16xi32>
      %add3A_846 = arith.addi %gather3A_842, %add3A_845 : vector<16xi32>
      %gather3A_847 = tpu.vector_load_idx %arg6[%add3A_846] : memref<1728xf32, #tpu.memory_space<vmem>>[vector<16xi32>], vector<16xf32>,
      %add3A_848 = arith.constant 16 : i32
      %add3A_849 = vector.broadcast %add3A_848 : i32 to vector<16xi32>
      %add3A_850 = arith.addi %add3A_849, %iota3A : vector<16xi32>
      %add3A_851 = arith.addi %gather3A_842, %add3A_850 : vector<16xi32>
      %gather3A_852 = tpu.vector_load_idx %arg6[%add3A_851] : memref<1728xf32, #tpu.memory_space<vmem>>[vector<16xi32>], vector<16xf32>,
      %broadcast_in_dim3A_853 = arith.constant 6 : i32
      %broadcast_in_dim3A_854 = vector.broadcast %broadcast_in_dim3A_853 : i32 to vector<16x1xi32>
      %gather3A_855 = vector.shape_cast %broadcast_in_dim3A_854 : vector<16x1xi32> to vector<16xi32>
      %gather3A_856 = tpu.dynamic_gather %mul3A_190[%gather3A_855] in [0] : vector<16xi32>, vector<16xi32> -> vector<16xi32>
      %add3A_857 = arith.constant 0 : i32
      %add3A_858 = vector.broadcast %add3A_857 : i32 to vector<16xi32>
      %add3A_859 = arith.addi %add3A_858, %iota3A : vector<16xi32>
      %add3A_860 = arith.addi %gather3A_856, %add3A_859 : vector<16xi32>
      %gather3A_861 = tpu.vector_load_idx %arg6[%add3A_860] : memref<1728xf32, #tpu.memory_space<vmem>>[vector<16xi32>], vector<16xf32>,
      %add3A_862 = arith.constant 16 : i32
      %add3A_863 = vector.broadcast %add3A_862 : i32 to vector<16xi32>
      %add3A_864 = arith.addi %add3A_863, %iota3A : vector<16xi32>
      %add3A_865 = arith.addi %gather3A_856, %add3A_864 : vector<16xi32>
      %gather3A_866 = tpu.vector_load_idx %arg6[%add3A_865] : memref<1728xf32, #tpu.memory_space<vmem>>[vector<16xi32>], vector<16xf32>,
      %broadcast_in_dim3A_867 = arith.constant 6 : i32
      %broadcast_in_dim3A_868 = vector.broadcast %broadcast_in_dim3A_867 : i32 to vector<16x1xi32>
      %gather3A_869 = vector.shape_cast %broadcast_in_dim3A_868 : vector<16x1xi32> to vector<16xi32>
      %gather3A_870 = tpu.dynamic_gather %mul3A_196[%gather3A_869] in [0] : vector<16xi32>, vector<16xi32> -> vector<16xi32>
      %add3A_871 = arith.constant 0 : i32
      %add3A_872 = vector.broadcast %add3A_871 : i32 to vector<16xi32>
      %add3A_873 = arith.addi %add3A_872, %iota3A : vector<16xi32>
      %add3A_874 = arith.addi %gather3A_870, %add3A_873 : vector<16xi32>
      %gather3A_875 = tpu.vector_load_idx %arg6[%add3A_874] : memref<1728xf32, #tpu.memory_space<vmem>>[vector<16xi32>], vector<16xf32>,
      %add3A_876 = arith.constant 16 : i32
      %add3A_877 = vector.broadcast %add3A_876 : i32 to vector<16xi32>
      %add3A_878 = arith.addi %add3A_877, %iota3A : vector<16xi32>
      %add3A_879 = arith.addi %gather3A_870, %add3A_878 : vector<16xi32>
      %gather3A_880 = tpu.vector_load_idx %arg6[%add3A_879] : memref<1728xf32, #tpu.memory_space<vmem>>[vector<16xi32>], vector<16xf32>,
      %broadcast_in_dim3A_881 = arith.constant 6 : i32
      %broadcast_in_dim3A_882 = vector.broadcast %broadcast_in_dim3A_881 : i32 to vector<16x1xi32>
      %gather3A_883 = vector.shape_cast %broadcast_in_dim3A_882 : vector<16x1xi32> to vector<16xi32>
      %gather3A_884 = tpu.dynamic_gather %mul3A_202[%gather3A_883] in [0] : vector<16xi32>, vector<16xi32> -> vector<16xi32>
      %add3A_885 = arith.constant 0 : i32
      %add3A_886 = vector.broadcast %add3A_885 : i32 to vector<16xi32>
      %add3A_887 = arith.addi %add3A_886, %iota3A : vector<16xi32>
      %add3A_888 = arith.addi %gather3A_884, %add3A_887 : vector<16xi32>
      %gather3A_889 = tpu.vector_load_idx %arg6[%add3A_888] : memref<1728xf32, #tpu.memory_space<vmem>>[vector<16xi32>], vector<16xf32>,
      %add3A_890 = arith.constant 16 : i32
      %add3A_891 = vector.broadcast %add3A_890 : i32 to vector<16xi32>
      %add3A_892 = arith.addi %add3A_891, %iota3A : vector<16xi32>
      %add3A_893 = arith.addi %gather3A_884, %add3A_892 : vector<16xi32>
      %gather3A_894 = tpu.vector_load_idx %arg6[%add3A_893] : memref<1728xf32, #tpu.memory_space<vmem>>[vector<16xi32>], vector<16xf32>,
      %broadcast_in_dim3A_895 = arith.constant 7 : i32
      %broadcast_in_dim3A_896 = vector.broadcast %broadcast_in_dim3A_895 : i32 to vector<16x1xi32>
      %gather3A_897 = vector.shape_cast %broadcast_in_dim3A_896 : vector<16x1xi32> to vector<16xi32>
      %gather3A_898 = tpu.dynamic_gather %mul3A_184[%gather3A_897] in [0] : vector<16xi32>, vector<16xi32> -> vector<16xi32>
      %add3A_899 = arith.constant 0 : i32
      %add3A_900 = vector.broadcast %add3A_899 : i32 to vector<16xi32>
      %add3A_901 = arith.addi %add3A_900, %iota3A : vector<16xi32>
      %add3A_902 = arith.addi %gather3A_898, %add3A_901 : vector<16xi32>
      %gather3A_903 = tpu.vector_load_idx %arg6[%add3A_902] : memref<1728xf32, #tpu.memory_space<vmem>>[vector<16xi32>], vector<16xf32>,
      %add3A_904 = arith.constant 16 : i32
      %add3A_905 = vector.broadcast %add3A_904 : i32 to vector<16xi32>
      %add3A_906 = arith.addi %add3A_905, %iota3A : vector<16xi32>
      %add3A_907 = arith.addi %gather3A_898, %add3A_906 : vector<16xi32>
      %gather3A_908 = tpu.vector_load_idx %arg6[%add3A_907] : memref<1728xf32, #tpu.memory_space<vmem>>[vector<16xi32>], vector<16xf32>,
      %broadcast_in_dim3A_909 = arith.constant 7 : i32
      %broadcast_in_dim3A_910 = vector.broadcast %broadcast_in_dim3A_909 : i32 to vector<16x1xi32>
      %gather3A_911 = vector.shape_cast %broadcast_in_dim3A_910 : vector<16x1xi32> to vector<16xi32>
      %gather3A_912 = tpu.dynamic_gather %mul3A_190[%gather3A_911] in [0] : vector<16xi32>, vector<16xi32> -> vector<16xi32>
      %add3A_913 = arith.constant 0 : i32
      %add3A_914 = vector.broadcast %add3A_913 : i32 to vector<16xi32>
      %add3A_915 = arith.addi %add3A_914, %iota3A : vector<16xi32>
      %add3A_916 = arith.addi %gather3A_912, %add3A_915 : vector<16xi32>
      %gather3A_917 = tpu.vector_load_idx %arg6[%add3A_916] : memref<1728xf32, #tpu.memory_space<vmem>>[vector<16xi32>], vector<16xf32>,
      %add3A_918 = arith.constant 16 : i32
      %add3A_919 = vector.broadcast %add3A_918 : i32 to vector<16xi32>
      %add3A_920 = arith.addi %add3A_919, %iota3A : vector<16xi32>
      %add3A_921 = arith.addi %gather3A_912, %add3A_920 : vector<16xi32>
      %gather3A_922 = tpu.vector_load_idx %arg6[%add3A_921] : memref<1728xf32, #tpu.memory_space<vmem>>[vector<16xi32>], vector<16xf32>,
      %broadcast_in_dim3A_923 = arith.constant 7 : i32
      %broadcast_in_dim3A_924 = vector.broadcast %broadcast_in_dim3A_923 : i32 to vector<16x1xi32>
      %gather3A_925 = vector.shape_cast %broadcast_in_dim3A_924 : vector<16x1xi32> to vector<16xi32>
      %gather3A_926 = tpu.dynamic_gather %mul3A_196[%gather3A_925] in [0] : vector<16xi32>, vector<16xi32> -> vector<16xi32>
      %add3A_927 = arith.constant 0 : i32
      %add3A_928 = vector.broadcast %add3A_927 : i32 to vector<16xi32>
      %add3A_929 = arith.addi %add3A_928, %iota3A : vector<16xi32>
      %add3A_930 = arith.addi %gather3A_926, %add3A_929 : vector<16xi32>
      %gather3A_931 = tpu.vector_load_idx %arg6[%add3A_930] : memref<1728xf32, #tpu.memory_space<vmem>>[vector<16xi32>], vector<16xf32>,
      %add3A_932 = arith.constant 16 : i32
      %add3A_933 = vector.broadcast %add3A_932 : i32 to vector<16xi32>
      %add3A_934 = arith.addi %add3A_933, %iota3A : vector<16xi32>
      %add3A_935 = arith.addi %gather3A_926, %add3A_934 : vector<16xi32>
      %gather3A_936 = tpu.vector_load_idx %arg6[%add3A_935] : memref<1728xf32, #tpu.memory_space<vmem>>[vector<16xi32>], vector<16xf32>,
      %broadcast_in_dim3A_937 = arith.constant 7 : i32
      %broadcast_in_dim3A_938 = vector.broadcast %broadcast_in_dim3A_937 : i32 to vector<16x1xi32>
      %gather3A_939 = vector.shape_cast %broadcast_in_dim3A_938 : vector<16x1xi32> to vector<16xi32>
      %gather3A_940 = tpu.dynamic_gather %mul3A_202[%gather3A_939] in [0] : vector<16xi32>, vector<16xi32> -> vector<16xi32>
      %add3A_941 = arith.constant 0 : i32
      %add3A_942 = vector.broadcast %add3A_941 : i32 to vector<16xi32>
      %add3A_943 = arith.addi %add3A_942, %iota3A : vector<16xi32>
      %add3A_944 = arith.addi %gather3A_940, %add3A_943 : vector<16xi32>
      %gather3A_945 = tpu.vector_load_idx %arg6[%add3A_944] : memref<1728xf32, #tpu.memory_space<vmem>>[vector<16xi32>], vector<16xf32>,
      %add3A_946 = arith.constant 16 : i32
      %add3A_947 = vector.broadcast %add3A_946 : i32 to vector<16xi32>
      %add3A_948 = arith.addi %add3A_947, %iota3A : vector<16xi32>
      %add3A_949 = arith.addi %gather3A_940, %add3A_948 : vector<16xi32>
      %gather3A_950 = tpu.vector_load_idx %arg6[%add3A_949] : memref<1728xf32, #tpu.memory_space<vmem>>[vector<16xi32>], vector<16xf32>,
      %add3A_951 = arith.constant 768 : i32
      %add3A_952 = arith.addi %mul3A_204, %add3A_951 : i32
      %add3A_953 = arith.constant 0 : i32
      %add3A_954 = arith.addi %add3A_952, %add3A_953 : i32
      %add3A_955 = arith.constant 0 : i32
      %add3A_956 = arith.addi %add3A_954, %add3A_955 : i32
      %swap3A_957 = arith.index_cast %add3A_956 : i32 to index
      %swap3A_958 = tpu.vector_load %arg7[%swap3A_957] {strides = array<i32>} : memref<65536xf32, #tpu.memory_space<vmem>>, vector<16xf32>,
      tpu.vector_store %arg7[%swap3A_957], %gather3A_847 {strides = array<i32>} : memref<65536xf32, #tpu.memory_space<vmem>>, vector<16xf32>,
      %add3A_959 = arith.constant 0 : i32
      %add3A_960 = arith.addi %add3A_952, %add3A_959 : i32
      %add3A_961 = arith.constant 16 : i32
      %add3A_962 = arith.addi %add3A_960, %add3A_961 : i32
      %swap3A_963 = arith.index_cast %add3A_962 : i32 to index
      %swap3A_964 = tpu.vector_load %arg7[%swap3A_963] {strides = array<i32>} : memref<65536xf32, #tpu.memory_space<vmem>>, vector<16xf32>,
      tpu.vector_store %arg7[%swap3A_963], %gather3A_852 {strides = array<i32>} : memref<65536xf32, #tpu.memory_space<vmem>>, vector<16xf32>,
      %add3A_965 = arith.constant 32 : i32
      %add3A_966 = arith.addi %add3A_952, %add3A_965 : i32
      %add3A_967 = arith.constant 0 : i32
      %add3A_968 = arith.addi %add3A_966, %add3A_967 : i32
      %swap3A_969 = arith.index_cast %add3A_968 : i32 to index
      %swap3A_970 = tpu.vector_load %arg7[%swap3A_969] {strides = array<i32>} : memref<65536xf32, #tpu.memory_space<vmem>>, vector<16xf32>,
      tpu.vector_store %arg7[%swap3A_969], %gather3A_861 {strides = array<i32>} : memref<65536xf32, #tpu.memory_space<vmem>>, vector<16xf32>,
      %add3A_971 = arith.constant 32 : i32
      %add3A_972 = arith.addi %add3A_952, %add3A_971 : i32
      %add3A_973 = arith.constant 16 : i32
      %add3A_974 = arith.addi %add3A_972, %add3A_973 : i32
      %swap3A_975 = arith.index_cast %add3A_974 : i32 to index
      %swap3A_976 = tpu.vector_load %arg7[%swap3A_975] {strides = array<i32>} : memref<65536xf32, #tpu.memory_space<vmem>>, vector<16xf32>,
      tpu.vector_store %arg7[%swap3A_975], %gather3A_866 {strides = array<i32>} : memref<65536xf32, #tpu.memory_space<vmem>>, vector<16xf32>,
      %add3A_977 = arith.constant 64 : i32
      %add3A_978 = arith.addi %add3A_952, %add3A_977 : i32
      %add3A_979 = arith.constant 0 : i32
      %add3A_980 = arith.addi %add3A_978, %add3A_979 : i32
      %swap3A_981 = arith.index_cast %add3A_980 : i32 to index
      %swap3A_982 = tpu.vector_load %arg7[%swap3A_981] {strides = array<i32>} : memref<65536xf32, #tpu.memory_space<vmem>>, vector<16xf32>,
      tpu.vector_store %arg7[%swap3A_981], %gather3A_875 {strides = array<i32>} : memref<65536xf32, #tpu.memory_space<vmem>>, vector<16xf32>,
      %add3A_983 = arith.constant 64 : i32
      %add3A_984 = arith.addi %add3A_952, %add3A_983 : i32
      %add3A_985 = arith.constant 16 : i32
      %add3A_986 = arith.addi %add3A_984, %add3A_985 : i32
      %swap3A_987 = arith.index_cast %add3A_986 : i32 to index
      %swap3A_988 = tpu.vector_load %arg7[%swap3A_987] {strides = array<i32>} : memref<65536xf32, #tpu.memory_space<vmem>>, vector<16xf32>,
      tpu.vector_store %arg7[%swap3A_987], %gather3A_880 {strides = array<i32>} : memref<65536xf32, #tpu.memory_space<vmem>>, vector<16xf32>,
      %add3A_989 = arith.constant 96 : i32
      %add3A_990 = arith.addi %add3A_952, %add3A_989 : i32
      %add3A_991 = arith.constant 0 : i32
      %add3A_992 = arith.addi %add3A_990, %add3A_991 : i32
      %swap3A_993 = arith.index_cast %add3A_992 : i32 to index
      %swap3A_994 = tpu.vector_load %arg7[%swap3A_993] {strides = array<i32>} : memref<65536xf32, #tpu.memory_space<vmem>>, vector<16xf32>,
      tpu.vector_store %arg7[%swap3A_993], %gather3A_889 {strides = array<i32>} : memref<65536xf32, #tpu.memory_space<vmem>>, vector<16xf32>,
      %add3A_995 = arith.constant 96 : i32
      %add3A_996 = arith.addi %add3A_952, %add3A_995 : i32
      %add3A_997 = arith.constant 16 : i32
      %add3A_998 = arith.addi %add3A_996, %add3A_997 : i32
      %swap3A_999 = arith.index_cast %add3A_998 : i32 to index
      %swap3A_1000 = tpu.vector_load %arg7[%swap3A_999] {strides = array<i32>} : memref<65536xf32, #tpu.memory_space<vmem>>, vector<16xf32>,
      tpu.vector_store %arg7[%swap3A_999], %gather3A_894 {strides = array<i32>} : memref<65536xf32, #tpu.memory_space<vmem>>, vector<16xf32>,
      %add3A_1001 = arith.constant 896 : i32
      %add3A_1002 = arith.addi %mul3A_204, %add3A_1001 : i32
      %add3A_1003 = arith.constant 0 : i32
      %add3A_1004 = arith.addi %add3A_1002, %add3A_1003 : i32
      %add3A_1005 = arith.constant 0 : i32
      %add3A_1006 = arith.addi %add3A_1004, %add3A_1005 : i32
      %swap3A_1007 = arith.index_cast %add3A_1006 : i32 to index
      %swap3A_1008 = tpu.vector_load %arg7[%swap3A_1007] {strides = array<i32>} : memref<65536xf32, #tpu.memory_space<vmem>>, vector<16xf32>,
      tpu.vector_store %arg7[%swap3A_1007], %gather3A_903 {strides = array<i32>} : memref<65536xf32, #tpu.memory_space<vmem>>, vector<16xf32>,
      %add3A_1009 = arith.constant 0 : i32
      %add3A_1010 = arith.addi %add3A_1002, %add3A_1009 : i32
      %add3A_1011 = arith.constant 16 : i32
      %add3A_1012 = arith.addi %add3A_1010, %add3A_1011 : i32
      %swap3A_1013 = arith.index_cast %add3A_1012 : i32 to index
      %swap3A_1014 = tpu.vector_load %arg7[%swap3A_1013] {strides = array<i32>} : memref<65536xf32, #tpu.memory_space<vmem>>, vector<16xf32>,
      tpu.vector_store %arg7[%swap3A_1013], %gather3A_908 {strides = array<i32>} : memref<65536xf32, #tpu.memory_space<vmem>>, vector<16xf32>,
      %add3A_1015 = arith.constant 32 : i32
      %add3A_1016 = arith.addi %add3A_1002, %add3A_1015 : i32
      %add3A_1017 = arith.constant 0 : i32
      %add3A_1018 = arith.addi %add3A_1016, %add3A_1017 : i32
      %swap3A_1019 = arith.index_cast %add3A_1018 : i32 to index
      %swap3A_1020 = tpu.vector_load %arg7[%swap3A_1019] {strides = array<i32>} : memref<65536xf32, #tpu.memory_space<vmem>>, vector<16xf32>,
      tpu.vector_store %arg7[%swap3A_1019], %gather3A_917 {strides = array<i32>} : memref<65536xf32, #tpu.memory_space<vmem>>, vector<16xf32>,
      %add3A_1021 = arith.constant 32 : i32
      %add3A_1022 = arith.addi %add3A_1002, %add3A_1021 : i32
      %add3A_1023 = arith.constant 16 : i32
      %add3A_1024 = arith.addi %add3A_1022, %add3A_1023 : i32
      %swap3A_1025 = arith.index_cast %add3A_1024 : i32 to index
      %swap3A_1026 = tpu.vector_load %arg7[%swap3A_1025] {strides = array<i32>} : memref<65536xf32, #tpu.memory_space<vmem>>, vector<16xf32>,
      tpu.vector_store %arg7[%swap3A_1025], %gather3A_922 {strides = array<i32>} : memref<65536xf32, #tpu.memory_space<vmem>>, vector<16xf32>,
      %add3A_1027 = arith.constant 64 : i32
      %add3A_1028 = arith.addi %add3A_1002, %add3A_1027 : i32
      %add3A_1029 = arith.constant 0 : i32
      %add3A_1030 = arith.addi %add3A_1028, %add3A_1029 : i32
      %swap3A_1031 = arith.index_cast %add3A_1030 : i32 to index
      %swap3A_1032 = tpu.vector_load %arg7[%swap3A_1031] {strides = array<i32>} : memref<65536xf32, #tpu.memory_space<vmem>>, vector<16xf32>,
      tpu.vector_store %arg7[%swap3A_1031], %gather3A_931 {strides = array<i32>} : memref<65536xf32, #tpu.memory_space<vmem>>, vector<16xf32>,
      %add3A_1033 = arith.constant 64 : i32
      %add3A_1034 = arith.addi %add3A_1002, %add3A_1033 : i32
      %add3A_1035 = arith.constant 16 : i32
      %add3A_1036 = arith.addi %add3A_1034, %add3A_1035 : i32
      %swap3A_1037 = arith.index_cast %add3A_1036 : i32 to index
      %swap3A_1038 = tpu.vector_load %arg7[%swap3A_1037] {strides = array<i32>} : memref<65536xf32, #tpu.memory_space<vmem>>, vector<16xf32>,
      tpu.vector_store %arg7[%swap3A_1037], %gather3A_936 {strides = array<i32>} : memref<65536xf32, #tpu.memory_space<vmem>>, vector<16xf32>,
      %add3A_1039 = arith.constant 96 : i32
      %add3A_1040 = arith.addi %add3A_1002, %add3A_1039 : i32
      %add3A_1041 = arith.constant 0 : i32
      %add3A_1042 = arith.addi %add3A_1040, %add3A_1041 : i32
      %swap3A_1043 = arith.index_cast %add3A_1042 : i32 to index
      %swap3A_1044 = tpu.vector_load %arg7[%swap3A_1043] {strides = array<i32>} : memref<65536xf32, #tpu.memory_space<vmem>>, vector<16xf32>,
      tpu.vector_store %arg7[%swap3A_1043], %gather3A_945 {strides = array<i32>} : memref<65536xf32, #tpu.memory_space<vmem>>, vector<16xf32>,
      %add3A_1045 = arith.constant 96 : i32
      %add3A_1046 = arith.addi %add3A_1002, %add3A_1045 : i32
      %add3A_1047 = arith.constant 16 : i32
      %add3A_1048 = arith.addi %add3A_1046, %add3A_1047 : i32
      %swap3A_1049 = arith.index_cast %add3A_1048 : i32 to index
      %swap3A_1050 = tpu.vector_load %arg7[%swap3A_1049] {strides = array<i32>} : memref<65536xf32, #tpu.memory_space<vmem>>, vector<16xf32>,
      tpu.vector_store %arg7[%swap3A_1049], %gather3A_950 {strides = array<i32>} : memref<65536xf32, #tpu.memory_space<vmem>>, vector<16xf32>,
      %broadcast_in_dim3A_1051 = arith.constant 8 : i32
      %broadcast_in_dim3A_1052 = vector.broadcast %broadcast_in_dim3A_1051 : i32 to vector<16x1xi32>
      %gather3A_1053 = vector.shape_cast %broadcast_in_dim3A_1052 : vector<16x1xi32> to vector<16xi32>
      %gather3A_1054 = tpu.dynamic_gather %mul3A_184[%gather3A_1053] in [0] : vector<16xi32>, vector<16xi32> -> vector<16xi32>
      %add3A_1055 = arith.constant 0 : i32
      %add3A_1056 = vector.broadcast %add3A_1055 : i32 to vector<16xi32>
      %add3A_1057 = arith.addi %add3A_1056, %iota3A : vector<16xi32>
      %add3A_1058 = arith.addi %gather3A_1054, %add3A_1057 : vector<16xi32>
      %gather3A_1059 = tpu.vector_load_idx %arg6[%add3A_1058] : memref<1728xf32, #tpu.memory_space<vmem>>[vector<16xi32>], vector<16xf32>,
      %add3A_1060 = arith.constant 16 : i32
      %add3A_1061 = vector.broadcast %add3A_1060 : i32 to vector<16xi32>
      %add3A_1062 = arith.addi %add3A_1061, %iota3A : vector<16xi32>
      %add3A_1063 = arith.addi %gather3A_1054, %add3A_1062 : vector<16xi32>
      %gather3A_1064 = tpu.vector_load_idx %arg6[%add3A_1063] : memref<1728xf32, #tpu.memory_space<vmem>>[vector<16xi32>], vector<16xf32>,
      %broadcast_in_dim3A_1065 = arith.constant 8 : i32
      %broadcast_in_dim3A_1066 = vector.broadcast %broadcast_in_dim3A_1065 : i32 to vector<16x1xi32>
      %gather3A_1067 = vector.shape_cast %broadcast_in_dim3A_1066 : vector<16x1xi32> to vector<16xi32>
      %gather3A_1068 = tpu.dynamic_gather %mul3A_190[%gather3A_1067] in [0] : vector<16xi32>, vector<16xi32> -> vector<16xi32>
      %add3A_1069 = arith.constant 0 : i32
      %add3A_1070 = vector.broadcast %add3A_1069 : i32 to vector<16xi32>
      %add3A_1071 = arith.addi %add3A_1070, %iota3A : vector<16xi32>
      %add3A_1072 = arith.addi %gather3A_1068, %add3A_1071 : vector<16xi32>
      %gather3A_1073 = tpu.vector_load_idx %arg6[%add3A_1072] : memref<1728xf32, #tpu.memory_space<vmem>>[vector<16xi32>], vector<16xf32>,
      %add3A_1074 = arith.constant 16 : i32
      %add3A_1075 = vector.broadcast %add3A_1074 : i32 to vector<16xi32>
      %add3A_1076 = arith.addi %add3A_1075, %iota3A : vector<16xi32>
      %add3A_1077 = arith.addi %gather3A_1068, %add3A_1076 : vector<16xi32>
      %gather3A_1078 = tpu.vector_load_idx %arg6[%add3A_1077] : memref<1728xf32, #tpu.memory_space<vmem>>[vector<16xi32>], vector<16xf32>,
      %broadcast_in_dim3A_1079 = arith.constant 8 : i32
      %broadcast_in_dim3A_1080 = vector.broadcast %broadcast_in_dim3A_1079 : i32 to vector<16x1xi32>
      %gather3A_1081 = vector.shape_cast %broadcast_in_dim3A_1080 : vector<16x1xi32> to vector<16xi32>
      %gather3A_1082 = tpu.dynamic_gather %mul3A_196[%gather3A_1081] in [0] : vector<16xi32>, vector<16xi32> -> vector<16xi32>
      %add3A_1083 = arith.constant 0 : i32
      %add3A_1084 = vector.broadcast %add3A_1083 : i32 to vector<16xi32>
      %add3A_1085 = arith.addi %add3A_1084, %iota3A : vector<16xi32>
      %add3A_1086 = arith.addi %gather3A_1082, %add3A_1085 : vector<16xi32>
      %gather3A_1087 = tpu.vector_load_idx %arg6[%add3A_1086] : memref<1728xf32, #tpu.memory_space<vmem>>[vector<16xi32>], vector<16xf32>,
      %add3A_1088 = arith.constant 16 : i32
      %add3A_1089 = vector.broadcast %add3A_1088 : i32 to vector<16xi32>
      %add3A_1090 = arith.addi %add3A_1089, %iota3A : vector<16xi32>
      %add3A_1091 = arith.addi %gather3A_1082, %add3A_1090 : vector<16xi32>
      %gather3A_1092 = tpu.vector_load_idx %arg6[%add3A_1091] : memref<1728xf32, #tpu.memory_space<vmem>>[vector<16xi32>], vector<16xf32>,
      %broadcast_in_dim3A_1093 = arith.constant 8 : i32
      %broadcast_in_dim3A_1094 = vector.broadcast %broadcast_in_dim3A_1093 : i32 to vector<16x1xi32>
      %gather3A_1095 = vector.shape_cast %broadcast_in_dim3A_1094 : vector<16x1xi32> to vector<16xi32>
      %gather3A_1096 = tpu.dynamic_gather %mul3A_202[%gather3A_1095] in [0] : vector<16xi32>, vector<16xi32> -> vector<16xi32>
      %add3A_1097 = arith.constant 0 : i32
      %add3A_1098 = vector.broadcast %add3A_1097 : i32 to vector<16xi32>
      %add3A_1099 = arith.addi %add3A_1098, %iota3A : vector<16xi32>
      %add3A_1100 = arith.addi %gather3A_1096, %add3A_1099 : vector<16xi32>
      %gather3A_1101 = tpu.vector_load_idx %arg6[%add3A_1100] : memref<1728xf32, #tpu.memory_space<vmem>>[vector<16xi32>], vector<16xf32>,
      %add3A_1102 = arith.constant 16 : i32
      %add3A_1103 = vector.broadcast %add3A_1102 : i32 to vector<16xi32>
      %add3A_1104 = arith.addi %add3A_1103, %iota3A : vector<16xi32>
      %add3A_1105 = arith.addi %gather3A_1096, %add3A_1104 : vector<16xi32>
      %gather3A_1106 = tpu.vector_load_idx %arg6[%add3A_1105] : memref<1728xf32, #tpu.memory_space<vmem>>[vector<16xi32>], vector<16xf32>,
      %broadcast_in_dim3A_1107 = arith.constant 9 : i32
      %broadcast_in_dim3A_1108 = vector.broadcast %broadcast_in_dim3A_1107 : i32 to vector<16x1xi32>
      %gather3A_1109 = vector.shape_cast %broadcast_in_dim3A_1108 : vector<16x1xi32> to vector<16xi32>
      %gather3A_1110 = tpu.dynamic_gather %mul3A_184[%gather3A_1109] in [0] : vector<16xi32>, vector<16xi32> -> vector<16xi32>
      %add3A_1111 = arith.constant 0 : i32
      %add3A_1112 = vector.broadcast %add3A_1111 : i32 to vector<16xi32>
      %add3A_1113 = arith.addi %add3A_1112, %iota3A : vector<16xi32>
      %add3A_1114 = arith.addi %gather3A_1110, %add3A_1113 : vector<16xi32>
      %gather3A_1115 = tpu.vector_load_idx %arg6[%add3A_1114] : memref<1728xf32, #tpu.memory_space<vmem>>[vector<16xi32>], vector<16xf32>,
      %add3A_1116 = arith.constant 16 : i32
      %add3A_1117 = vector.broadcast %add3A_1116 : i32 to vector<16xi32>
      %add3A_1118 = arith.addi %add3A_1117, %iota3A : vector<16xi32>
      %add3A_1119 = arith.addi %gather3A_1110, %add3A_1118 : vector<16xi32>
      %gather3A_1120 = tpu.vector_load_idx %arg6[%add3A_1119] : memref<1728xf32, #tpu.memory_space<vmem>>[vector<16xi32>], vector<16xf32>,
      %broadcast_in_dim3A_1121 = arith.constant 9 : i32
      %broadcast_in_dim3A_1122 = vector.broadcast %broadcast_in_dim3A_1121 : i32 to vector<16x1xi32>
      %gather3A_1123 = vector.shape_cast %broadcast_in_dim3A_1122 : vector<16x1xi32> to vector<16xi32>
      %gather3A_1124 = tpu.dynamic_gather %mul3A_190[%gather3A_1123] in [0] : vector<16xi32>, vector<16xi32> -> vector<16xi32>
      %add3A_1125 = arith.constant 0 : i32
      %add3A_1126 = vector.broadcast %add3A_1125 : i32 to vector<16xi32>
      %add3A_1127 = arith.addi %add3A_1126, %iota3A : vector<16xi32>
      %add3A_1128 = arith.addi %gather3A_1124, %add3A_1127 : vector<16xi32>
      %gather3A_1129 = tpu.vector_load_idx %arg6[%add3A_1128] : memref<1728xf32, #tpu.memory_space<vmem>>[vector<16xi32>], vector<16xf32>,
      %add3A_1130 = arith.constant 16 : i32
      %add3A_1131 = vector.broadcast %add3A_1130 : i32 to vector<16xi32>
      %add3A_1132 = arith.addi %add3A_1131, %iota3A : vector<16xi32>
      %add3A_1133 = arith.addi %gather3A_1124, %add3A_1132 : vector<16xi32>
      %gather3A_1134 = tpu.vector_load_idx %arg6[%add3A_1133] : memref<1728xf32, #tpu.memory_space<vmem>>[vector<16xi32>], vector<16xf32>,
      %broadcast_in_dim3A_1135 = arith.constant 9 : i32
      %broadcast_in_dim3A_1136 = vector.broadcast %broadcast_in_dim3A_1135 : i32 to vector<16x1xi32>
      %gather3A_1137 = vector.shape_cast %broadcast_in_dim3A_1136 : vector<16x1xi32> to vector<16xi32>
      %gather3A_1138 = tpu.dynamic_gather %mul3A_196[%gather3A_1137] in [0] : vector<16xi32>, vector<16xi32> -> vector<16xi32>
      %add3A_1139 = arith.constant 0 : i32
      %add3A_1140 = vector.broadcast %add3A_1139 : i32 to vector<16xi32>
      %add3A_1141 = arith.addi %add3A_1140, %iota3A : vector<16xi32>
      %add3A_1142 = arith.addi %gather3A_1138, %add3A_1141 : vector<16xi32>
      %gather3A_1143 = tpu.vector_load_idx %arg6[%add3A_1142] : memref<1728xf32, #tpu.memory_space<vmem>>[vector<16xi32>], vector<16xf32>,
      %add3A_1144 = arith.constant 16 : i32
      %add3A_1145 = vector.broadcast %add3A_1144 : i32 to vector<16xi32>
      %add3A_1146 = arith.addi %add3A_1145, %iota3A : vector<16xi32>
      %add3A_1147 = arith.addi %gather3A_1138, %add3A_1146 : vector<16xi32>
      %gather3A_1148 = tpu.vector_load_idx %arg6[%add3A_1147] : memref<1728xf32, #tpu.memory_space<vmem>>[vector<16xi32>], vector<16xf32>,
      %broadcast_in_dim3A_1149 = arith.constant 9 : i32
      %broadcast_in_dim3A_1150 = vector.broadcast %broadcast_in_dim3A_1149 : i32 to vector<16x1xi32>
      %gather3A_1151 = vector.shape_cast %broadcast_in_dim3A_1150 : vector<16x1xi32> to vector<16xi32>
      %gather3A_1152 = tpu.dynamic_gather %mul3A_202[%gather3A_1151] in [0] : vector<16xi32>, vector<16xi32> -> vector<16xi32>
      %add3A_1153 = arith.constant 0 : i32
      %add3A_1154 = vector.broadcast %add3A_1153 : i32 to vector<16xi32>
      %add3A_1155 = arith.addi %add3A_1154, %iota3A : vector<16xi32>
      %add3A_1156 = arith.addi %gather3A_1152, %add3A_1155 : vector<16xi32>
      %gather3A_1157 = tpu.vector_load_idx %arg6[%add3A_1156] : memref<1728xf32, #tpu.memory_space<vmem>>[vector<16xi32>], vector<16xf32>,
      %add3A_1158 = arith.constant 16 : i32
      %add3A_1159 = vector.broadcast %add3A_1158 : i32 to vector<16xi32>
      %add3A_1160 = arith.addi %add3A_1159, %iota3A : vector<16xi32>
      %add3A_1161 = arith.addi %gather3A_1152, %add3A_1160 : vector<16xi32>
      %gather3A_1162 = tpu.vector_load_idx %arg6[%add3A_1161] : memref<1728xf32, #tpu.memory_space<vmem>>[vector<16xi32>], vector<16xf32>,
      %add3A_1163 = arith.constant 1024 : i32
      %add3A_1164 = arith.addi %mul3A_204, %add3A_1163 : i32
      %add3A_1165 = arith.constant 0 : i32
      %add3A_1166 = arith.addi %add3A_1164, %add3A_1165 : i32
      %add3A_1167 = arith.constant 0 : i32
      %add3A_1168 = arith.addi %add3A_1166, %add3A_1167 : i32
      %swap3A_1169 = arith.index_cast %add3A_1168 : i32 to index
      %swap3A_1170 = tpu.vector_load %arg7[%swap3A_1169] {strides = array<i32>} : memref<65536xf32, #tpu.memory_space<vmem>>, vector<16xf32>,
      tpu.vector_store %arg7[%swap3A_1169], %gather3A_1059 {strides = array<i32>} : memref<65536xf32, #tpu.memory_space<vmem>>, vector<16xf32>,
      %add3A_1171 = arith.constant 0 : i32
      %add3A_1172 = arith.addi %add3A_1164, %add3A_1171 : i32
      %add3A_1173 = arith.constant 16 : i32
      %add3A_1174 = arith.addi %add3A_1172, %add3A_1173 : i32
      %swap3A_1175 = arith.index_cast %add3A_1174 : i32 to index
      %swap3A_1176 = tpu.vector_load %arg7[%swap3A_1175] {strides = array<i32>} : memref<65536xf32, #tpu.memory_space<vmem>>, vector<16xf32>,
      tpu.vector_store %arg7[%swap3A_1175], %gather3A_1064 {strides = array<i32>} : memref<65536xf32, #tpu.memory_space<vmem>>, vector<16xf32>,
      %add3A_1177 = arith.constant 32 : i32
      %add3A_1178 = arith.addi %add3A_1164, %add3A_1177 : i32
      %add3A_1179 = arith.constant 0 : i32
      %add3A_1180 = arith.addi %add3A_1178, %add3A_1179 : i32
      %swap3A_1181 = arith.index_cast %add3A_1180 : i32 to index
      %swap3A_1182 = tpu.vector_load %arg7[%swap3A_1181] {strides = array<i32>} : memref<65536xf32, #tpu.memory_space<vmem>>, vector<16xf32>,
      tpu.vector_store %arg7[%swap3A_1181], %gather3A_1073 {strides = array<i32>} : memref<65536xf32, #tpu.memory_space<vmem>>, vector<16xf32>,
      %add3A_1183 = arith.constant 32 : i32
      %add3A_1184 = arith.addi %add3A_1164, %add3A_1183 : i32
      %add3A_1185 = arith.constant 16 : i32
      %add3A_1186 = arith.addi %add3A_1184, %add3A_1185 : i32
      %swap3A_1187 = arith.index_cast %add3A_1186 : i32 to index
      %swap3A_1188 = tpu.vector_load %arg7[%swap3A_1187] {strides = array<i32>} : memref<65536xf32, #tpu.memory_space<vmem>>, vector<16xf32>,
      tpu.vector_store %arg7[%swap3A_1187], %gather3A_1078 {strides = array<i32>} : memref<65536xf32, #tpu.memory_space<vmem>>, vector<16xf32>,
      %add3A_1189 = arith.constant 64 : i32
      %add3A_1190 = arith.addi %add3A_1164, %add3A_1189 : i32
      %add3A_1191 = arith.constant 0 : i32
      %add3A_1192 = arith.addi %add3A_1190, %add3A_1191 : i32
      %swap3A_1193 = arith.index_cast %add3A_1192 : i32 to index
      %swap3A_1194 = tpu.vector_load %arg7[%swap3A_1193] {strides = array<i32>} : memref<65536xf32, #tpu.memory_space<vmem>>, vector<16xf32>,
      tpu.vector_store %arg7[%swap3A_1193], %gather3A_1087 {strides = array<i32>} : memref<65536xf32, #tpu.memory_space<vmem>>, vector<16xf32>,
      %add3A_1195 = arith.constant 64 : i32
      %add3A_1196 = arith.addi %add3A_1164, %add3A_1195 : i32
      %add3A_1197 = arith.constant 16 : i32
      %add3A_1198 = arith.addi %add3A_1196, %add3A_1197 : i32
      %swap3A_1199 = arith.index_cast %add3A_1198 : i32 to index
      %swap3A_1200 = tpu.vector_load %arg7[%swap3A_1199] {strides = array<i32>} : memref<65536xf32, #tpu.memory_space<vmem>>, vector<16xf32>,
      tpu.vector_store %arg7[%swap3A_1199], %gather3A_1092 {strides = array<i32>} : memref<65536xf32, #tpu.memory_space<vmem>>, vector<16xf32>,
      %add3A_1201 = arith.constant 96 : i32
      %add3A_1202 = arith.addi %add3A_1164, %add3A_1201 : i32
      %add3A_1203 = arith.constant 0 : i32
      %add3A_1204 = arith.addi %add3A_1202, %add3A_1203 : i32
      %swap3A_1205 = arith.index_cast %add3A_1204 : i32 to index
      %swap3A_1206 = tpu.vector_load %arg7[%swap3A_1205] {strides = array<i32>} : memref<65536xf32, #tpu.memory_space<vmem>>, vector<16xf32>,
      tpu.vector_store %arg7[%swap3A_1205], %gather3A_1101 {strides = array<i32>} : memref<65536xf32, #tpu.memory_space<vmem>>, vector<16xf32>,
      %add3A_1207 = arith.constant 96 : i32
      %add3A_1208 = arith.addi %add3A_1164, %add3A_1207 : i32
      %add3A_1209 = arith.constant 16 : i32
      %add3A_1210 = arith.addi %add3A_1208, %add3A_1209 : i32
      %swap3A_1211 = arith.index_cast %add3A_1210 : i32 to index
      %swap3A_1212 = tpu.vector_load %arg7[%swap3A_1211] {strides = array<i32>} : memref<65536xf32, #tpu.memory_space<vmem>>, vector<16xf32>,
      tpu.vector_store %arg7[%swap3A_1211], %gather3A_1106 {strides = array<i32>} : memref<65536xf32, #tpu.memory_space<vmem>>, vector<16xf32>,
      %add3A_1213 = arith.constant 1152 : i32
      %add3A_1214 = arith.addi %mul3A_204, %add3A_1213 : i32
      %add3A_1215 = arith.constant 0 : i32
      %add3A_1216 = arith.addi %add3A_1214, %add3A_1215 : i32
      %add3A_1217 = arith.constant 0 : i32
      %add3A_1218 = arith.addi %add3A_1216, %add3A_1217 : i32
      %swap3A_1219 = arith.index_cast %add3A_1218 : i32 to index
      %swap3A_1220 = tpu.vector_load %arg7[%swap3A_1219] {strides = array<i32>} : memref<65536xf32, #tpu.memory_space<vmem>>, vector<16xf32>,
      tpu.vector_store %arg7[%swap3A_1219], %gather3A_1115 {strides = array<i32>} : memref<65536xf32, #tpu.memory_space<vmem>>, vector<16xf32>,
      %add3A_1221 = arith.constant 0 : i32
      %add3A_1222 = arith.addi %add3A_1214, %add3A_1221 : i32
      %add3A_1223 = arith.constant 16 : i32
      %add3A_1224 = arith.addi %add3A_1222, %add3A_1223 : i32
      %swap3A_1225 = arith.index_cast %add3A_1224 : i32 to index
      %swap3A_1226 = tpu.vector_load %arg7[%swap3A_1225] {strides = array<i32>} : memref<65536xf32, #tpu.memory_space<vmem>>, vector<16xf32>,
      tpu.vector_store %arg7[%swap3A_1225], %gather3A_1120 {strides = array<i32>} : memref<65536xf32, #tpu.memory_space<vmem>>, vector<16xf32>,
      %add3A_1227 = arith.constant 32 : i32
      %add3A_1228 = arith.addi %add3A_1214, %add3A_1227 : i32
      %add3A_1229 = arith.constant 0 : i32
      %add3A_1230 = arith.addi %add3A_1228, %add3A_1229 : i32
      %swap3A_1231 = arith.index_cast %add3A_1230 : i32 to index
      %swap3A_1232 = tpu.vector_load %arg7[%swap3A_1231] {strides = array<i32>} : memref<65536xf32, #tpu.memory_space<vmem>>, vector<16xf32>,
      tpu.vector_store %arg7[%swap3A_1231], %gather3A_1129 {strides = array<i32>} : memref<65536xf32, #tpu.memory_space<vmem>>, vector<16xf32>,
      %add3A_1233 = arith.constant 32 : i32
      %add3A_1234 = arith.addi %add3A_1214, %add3A_1233 : i32
      %add3A_1235 = arith.constant 16 : i32
      %add3A_1236 = arith.addi %add3A_1234, %add3A_1235 : i32
      %swap3A_1237 = arith.index_cast %add3A_1236 : i32 to index
      %swap3A_1238 = tpu.vector_load %arg7[%swap3A_1237] {strides = array<i32>} : memref<65536xf32, #tpu.memory_space<vmem>>, vector<16xf32>,
      tpu.vector_store %arg7[%swap3A_1237], %gather3A_1134 {strides = array<i32>} : memref<65536xf32, #tpu.memory_space<vmem>>, vector<16xf32>,
      %add3A_1239 = arith.constant 64 : i32
      %add3A_1240 = arith.addi %add3A_1214, %add3A_1239 : i32
      %add3A_1241 = arith.constant 0 : i32
      %add3A_1242 = arith.addi %add3A_1240, %add3A_1241 : i32
      %swap3A_1243 = arith.index_cast %add3A_1242 : i32 to index
      %swap3A_1244 = tpu.vector_load %arg7[%swap3A_1243] {strides = array<i32>} : memref<65536xf32, #tpu.memory_space<vmem>>, vector<16xf32>,
      tpu.vector_store %arg7[%swap3A_1243], %gather3A_1143 {strides = array<i32>} : memref<65536xf32, #tpu.memory_space<vmem>>, vector<16xf32>,
      %add3A_1245 = arith.constant 64 : i32
      %add3A_1246 = arith.addi %add3A_1214, %add3A_1245 : i32
      %add3A_1247 = arith.constant 16 : i32
      %add3A_1248 = arith.addi %add3A_1246, %add3A_1247 : i32
      %swap3A_1249 = arith.index_cast %add3A_1248 : i32 to index
      %swap3A_1250 = tpu.vector_load %arg7[%swap3A_1249] {strides = array<i32>} : memref<65536xf32, #tpu.memory_space<vmem>>, vector<16xf32>,
      tpu.vector_store %arg7[%swap3A_1249], %gather3A_1148 {strides = array<i32>} : memref<65536xf32, #tpu.memory_space<vmem>>, vector<16xf32>,
      %add3A_1251 = arith.constant 96 : i32
      %add3A_1252 = arith.addi %add3A_1214, %add3A_1251 : i32
      %add3A_1253 = arith.constant 0 : i32
      %add3A_1254 = arith.addi %add3A_1252, %add3A_1253 : i32
      %swap3A_1255 = arith.index_cast %add3A_1254 : i32 to index
      %swap3A_1256 = tpu.vector_load %arg7[%swap3A_1255] {strides = array<i32>} : memref<65536xf32, #tpu.memory_space<vmem>>, vector<16xf32>,
      tpu.vector_store %arg7[%swap3A_1255], %gather3A_1157 {strides = array<i32>} : memref<65536xf32, #tpu.memory_space<vmem>>, vector<16xf32>,
      %add3A_1257 = arith.constant 96 : i32
      %add3A_1258 = arith.addi %add3A_1214, %add3A_1257 : i32
      %add3A_1259 = arith.constant 16 : i32
      %add3A_1260 = arith.addi %add3A_1258, %add3A_1259 : i32
      %swap3A_1261 = arith.index_cast %add3A_1260 : i32 to index
      %swap3A_1262 = tpu.vector_load %arg7[%swap3A_1261] {strides = array<i32>} : memref<65536xf32, #tpu.memory_space<vmem>>, vector<16xf32>,
      tpu.vector_store %arg7[%swap3A_1261], %gather3A_1162 {strides = array<i32>} : memref<65536xf32, #tpu.memory_space<vmem>>, vector<16xf32>,
      %broadcast_in_dim3A_1263 = arith.constant 10 : i32
      %broadcast_in_dim3A_1264 = vector.broadcast %broadcast_in_dim3A_1263 : i32 to vector<16x1xi32>
      %gather3A_1265 = vector.shape_cast %broadcast_in_dim3A_1264 : vector<16x1xi32> to vector<16xi32>
      %gather3A_1266 = tpu.dynamic_gather %mul3A_184[%gather3A_1265] in [0] : vector<16xi32>, vector<16xi32> -> vector<16xi32>
      %add3A_1267 = arith.constant 0 : i32
      %add3A_1268 = vector.broadcast %add3A_1267 : i32 to vector<16xi32>
      %add3A_1269 = arith.addi %add3A_1268, %iota3A : vector<16xi32>
      %add3A_1270 = arith.addi %gather3A_1266, %add3A_1269 : vector<16xi32>
      %gather3A_1271 = tpu.vector_load_idx %arg6[%add3A_1270] : memref<1728xf32, #tpu.memory_space<vmem>>[vector<16xi32>], vector<16xf32>,
      %add3A_1272 = arith.constant 16 : i32
      %add3A_1273 = vector.broadcast %add3A_1272 : i32 to vector<16xi32>
      %add3A_1274 = arith.addi %add3A_1273, %iota3A : vector<16xi32>
      %add3A_1275 = arith.addi %gather3A_1266, %add3A_1274 : vector<16xi32>
      %gather3A_1276 = tpu.vector_load_idx %arg6[%add3A_1275] : memref<1728xf32, #tpu.memory_space<vmem>>[vector<16xi32>], vector<16xf32>,
      %broadcast_in_dim3A_1277 = arith.constant 10 : i32
      %broadcast_in_dim3A_1278 = vector.broadcast %broadcast_in_dim3A_1277 : i32 to vector<16x1xi32>
      %gather3A_1279 = vector.shape_cast %broadcast_in_dim3A_1278 : vector<16x1xi32> to vector<16xi32>
      %gather3A_1280 = tpu.dynamic_gather %mul3A_190[%gather3A_1279] in [0] : vector<16xi32>, vector<16xi32> -> vector<16xi32>
      %add3A_1281 = arith.constant 0 : i32
      %add3A_1282 = vector.broadcast %add3A_1281 : i32 to vector<16xi32>
      %add3A_1283 = arith.addi %add3A_1282, %iota3A : vector<16xi32>
      %add3A_1284 = arith.addi %gather3A_1280, %add3A_1283 : vector<16xi32>
      %gather3A_1285 = tpu.vector_load_idx %arg6[%add3A_1284] : memref<1728xf32, #tpu.memory_space<vmem>>[vector<16xi32>], vector<16xf32>,
      %add3A_1286 = arith.constant 16 : i32
      %add3A_1287 = vector.broadcast %add3A_1286 : i32 to vector<16xi32>
      %add3A_1288 = arith.addi %add3A_1287, %iota3A : vector<16xi32>
      %add3A_1289 = arith.addi %gather3A_1280, %add3A_1288 : vector<16xi32>
      %gather3A_1290 = tpu.vector_load_idx %arg6[%add3A_1289] : memref<1728xf32, #tpu.memory_space<vmem>>[vector<16xi32>], vector<16xf32>,
      %broadcast_in_dim3A_1291 = arith.constant 10 : i32
      %broadcast_in_dim3A_1292 = vector.broadcast %broadcast_in_dim3A_1291 : i32 to vector<16x1xi32>
      %gather3A_1293 = vector.shape_cast %broadcast_in_dim3A_1292 : vector<16x1xi32> to vector<16xi32>
      %gather3A_1294 = tpu.dynamic_gather %mul3A_196[%gather3A_1293] in [0] : vector<16xi32>, vector<16xi32> -> vector<16xi32>
      %add3A_1295 = arith.constant 0 : i32
      %add3A_1296 = vector.broadcast %add3A_1295 : i32 to vector<16xi32>
      %add3A_1297 = arith.addi %add3A_1296, %iota3A : vector<16xi32>
      %add3A_1298 = arith.addi %gather3A_1294, %add3A_1297 : vector<16xi32>
      %gather3A_1299 = tpu.vector_load_idx %arg6[%add3A_1298] : memref<1728xf32, #tpu.memory_space<vmem>>[vector<16xi32>], vector<16xf32>,
      %add3A_1300 = arith.constant 16 : i32
      %add3A_1301 = vector.broadcast %add3A_1300 : i32 to vector<16xi32>
      %add3A_1302 = arith.addi %add3A_1301, %iota3A : vector<16xi32>
      %add3A_1303 = arith.addi %gather3A_1294, %add3A_1302 : vector<16xi32>
      %gather3A_1304 = tpu.vector_load_idx %arg6[%add3A_1303] : memref<1728xf32, #tpu.memory_space<vmem>>[vector<16xi32>], vector<16xf32>,
      %broadcast_in_dim3A_1305 = arith.constant 10 : i32
      %broadcast_in_dim3A_1306 = vector.broadcast %broadcast_in_dim3A_1305 : i32 to vector<16x1xi32>
      %gather3A_1307 = vector.shape_cast %broadcast_in_dim3A_1306 : vector<16x1xi32> to vector<16xi32>
      %gather3A_1308 = tpu.dynamic_gather %mul3A_202[%gather3A_1307] in [0] : vector<16xi32>, vector<16xi32> -> vector<16xi32>
      %add3A_1309 = arith.constant 0 : i32
      %add3A_1310 = vector.broadcast %add3A_1309 : i32 to vector<16xi32>
      %add3A_1311 = arith.addi %add3A_1310, %iota3A : vector<16xi32>
      %add3A_1312 = arith.addi %gather3A_1308, %add3A_1311 : vector<16xi32>
      %gather3A_1313 = tpu.vector_load_idx %arg6[%add3A_1312] : memref<1728xf32, #tpu.memory_space<vmem>>[vector<16xi32>], vector<16xf32>,
      %add3A_1314 = arith.constant 16 : i32
      %add3A_1315 = vector.broadcast %add3A_1314 : i32 to vector<16xi32>
      %add3A_1316 = arith.addi %add3A_1315, %iota3A : vector<16xi32>
      %add3A_1317 = arith.addi %gather3A_1308, %add3A_1316 : vector<16xi32>
      %gather3A_1318 = tpu.vector_load_idx %arg6[%add3A_1317] : memref<1728xf32, #tpu.memory_space<vmem>>[vector<16xi32>], vector<16xf32>,
      %broadcast_in_dim3A_1319 = arith.constant 11 : i32
      %broadcast_in_dim3A_1320 = vector.broadcast %broadcast_in_dim3A_1319 : i32 to vector<16x1xi32>
      %gather3A_1321 = vector.shape_cast %broadcast_in_dim3A_1320 : vector<16x1xi32> to vector<16xi32>
      %gather3A_1322 = tpu.dynamic_gather %mul3A_184[%gather3A_1321] in [0] : vector<16xi32>, vector<16xi32> -> vector<16xi32>
      %add3A_1323 = arith.constant 0 : i32
      %add3A_1324 = vector.broadcast %add3A_1323 : i32 to vector<16xi32>
      %add3A_1325 = arith.addi %add3A_1324, %iota3A : vector<16xi32>
      %add3A_1326 = arith.addi %gather3A_1322, %add3A_1325 : vector<16xi32>
      %gather3A_1327 = tpu.vector_load_idx %arg6[%add3A_1326] : memref<1728xf32, #tpu.memory_space<vmem>>[vector<16xi32>], vector<16xf32>,
      %add3A_1328 = arith.constant 16 : i32
      %add3A_1329 = vector.broadcast %add3A_1328 : i32 to vector<16xi32>
      %add3A_1330 = arith.addi %add3A_1329, %iota3A : vector<16xi32>
      %add3A_1331 = arith.addi %gather3A_1322, %add3A_1330 : vector<16xi32>
      %gather3A_1332 = tpu.vector_load_idx %arg6[%add3A_1331] : memref<1728xf32, #tpu.memory_space<vmem>>[vector<16xi32>], vector<16xf32>,
      %broadcast_in_dim3A_1333 = arith.constant 11 : i32
      %broadcast_in_dim3A_1334 = vector.broadcast %broadcast_in_dim3A_1333 : i32 to vector<16x1xi32>
      %gather3A_1335 = vector.shape_cast %broadcast_in_dim3A_1334 : vector<16x1xi32> to vector<16xi32>
      %gather3A_1336 = tpu.dynamic_gather %mul3A_190[%gather3A_1335] in [0] : vector<16xi32>, vector<16xi32> -> vector<16xi32>
      %add3A_1337 = arith.constant 0 : i32
      %add3A_1338 = vector.broadcast %add3A_1337 : i32 to vector<16xi32>
      %add3A_1339 = arith.addi %add3A_1338, %iota3A : vector<16xi32>
      %add3A_1340 = arith.addi %gather3A_1336, %add3A_1339 : vector<16xi32>
      %gather3A_1341 = tpu.vector_load_idx %arg6[%add3A_1340] : memref<1728xf32, #tpu.memory_space<vmem>>[vector<16xi32>], vector<16xf32>,
      %add3A_1342 = arith.constant 16 : i32
      %add3A_1343 = vector.broadcast %add3A_1342 : i32 to vector<16xi32>
      %add3A_1344 = arith.addi %add3A_1343, %iota3A : vector<16xi32>
      %add3A_1345 = arith.addi %gather3A_1336, %add3A_1344 : vector<16xi32>
      %gather3A_1346 = tpu.vector_load_idx %arg6[%add3A_1345] : memref<1728xf32, #tpu.memory_space<vmem>>[vector<16xi32>], vector<16xf32>,
      %broadcast_in_dim3A_1347 = arith.constant 11 : i32
      %broadcast_in_dim3A_1348 = vector.broadcast %broadcast_in_dim3A_1347 : i32 to vector<16x1xi32>
      %gather3A_1349 = vector.shape_cast %broadcast_in_dim3A_1348 : vector<16x1xi32> to vector<16xi32>
      %gather3A_1350 = tpu.dynamic_gather %mul3A_196[%gather3A_1349] in [0] : vector<16xi32>, vector<16xi32> -> vector<16xi32>
      %add3A_1351 = arith.constant 0 : i32
      %add3A_1352 = vector.broadcast %add3A_1351 : i32 to vector<16xi32>
      %add3A_1353 = arith.addi %add3A_1352, %iota3A : vector<16xi32>
      %add3A_1354 = arith.addi %gather3A_1350, %add3A_1353 : vector<16xi32>
      %gather3A_1355 = tpu.vector_load_idx %arg6[%add3A_1354] : memref<1728xf32, #tpu.memory_space<vmem>>[vector<16xi32>], vector<16xf32>,
      %add3A_1356 = arith.constant 16 : i32
      %add3A_1357 = vector.broadcast %add3A_1356 : i32 to vector<16xi32>
      %add3A_1358 = arith.addi %add3A_1357, %iota3A : vector<16xi32>
      %add3A_1359 = arith.addi %gather3A_1350, %add3A_1358 : vector<16xi32>
      %gather3A_1360 = tpu.vector_load_idx %arg6[%add3A_1359] : memref<1728xf32, #tpu.memory_space<vmem>>[vector<16xi32>], vector<16xf32>,
      %broadcast_in_dim3A_1361 = arith.constant 11 : i32
      %broadcast_in_dim3A_1362 = vector.broadcast %broadcast_in_dim3A_1361 : i32 to vector<16x1xi32>
      %gather3A_1363 = vector.shape_cast %broadcast_in_dim3A_1362 : vector<16x1xi32> to vector<16xi32>
      %gather3A_1364 = tpu.dynamic_gather %mul3A_202[%gather3A_1363] in [0] : vector<16xi32>, vector<16xi32> -> vector<16xi32>
      %add3A_1365 = arith.constant 0 : i32
      %add3A_1366 = vector.broadcast %add3A_1365 : i32 to vector<16xi32>
      %add3A_1367 = arith.addi %add3A_1366, %iota3A : vector<16xi32>
      %add3A_1368 = arith.addi %gather3A_1364, %add3A_1367 : vector<16xi32>
      %gather3A_1369 = tpu.vector_load_idx %arg6[%add3A_1368] : memref<1728xf32, #tpu.memory_space<vmem>>[vector<16xi32>], vector<16xf32>,
      %add3A_1370 = arith.constant 16 : i32
      %add3A_1371 = vector.broadcast %add3A_1370 : i32 to vector<16xi32>
      %add3A_1372 = arith.addi %add3A_1371, %iota3A : vector<16xi32>
      %add3A_1373 = arith.addi %gather3A_1364, %add3A_1372 : vector<16xi32>
      %gather3A_1374 = tpu.vector_load_idx %arg6[%add3A_1373] : memref<1728xf32, #tpu.memory_space<vmem>>[vector<16xi32>], vector<16xf32>,
      %add3A_1375 = arith.constant 1280 : i32
      %add3A_1376 = arith.addi %mul3A_204, %add3A_1375 : i32
      %add3A_1377 = arith.constant 0 : i32
      %add3A_1378 = arith.addi %add3A_1376, %add3A_1377 : i32
      %add3A_1379 = arith.constant 0 : i32
      %add3A_1380 = arith.addi %add3A_1378, %add3A_1379 : i32
      %swap3A_1381 = arith.index_cast %add3A_1380 : i32 to index
      %swap3A_1382 = tpu.vector_load %arg7[%swap3A_1381] {strides = array<i32>} : memref<65536xf32, #tpu.memory_space<vmem>>, vector<16xf32>,
      tpu.vector_store %arg7[%swap3A_1381], %gather3A_1271 {strides = array<i32>} : memref<65536xf32, #tpu.memory_space<vmem>>, vector<16xf32>,
      %add3A_1383 = arith.constant 0 : i32
      %add3A_1384 = arith.addi %add3A_1376, %add3A_1383 : i32
      %add3A_1385 = arith.constant 16 : i32
      %add3A_1386 = arith.addi %add3A_1384, %add3A_1385 : i32
      %swap3A_1387 = arith.index_cast %add3A_1386 : i32 to index
      %swap3A_1388 = tpu.vector_load %arg7[%swap3A_1387] {strides = array<i32>} : memref<65536xf32, #tpu.memory_space<vmem>>, vector<16xf32>,
      tpu.vector_store %arg7[%swap3A_1387], %gather3A_1276 {strides = array<i32>} : memref<65536xf32, #tpu.memory_space<vmem>>, vector<16xf32>,
      %add3A_1389 = arith.constant 32 : i32
      %add3A_1390 = arith.addi %add3A_1376, %add3A_1389 : i32
      %add3A_1391 = arith.constant 0 : i32
      %add3A_1392 = arith.addi %add3A_1390, %add3A_1391 : i32
      %swap3A_1393 = arith.index_cast %add3A_1392 : i32 to index
      %swap3A_1394 = tpu.vector_load %arg7[%swap3A_1393] {strides = array<i32>} : memref<65536xf32, #tpu.memory_space<vmem>>, vector<16xf32>,
      tpu.vector_store %arg7[%swap3A_1393], %gather3A_1285 {strides = array<i32>} : memref<65536xf32, #tpu.memory_space<vmem>>, vector<16xf32>,
      %add3A_1395 = arith.constant 32 : i32
      %add3A_1396 = arith.addi %add3A_1376, %add3A_1395 : i32
      %add3A_1397 = arith.constant 16 : i32
      %add3A_1398 = arith.addi %add3A_1396, %add3A_1397 : i32
      %swap3A_1399 = arith.index_cast %add3A_1398 : i32 to index
      %swap3A_1400 = tpu.vector_load %arg7[%swap3A_1399] {strides = array<i32>} : memref<65536xf32, #tpu.memory_space<vmem>>, vector<16xf32>,
      tpu.vector_store %arg7[%swap3A_1399], %gather3A_1290 {strides = array<i32>} : memref<65536xf32, #tpu.memory_space<vmem>>, vector<16xf32>,
      %add3A_1401 = arith.constant 64 : i32
      %add3A_1402 = arith.addi %add3A_1376, %add3A_1401 : i32
      %add3A_1403 = arith.constant 0 : i32
      %add3A_1404 = arith.addi %add3A_1402, %add3A_1403 : i32
      %swap3A_1405 = arith.index_cast %add3A_1404 : i32 to index
      %swap3A_1406 = tpu.vector_load %arg7[%swap3A_1405] {strides = array<i32>} : memref<65536xf32, #tpu.memory_space<vmem>>, vector<16xf32>,
      tpu.vector_store %arg7[%swap3A_1405], %gather3A_1299 {strides = array<i32>} : memref<65536xf32, #tpu.memory_space<vmem>>, vector<16xf32>,
      %add3A_1407 = arith.constant 64 : i32
      %add3A_1408 = arith.addi %add3A_1376, %add3A_1407 : i32
      %add3A_1409 = arith.constant 16 : i32
      %add3A_1410 = arith.addi %add3A_1408, %add3A_1409 : i32
      %swap3A_1411 = arith.index_cast %add3A_1410 : i32 to index
      %swap3A_1412 = tpu.vector_load %arg7[%swap3A_1411] {strides = array<i32>} : memref<65536xf32, #tpu.memory_space<vmem>>, vector<16xf32>,
      tpu.vector_store %arg7[%swap3A_1411], %gather3A_1304 {strides = array<i32>} : memref<65536xf32, #tpu.memory_space<vmem>>, vector<16xf32>,
      %add3A_1413 = arith.constant 96 : i32
      %add3A_1414 = arith.addi %add3A_1376, %add3A_1413 : i32
      %add3A_1415 = arith.constant 0 : i32
      %add3A_1416 = arith.addi %add3A_1414, %add3A_1415 : i32
      %swap3A_1417 = arith.index_cast %add3A_1416 : i32 to index
      %swap3A_1418 = tpu.vector_load %arg7[%swap3A_1417] {strides = array<i32>} : memref<65536xf32, #tpu.memory_space<vmem>>, vector<16xf32>,
      tpu.vector_store %arg7[%swap3A_1417], %gather3A_1313 {strides = array<i32>} : memref<65536xf32, #tpu.memory_space<vmem>>, vector<16xf32>,
      %add3A_1419 = arith.constant 96 : i32
      %add3A_1420 = arith.addi %add3A_1376, %add3A_1419 : i32
      %add3A_1421 = arith.constant 16 : i32
      %add3A_1422 = arith.addi %add3A_1420, %add3A_1421 : i32
      %swap3A_1423 = arith.index_cast %add3A_1422 : i32 to index
      %swap3A_1424 = tpu.vector_load %arg7[%swap3A_1423] {strides = array<i32>} : memref<65536xf32, #tpu.memory_space<vmem>>, vector<16xf32>,
      tpu.vector_store %arg7[%swap3A_1423], %gather3A_1318 {strides = array<i32>} : memref<65536xf32, #tpu.memory_space<vmem>>, vector<16xf32>,
      %add3A_1425 = arith.constant 1408 : i32
      %add3A_1426 = arith.addi %mul3A_204, %add3A_1425 : i32
      %add3A_1427 = arith.constant 0 : i32
      %add3A_1428 = arith.addi %add3A_1426, %add3A_1427 : i32
      %add3A_1429 = arith.constant 0 : i32
      %add3A_1430 = arith.addi %add3A_1428, %add3A_1429 : i32
      %swap3A_1431 = arith.index_cast %add3A_1430 : i32 to index
      %swap3A_1432 = tpu.vector_load %arg7[%swap3A_1431] {strides = array<i32>} : memref<65536xf32, #tpu.memory_space<vmem>>, vector<16xf32>,
      tpu.vector_store %arg7[%swap3A_1431], %gather3A_1327 {strides = array<i32>} : memref<65536xf32, #tpu.memory_space<vmem>>, vector<16xf32>,
      %add3A_1433 = arith.constant 0 : i32
      %add3A_1434 = arith.addi %add3A_1426, %add3A_1433 : i32
      %add3A_1435 = arith.constant 16 : i32
      %add3A_1436 = arith.addi %add3A_1434, %add3A_1435 : i32
      %swap3A_1437 = arith.index_cast %add3A_1436 : i32 to index
      %swap3A_1438 = tpu.vector_load %arg7[%swap3A_1437] {strides = array<i32>} : memref<65536xf32, #tpu.memory_space<vmem>>, vector<16xf32>,
      tpu.vector_store %arg7[%swap3A_1437], %gather3A_1332 {strides = array<i32>} : memref<65536xf32, #tpu.memory_space<vmem>>, vector<16xf32>,
      %add3A_1439 = arith.constant 32 : i32
      %add3A_1440 = arith.addi %add3A_1426, %add3A_1439 : i32
      %add3A_1441 = arith.constant 0 : i32
      %add3A_1442 = arith.addi %add3A_1440, %add3A_1441 : i32
      %swap3A_1443 = arith.index_cast %add3A_1442 : i32 to index
      %swap3A_1444 = tpu.vector_load %arg7[%swap3A_1443] {strides = array<i32>} : memref<65536xf32, #tpu.memory_space<vmem>>, vector<16xf32>,
      tpu.vector_store %arg7[%swap3A_1443], %gather3A_1341 {strides = array<i32>} : memref<65536xf32, #tpu.memory_space<vmem>>, vector<16xf32>,
      %add3A_1445 = arith.constant 32 : i32
      %add3A_1446 = arith.addi %add3A_1426, %add3A_1445 : i32
      %add3A_1447 = arith.constant 16 : i32
      %add3A_1448 = arith.addi %add3A_1446, %add3A_1447 : i32
      %swap3A_1449 = arith.index_cast %add3A_1448 : i32 to index
      %swap3A_1450 = tpu.vector_load %arg7[%swap3A_1449] {strides = array<i32>} : memref<65536xf32, #tpu.memory_space<vmem>>, vector<16xf32>,
      tpu.vector_store %arg7[%swap3A_1449], %gather3A_1346 {strides = array<i32>} : memref<65536xf32, #tpu.memory_space<vmem>>, vector<16xf32>,
      %add3A_1451 = arith.constant 64 : i32
      %add3A_1452 = arith.addi %add3A_1426, %add3A_1451 : i32
      %add3A_1453 = arith.constant 0 : i32
      %add3A_1454 = arith.addi %add3A_1452, %add3A_1453 : i32
      %swap3A_1455 = arith.index_cast %add3A_1454 : i32 to index
      %swap3A_1456 = tpu.vector_load %arg7[%swap3A_1455] {strides = array<i32>} : memref<65536xf32, #tpu.memory_space<vmem>>, vector<16xf32>,
      tpu.vector_store %arg7[%swap3A_1455], %gather3A_1355 {strides = array<i32>} : memref<65536xf32, #tpu.memory_space<vmem>>, vector<16xf32>,
      %add3A_1457 = arith.constant 64 : i32
      %add3A_1458 = arith.addi %add3A_1426, %add3A_1457 : i32
      %add3A_1459 = arith.constant 16 : i32
      %add3A_1460 = arith.addi %add3A_1458, %add3A_1459 : i32
      %swap3A_1461 = arith.index_cast %add3A_1460 : i32 to index
      %swap3A_1462 = tpu.vector_load %arg7[%swap3A_1461] {strides = array<i32>} : memref<65536xf32, #tpu.memory_space<vmem>>, vector<16xf32>,
      tpu.vector_store %arg7[%swap3A_1461], %gather3A_1360 {strides = array<i32>} : memref<65536xf32, #tpu.memory_space<vmem>>, vector<16xf32>,
      %add3A_1463 = arith.constant 96 : i32
      %add3A_1464 = arith.addi %add3A_1426, %add3A_1463 : i32
      %add3A_1465 = arith.constant 0 : i32
      %add3A_1466 = arith.addi %add3A_1464, %add3A_1465 : i32
      %swap3A_1467 = arith.index_cast %add3A_1466 : i32 to index
      %swap3A_1468 = tpu.vector_load %arg7[%swap3A_1467] {strides = array<i32>} : memref<65536xf32, #tpu.memory_space<vmem>>, vector<16xf32>,
      tpu.vector_store %arg7[%swap3A_1467], %gather3A_1369 {strides = array<i32>} : memref<65536xf32, #tpu.memory_space<vmem>>, vector<16xf32>,
      %add3A_1469 = arith.constant 96 : i32
      %add3A_1470 = arith.addi %add3A_1426, %add3A_1469 : i32
      %add3A_1471 = arith.constant 16 : i32
      %add3A_1472 = arith.addi %add3A_1470, %add3A_1471 : i32
      %swap3A_1473 = arith.index_cast %add3A_1472 : i32 to index
      %swap3A_1474 = tpu.vector_load %arg7[%swap3A_1473] {strides = array<i32>} : memref<65536xf32, #tpu.memory_space<vmem>>, vector<16xf32>,
      tpu.vector_store %arg7[%swap3A_1473], %gather3A_1374 {strides = array<i32>} : memref<65536xf32, #tpu.memory_space<vmem>>, vector<16xf32>,
      %broadcast_in_dim3A_1475 = arith.constant 12 : i32
      %broadcast_in_dim3A_1476 = vector.broadcast %broadcast_in_dim3A_1475 : i32 to vector<16x1xi32>
      %gather3A_1477 = vector.shape_cast %broadcast_in_dim3A_1476 : vector<16x1xi32> to vector<16xi32>
      %gather3A_1478 = tpu.dynamic_gather %mul3A_184[%gather3A_1477] in [0] : vector<16xi32>, vector<16xi32> -> vector<16xi32>
      %add3A_1479 = arith.constant 0 : i32
      %add3A_1480 = vector.broadcast %add3A_1479 : i32 to vector<16xi32>
      %add3A_1481 = arith.addi %add3A_1480, %iota3A : vector<16xi32>
      %add3A_1482 = arith.addi %gather3A_1478, %add3A_1481 : vector<16xi32>
      %gather3A_1483 = tpu.vector_load_idx %arg6[%add3A_1482] : memref<1728xf32, #tpu.memory_space<vmem>>[vector<16xi32>], vector<16xf32>,
      %add3A_1484 = arith.constant 16 : i32
      %add3A_1485 = vector.broadcast %add3A_1484 : i32 to vector<16xi32>
      %add3A_1486 = arith.addi %add3A_1485, %iota3A : vector<16xi32>
      %add3A_1487 = arith.addi %gather3A_1478, %add3A_1486 : vector<16xi32>
      %gather3A_1488 = tpu.vector_load_idx %arg6[%add3A_1487] : memref<1728xf32, #tpu.memory_space<vmem>>[vector<16xi32>], vector<16xf32>,
      %broadcast_in_dim3A_1489 = arith.constant 12 : i32
      %broadcast_in_dim3A_1490 = vector.broadcast %broadcast_in_dim3A_1489 : i32 to vector<16x1xi32>
      %gather3A_1491 = vector.shape_cast %broadcast_in_dim3A_1490 : vector<16x1xi32> to vector<16xi32>
      %gather3A_1492 = tpu.dynamic_gather %mul3A_190[%gather3A_1491] in [0] : vector<16xi32>, vector<16xi32> -> vector<16xi32>
      %add3A_1493 = arith.constant 0 : i32
      %add3A_1494 = vector.broadcast %add3A_1493 : i32 to vector<16xi32>
      %add3A_1495 = arith.addi %add3A_1494, %iota3A : vector<16xi32>
      %add3A_1496 = arith.addi %gather3A_1492, %add3A_1495 : vector<16xi32>
      %gather3A_1497 = tpu.vector_load_idx %arg6[%add3A_1496] : memref<1728xf32, #tpu.memory_space<vmem>>[vector<16xi32>], vector<16xf32>,
      %add3A_1498 = arith.constant 16 : i32
      %add3A_1499 = vector.broadcast %add3A_1498 : i32 to vector<16xi32>
      %add3A_1500 = arith.addi %add3A_1499, %iota3A : vector<16xi32>
      %add3A_1501 = arith.addi %gather3A_1492, %add3A_1500 : vector<16xi32>
      %gather3A_1502 = tpu.vector_load_idx %arg6[%add3A_1501] : memref<1728xf32, #tpu.memory_space<vmem>>[vector<16xi32>], vector<16xf32>,
      %broadcast_in_dim3A_1503 = arith.constant 12 : i32
      %broadcast_in_dim3A_1504 = vector.broadcast %broadcast_in_dim3A_1503 : i32 to vector<16x1xi32>
      %gather3A_1505 = vector.shape_cast %broadcast_in_dim3A_1504 : vector<16x1xi32> to vector<16xi32>
      %gather3A_1506 = tpu.dynamic_gather %mul3A_196[%gather3A_1505] in [0] : vector<16xi32>, vector<16xi32> -> vector<16xi32>
      %add3A_1507 = arith.constant 0 : i32
      %add3A_1508 = vector.broadcast %add3A_1507 : i32 to vector<16xi32>
      %add3A_1509 = arith.addi %add3A_1508, %iota3A : vector<16xi32>
      %add3A_1510 = arith.addi %gather3A_1506, %add3A_1509 : vector<16xi32>
      %gather3A_1511 = tpu.vector_load_idx %arg6[%add3A_1510] : memref<1728xf32, #tpu.memory_space<vmem>>[vector<16xi32>], vector<16xf32>,
      %add3A_1512 = arith.constant 16 : i32
      %add3A_1513 = vector.broadcast %add3A_1512 : i32 to vector<16xi32>
      %add3A_1514 = arith.addi %add3A_1513, %iota3A : vector<16xi32>
      %add3A_1515 = arith.addi %gather3A_1506, %add3A_1514 : vector<16xi32>
      %gather3A_1516 = tpu.vector_load_idx %arg6[%add3A_1515] : memref<1728xf32, #tpu.memory_space<vmem>>[vector<16xi32>], vector<16xf32>,
      %broadcast_in_dim3A_1517 = arith.constant 12 : i32
      %broadcast_in_dim3A_1518 = vector.broadcast %broadcast_in_dim3A_1517 : i32 to vector<16x1xi32>
      %gather3A_1519 = vector.shape_cast %broadcast_in_dim3A_1518 : vector<16x1xi32> to vector<16xi32>
      %gather3A_1520 = tpu.dynamic_gather %mul3A_202[%gather3A_1519] in [0] : vector<16xi32>, vector<16xi32> -> vector<16xi32>
      %add3A_1521 = arith.constant 0 : i32
      %add3A_1522 = vector.broadcast %add3A_1521 : i32 to vector<16xi32>
      %add3A_1523 = arith.addi %add3A_1522, %iota3A : vector<16xi32>
      %add3A_1524 = arith.addi %gather3A_1520, %add3A_1523 : vector<16xi32>
      %gather3A_1525 = tpu.vector_load_idx %arg6[%add3A_1524] : memref<1728xf32, #tpu.memory_space<vmem>>[vector<16xi32>], vector<16xf32>,
      %add3A_1526 = arith.constant 16 : i32
      %add3A_1527 = vector.broadcast %add3A_1526 : i32 to vector<16xi32>
      %add3A_1528 = arith.addi %add3A_1527, %iota3A : vector<16xi32>
      %add3A_1529 = arith.addi %gather3A_1520, %add3A_1528 : vector<16xi32>
      %gather3A_1530 = tpu.vector_load_idx %arg6[%add3A_1529] : memref<1728xf32, #tpu.memory_space<vmem>>[vector<16xi32>], vector<16xf32>,
      %broadcast_in_dim3A_1531 = arith.constant 13 : i32
      %broadcast_in_dim3A_1532 = vector.broadcast %broadcast_in_dim3A_1531 : i32 to vector<16x1xi32>
      %gather3A_1533 = vector.shape_cast %broadcast_in_dim3A_1532 : vector<16x1xi32> to vector<16xi32>
      %gather3A_1534 = tpu.dynamic_gather %mul3A_184[%gather3A_1533] in [0] : vector<16xi32>, vector<16xi32> -> vector<16xi32>
      %add3A_1535 = arith.constant 0 : i32
      %add3A_1536 = vector.broadcast %add3A_1535 : i32 to vector<16xi32>
      %add3A_1537 = arith.addi %add3A_1536, %iota3A : vector<16xi32>
      %add3A_1538 = arith.addi %gather3A_1534, %add3A_1537 : vector<16xi32>
      %gather3A_1539 = tpu.vector_load_idx %arg6[%add3A_1538] : memref<1728xf32, #tpu.memory_space<vmem>>[vector<16xi32>], vector<16xf32>,
      %add3A_1540 = arith.constant 16 : i32
      %add3A_1541 = vector.broadcast %add3A_1540 : i32 to vector<16xi32>
      %add3A_1542 = arith.addi %add3A_1541, %iota3A : vector<16xi32>
      %add3A_1543 = arith.addi %gather3A_1534, %add3A_1542 : vector<16xi32>
      %gather3A_1544 = tpu.vector_load_idx %arg6[%add3A_1543] : memref<1728xf32, #tpu.memory_space<vmem>>[vector<16xi32>], vector<16xf32>,
      %broadcast_in_dim3A_1545 = arith.constant 13 : i32
      %broadcast_in_dim3A_1546 = vector.broadcast %broadcast_in_dim3A_1545 : i32 to vector<16x1xi32>
      %gather3A_1547 = vector.shape_cast %broadcast_in_dim3A_1546 : vector<16x1xi32> to vector<16xi32>
      %gather3A_1548 = tpu.dynamic_gather %mul3A_190[%gather3A_1547] in [0] : vector<16xi32>, vector<16xi32> -> vector<16xi32>
      %add3A_1549 = arith.constant 0 : i32
      %add3A_1550 = vector.broadcast %add3A_1549 : i32 to vector<16xi32>
      %add3A_1551 = arith.addi %add3A_1550, %iota3A : vector<16xi32>
      %add3A_1552 = arith.addi %gather3A_1548, %add3A_1551 : vector<16xi32>
      %gather3A_1553 = tpu.vector_load_idx %arg6[%add3A_1552] : memref<1728xf32, #tpu.memory_space<vmem>>[vector<16xi32>], vector<16xf32>,
      %add3A_1554 = arith.constant 16 : i32
      %add3A_1555 = vector.broadcast %add3A_1554 : i32 to vector<16xi32>
      %add3A_1556 = arith.addi %add3A_1555, %iota3A : vector<16xi32>
      %add3A_1557 = arith.addi %gather3A_1548, %add3A_1556 : vector<16xi32>
      %gather3A_1558 = tpu.vector_load_idx %arg6[%add3A_1557] : memref<1728xf32, #tpu.memory_space<vmem>>[vector<16xi32>], vector<16xf32>,
      %broadcast_in_dim3A_1559 = arith.constant 13 : i32
      %broadcast_in_dim3A_1560 = vector.broadcast %broadcast_in_dim3A_1559 : i32 to vector<16x1xi32>
      %gather3A_1561 = vector.shape_cast %broadcast_in_dim3A_1560 : vector<16x1xi32> to vector<16xi32>
      %gather3A_1562 = tpu.dynamic_gather %mul3A_196[%gather3A_1561] in [0] : vector<16xi32>, vector<16xi32> -> vector<16xi32>
      %add3A_1563 = arith.constant 0 : i32
      %add3A_1564 = vector.broadcast %add3A_1563 : i32 to vector<16xi32>
      %add3A_1565 = arith.addi %add3A_1564, %iota3A : vector<16xi32>
      %add3A_1566 = arith.addi %gather3A_1562, %add3A_1565 : vector<16xi32>
      %gather3A_1567 = tpu.vector_load_idx %arg6[%add3A_1566] : memref<1728xf32, #tpu.memory_space<vmem>>[vector<16xi32>], vector<16xf32>,
      %add3A_1568 = arith.constant 16 : i32
      %add3A_1569 = vector.broadcast %add3A_1568 : i32 to vector<16xi32>
      %add3A_1570 = arith.addi %add3A_1569, %iota3A : vector<16xi32>
      %add3A_1571 = arith.addi %gather3A_1562, %add3A_1570 : vector<16xi32>
      %gather3A_1572 = tpu.vector_load_idx %arg6[%add3A_1571] : memref<1728xf32, #tpu.memory_space<vmem>>[vector<16xi32>], vector<16xf32>,
      %broadcast_in_dim3A_1573 = arith.constant 13 : i32
      %broadcast_in_dim3A_1574 = vector.broadcast %broadcast_in_dim3A_1573 : i32 to vector<16x1xi32>
      %gather3A_1575 = vector.shape_cast %broadcast_in_dim3A_1574 : vector<16x1xi32> to vector<16xi32>
      %gather3A_1576 = tpu.dynamic_gather %mul3A_202[%gather3A_1575] in [0] : vector<16xi32>, vector<16xi32> -> vector<16xi32>
      %add3A_1577 = arith.constant 0 : i32
      %add3A_1578 = vector.broadcast %add3A_1577 : i32 to vector<16xi32>
      %add3A_1579 = arith.addi %add3A_1578, %iota3A : vector<16xi32>
      %add3A_1580 = arith.addi %gather3A_1576, %add3A_1579 : vector<16xi32>
      %gather3A_1581 = tpu.vector_load_idx %arg6[%add3A_1580] : memref<1728xf32, #tpu.memory_space<vmem>>[vector<16xi32>], vector<16xf32>,
      %add3A_1582 = arith.constant 16 : i32
      %add3A_1583 = vector.broadcast %add3A_1582 : i32 to vector<16xi32>
      %add3A_1584 = arith.addi %add3A_1583, %iota3A : vector<16xi32>
      %add3A_1585 = arith.addi %gather3A_1576, %add3A_1584 : vector<16xi32>
      %gather3A_1586 = tpu.vector_load_idx %arg6[%add3A_1585] : memref<1728xf32, #tpu.memory_space<vmem>>[vector<16xi32>], vector<16xf32>,
      %add3A_1587 = arith.constant 1536 : i32
      %add3A_1588 = arith.addi %mul3A_204, %add3A_1587 : i32
      %add3A_1589 = arith.constant 0 : i32
      %add3A_1590 = arith.addi %add3A_1588, %add3A_1589 : i32
      %add3A_1591 = arith.constant 0 : i32
      %add3A_1592 = arith.addi %add3A_1590, %add3A_1591 : i32
      %swap3A_1593 = arith.index_cast %add3A_1592 : i32 to index
      %swap3A_1594 = tpu.vector_load %arg7[%swap3A_1593] {strides = array<i32>} : memref<65536xf32, #tpu.memory_space<vmem>>, vector<16xf32>,
      tpu.vector_store %arg7[%swap3A_1593], %gather3A_1483 {strides = array<i32>} : memref<65536xf32, #tpu.memory_space<vmem>>, vector<16xf32>,
      %add3A_1595 = arith.constant 0 : i32
      %add3A_1596 = arith.addi %add3A_1588, %add3A_1595 : i32
      %add3A_1597 = arith.constant 16 : i32
      %add3A_1598 = arith.addi %add3A_1596, %add3A_1597 : i32
      %swap3A_1599 = arith.index_cast %add3A_1598 : i32 to index
      %swap3A_1600 = tpu.vector_load %arg7[%swap3A_1599] {strides = array<i32>} : memref<65536xf32, #tpu.memory_space<vmem>>, vector<16xf32>,
      tpu.vector_store %arg7[%swap3A_1599], %gather3A_1488 {strides = array<i32>} : memref<65536xf32, #tpu.memory_space<vmem>>, vector<16xf32>,
      %add3A_1601 = arith.constant 32 : i32
      %add3A_1602 = arith.addi %add3A_1588, %add3A_1601 : i32
      %add3A_1603 = arith.constant 0 : i32
      %add3A_1604 = arith.addi %add3A_1602, %add3A_1603 : i32
      %swap3A_1605 = arith.index_cast %add3A_1604 : i32 to index
      %swap3A_1606 = tpu.vector_load %arg7[%swap3A_1605] {strides = array<i32>} : memref<65536xf32, #tpu.memory_space<vmem>>, vector<16xf32>,
      tpu.vector_store %arg7[%swap3A_1605], %gather3A_1497 {strides = array<i32>} : memref<65536xf32, #tpu.memory_space<vmem>>, vector<16xf32>,
      %add3A_1607 = arith.constant 32 : i32
      %add3A_1608 = arith.addi %add3A_1588, %add3A_1607 : i32
      %add3A_1609 = arith.constant 16 : i32
      %add3A_1610 = arith.addi %add3A_1608, %add3A_1609 : i32
      %swap3A_1611 = arith.index_cast %add3A_1610 : i32 to index
      %swap3A_1612 = tpu.vector_load %arg7[%swap3A_1611] {strides = array<i32>} : memref<65536xf32, #tpu.memory_space<vmem>>, vector<16xf32>,
      tpu.vector_store %arg7[%swap3A_1611], %gather3A_1502 {strides = array<i32>} : memref<65536xf32, #tpu.memory_space<vmem>>, vector<16xf32>,
      %add3A_1613 = arith.constant 64 : i32
      %add3A_1614 = arith.addi %add3A_1588, %add3A_1613 : i32
      %add3A_1615 = arith.constant 0 : i32
      %add3A_1616 = arith.addi %add3A_1614, %add3A_1615 : i32
      %swap3A_1617 = arith.index_cast %add3A_1616 : i32 to index
      %swap3A_1618 = tpu.vector_load %arg7[%swap3A_1617] {strides = array<i32>} : memref<65536xf32, #tpu.memory_space<vmem>>, vector<16xf32>,
      tpu.vector_store %arg7[%swap3A_1617], %gather3A_1511 {strides = array<i32>} : memref<65536xf32, #tpu.memory_space<vmem>>, vector<16xf32>,
      %add3A_1619 = arith.constant 64 : i32
      %add3A_1620 = arith.addi %add3A_1588, %add3A_1619 : i32
      %add3A_1621 = arith.constant 16 : i32
      %add3A_1622 = arith.addi %add3A_1620, %add3A_1621 : i32
      %swap3A_1623 = arith.index_cast %add3A_1622 : i32 to index
      %swap3A_1624 = tpu.vector_load %arg7[%swap3A_1623] {strides = array<i32>} : memref<65536xf32, #tpu.memory_space<vmem>>, vector<16xf32>,
      tpu.vector_store %arg7[%swap3A_1623], %gather3A_1516 {strides = array<i32>} : memref<65536xf32, #tpu.memory_space<vmem>>, vector<16xf32>,
      %add3A_1625 = arith.constant 96 : i32
      %add3A_1626 = arith.addi %add3A_1588, %add3A_1625 : i32
      %add3A_1627 = arith.constant 0 : i32
      %add3A_1628 = arith.addi %add3A_1626, %add3A_1627 : i32
      %swap3A_1629 = arith.index_cast %add3A_1628 : i32 to index
      %swap3A_1630 = tpu.vector_load %arg7[%swap3A_1629] {strides = array<i32>} : memref<65536xf32, #tpu.memory_space<vmem>>, vector<16xf32>,
      tpu.vector_store %arg7[%swap3A_1629], %gather3A_1525 {strides = array<i32>} : memref<65536xf32, #tpu.memory_space<vmem>>, vector<16xf32>,
      %add3A_1631 = arith.constant 96 : i32
      %add3A_1632 = arith.addi %add3A_1588, %add3A_1631 : i32
      %add3A_1633 = arith.constant 16 : i32
      %add3A_1634 = arith.addi %add3A_1632, %add3A_1633 : i32
      %swap3A_1635 = arith.index_cast %add3A_1634 : i32 to index
      %swap3A_1636 = tpu.vector_load %arg7[%swap3A_1635] {strides = array<i32>} : memref<65536xf32, #tpu.memory_space<vmem>>, vector<16xf32>,
      tpu.vector_store %arg7[%swap3A_1635], %gather3A_1530 {strides = array<i32>} : memref<65536xf32, #tpu.memory_space<vmem>>, vector<16xf32>,
      %add3A_1637 = arith.constant 1664 : i32
      %add3A_1638 = arith.addi %mul3A_204, %add3A_1637 : i32
      %add3A_1639 = arith.constant 0 : i32
      %add3A_1640 = arith.addi %add3A_1638, %add3A_1639 : i32
      %add3A_1641 = arith.constant 0 : i32
      %add3A_1642 = arith.addi %add3A_1640, %add3A_1641 : i32
      %swap3A_1643 = arith.index_cast %add3A_1642 : i32 to index
      %swap3A_1644 = tpu.vector_load %arg7[%swap3A_1643] {strides = array<i32>} : memref<65536xf32, #tpu.memory_space<vmem>>, vector<16xf32>,
      tpu.vector_store %arg7[%swap3A_1643], %gather3A_1539 {strides = array<i32>} : memref<65536xf32, #tpu.memory_space<vmem>>, vector<16xf32>,
      %add3A_1645 = arith.constant 0 : i32
      %add3A_1646 = arith.addi %add3A_1638, %add3A_1645 : i32
      %add3A_1647 = arith.constant 16 : i32
      %add3A_1648 = arith.addi %add3A_1646, %add3A_1647 : i32
      %swap3A_1649 = arith.index_cast %add3A_1648 : i32 to index
      %swap3A_1650 = tpu.vector_load %arg7[%swap3A_1649] {strides = array<i32>} : memref<65536xf32, #tpu.memory_space<vmem>>, vector<16xf32>,
      tpu.vector_store %arg7[%swap3A_1649], %gather3A_1544 {strides = array<i32>} : memref<65536xf32, #tpu.memory_space<vmem>>, vector<16xf32>,
      %add3A_1651 = arith.constant 32 : i32
      %add3A_1652 = arith.addi %add3A_1638, %add3A_1651 : i32
      %add3A_1653 = arith.constant 0 : i32
      %add3A_1654 = arith.addi %add3A_1652, %add3A_1653 : i32
      %swap3A_1655 = arith.index_cast %add3A_1654 : i32 to index
      %swap3A_1656 = tpu.vector_load %arg7[%swap3A_1655] {strides = array<i32>} : memref<65536xf32, #tpu.memory_space<vmem>>, vector<16xf32>,
      tpu.vector_store %arg7[%swap3A_1655], %gather3A_1553 {strides = array<i32>} : memref<65536xf32, #tpu.memory_space<vmem>>, vector<16xf32>,
      %add3A_1657 = arith.constant 32 : i32
      %add3A_1658 = arith.addi %add3A_1638, %add3A_1657 : i32
      %add3A_1659 = arith.constant 16 : i32
      %add3A_1660 = arith.addi %add3A_1658, %add3A_1659 : i32
      %swap3A_1661 = arith.index_cast %add3A_1660 : i32 to index
      %swap3A_1662 = tpu.vector_load %arg7[%swap3A_1661] {strides = array<i32>} : memref<65536xf32, #tpu.memory_space<vmem>>, vector<16xf32>,
      tpu.vector_store %arg7[%swap3A_1661], %gather3A_1558 {strides = array<i32>} : memref<65536xf32, #tpu.memory_space<vmem>>, vector<16xf32>,
      %add3A_1663 = arith.constant 64 : i32
      %add3A_1664 = arith.addi %add3A_1638, %add3A_1663 : i32
      %add3A_1665 = arith.constant 0 : i32
      %add3A_1666 = arith.addi %add3A_1664, %add3A_1665 : i32
      %swap3A_1667 = arith.index_cast %add3A_1666 : i32 to index
      %swap3A_1668 = tpu.vector_load %arg7[%swap3A_1667] {strides = array<i32>} : memref<65536xf32, #tpu.memory_space<vmem>>, vector<16xf32>,
      tpu.vector_store %arg7[%swap3A_1667], %gather3A_1567 {strides = array<i32>} : memref<65536xf32, #tpu.memory_space<vmem>>, vector<16xf32>,
      %add3A_1669 = arith.constant 64 : i32
      %add3A_1670 = arith.addi %add3A_1638, %add3A_1669 : i32
      %add3A_1671 = arith.constant 16 : i32
      %add3A_1672 = arith.addi %add3A_1670, %add3A_1671 : i32
      %swap3A_1673 = arith.index_cast %add3A_1672 : i32 to index
      %swap3A_1674 = tpu.vector_load %arg7[%swap3A_1673] {strides = array<i32>} : memref<65536xf32, #tpu.memory_space<vmem>>, vector<16xf32>,
      tpu.vector_store %arg7[%swap3A_1673], %gather3A_1572 {strides = array<i32>} : memref<65536xf32, #tpu.memory_space<vmem>>, vector<16xf32>,
      %add3A_1675 = arith.constant 96 : i32
      %add3A_1676 = arith.addi %add3A_1638, %add3A_1675 : i32
      %add3A_1677 = arith.constant 0 : i32
      %add3A_1678 = arith.addi %add3A_1676, %add3A_1677 : i32
      %swap3A_1679 = arith.index_cast %add3A_1678 : i32 to index
      %swap3A_1680 = tpu.vector_load %arg7[%swap3A_1679] {strides = array<i32>} : memref<65536xf32, #tpu.memory_space<vmem>>, vector<16xf32>,
      tpu.vector_store %arg7[%swap3A_1679], %gather3A_1581 {strides = array<i32>} : memref<65536xf32, #tpu.memory_space<vmem>>, vector<16xf32>,
      %add3A_1681 = arith.constant 96 : i32
      %add3A_1682 = arith.addi %add3A_1638, %add3A_1681 : i32
      %add3A_1683 = arith.constant 16 : i32
      %add3A_1684 = arith.addi %add3A_1682, %add3A_1683 : i32
      %swap3A_1685 = arith.index_cast %add3A_1684 : i32 to index
      %swap3A_1686 = tpu.vector_load %arg7[%swap3A_1685] {strides = array<i32>} : memref<65536xf32, #tpu.memory_space<vmem>>, vector<16xf32>,
      tpu.vector_store %arg7[%swap3A_1685], %gather3A_1586 {strides = array<i32>} : memref<65536xf32, #tpu.memory_space<vmem>>, vector<16xf32>,
      %broadcast_in_dim3A_1687 = arith.constant 14 : i32
      %broadcast_in_dim3A_1688 = vector.broadcast %broadcast_in_dim3A_1687 : i32 to vector<16x1xi32>
      %gather3A_1689 = vector.shape_cast %broadcast_in_dim3A_1688 : vector<16x1xi32> to vector<16xi32>
      %gather3A_1690 = tpu.dynamic_gather %mul3A_184[%gather3A_1689] in [0] : vector<16xi32>, vector<16xi32> -> vector<16xi32>
      %add3A_1691 = arith.constant 0 : i32
      %add3A_1692 = vector.broadcast %add3A_1691 : i32 to vector<16xi32>
      %add3A_1693 = arith.addi %add3A_1692, %iota3A : vector<16xi32>
      %add3A_1694 = arith.addi %gather3A_1690, %add3A_1693 : vector<16xi32>
      %gather3A_1695 = tpu.vector_load_idx %arg6[%add3A_1694] : memref<1728xf32, #tpu.memory_space<vmem>>[vector<16xi32>], vector<16xf32>,
      %add3A_1696 = arith.constant 16 : i32
      %add3A_1697 = vector.broadcast %add3A_1696 : i32 to vector<16xi32>
      %add3A_1698 = arith.addi %add3A_1697, %iota3A : vector<16xi32>
      %add3A_1699 = arith.addi %gather3A_1690, %add3A_1698 : vector<16xi32>
      %gather3A_1700 = tpu.vector_load_idx %arg6[%add3A_1699] : memref<1728xf32, #tpu.memory_space<vmem>>[vector<16xi32>], vector<16xf32>,
      %broadcast_in_dim3A_1701 = arith.constant 14 : i32
      %broadcast_in_dim3A_1702 = vector.broadcast %broadcast_in_dim3A_1701 : i32 to vector<16x1xi32>
      %gather3A_1703 = vector.shape_cast %broadcast_in_dim3A_1702 : vector<16x1xi32> to vector<16xi32>
      %gather3A_1704 = tpu.dynamic_gather %mul3A_190[%gather3A_1703] in [0] : vector<16xi32>, vector<16xi32> -> vector<16xi32>
      %add3A_1705 = arith.constant 0 : i32
      %add3A_1706 = vector.broadcast %add3A_1705 : i32 to vector<16xi32>
      %add3A_1707 = arith.addi %add3A_1706, %iota3A : vector<16xi32>
      %add3A_1708 = arith.addi %gather3A_1704, %add3A_1707 : vector<16xi32>
      %gather3A_1709 = tpu.vector_load_idx %arg6[%add3A_1708] : memref<1728xf32, #tpu.memory_space<vmem>>[vector<16xi32>], vector<16xf32>,
      %add3A_1710 = arith.constant 16 : i32
      %add3A_1711 = vector.broadcast %add3A_1710 : i32 to vector<16xi32>
      %add3A_1712 = arith.addi %add3A_1711, %iota3A : vector<16xi32>
      %add3A_1713 = arith.addi %gather3A_1704, %add3A_1712 : vector<16xi32>
      %gather3A_1714 = tpu.vector_load_idx %arg6[%add3A_1713] : memref<1728xf32, #tpu.memory_space<vmem>>[vector<16xi32>], vector<16xf32>,
      %broadcast_in_dim3A_1715 = arith.constant 14 : i32
      %broadcast_in_dim3A_1716 = vector.broadcast %broadcast_in_dim3A_1715 : i32 to vector<16x1xi32>
      %gather3A_1717 = vector.shape_cast %broadcast_in_dim3A_1716 : vector<16x1xi32> to vector<16xi32>
      %gather3A_1718 = tpu.dynamic_gather %mul3A_196[%gather3A_1717] in [0] : vector<16xi32>, vector<16xi32> -> vector<16xi32>
      %add3A_1719 = arith.constant 0 : i32
      %add3A_1720 = vector.broadcast %add3A_1719 : i32 to vector<16xi32>
      %add3A_1721 = arith.addi %add3A_1720, %iota3A : vector<16xi32>
      %add3A_1722 = arith.addi %gather3A_1718, %add3A_1721 : vector<16xi32>
      %gather3A_1723 = tpu.vector_load_idx %arg6[%add3A_1722] : memref<1728xf32, #tpu.memory_space<vmem>>[vector<16xi32>], vector<16xf32>,
      %add3A_1724 = arith.constant 16 : i32
      %add3A_1725 = vector.broadcast %add3A_1724 : i32 to vector<16xi32>
      %add3A_1726 = arith.addi %add3A_1725, %iota3A : vector<16xi32>
      %add3A_1727 = arith.addi %gather3A_1718, %add3A_1726 : vector<16xi32>
      %gather3A_1728 = tpu.vector_load_idx %arg6[%add3A_1727] : memref<1728xf32, #tpu.memory_space<vmem>>[vector<16xi32>], vector<16xf32>,
      %broadcast_in_dim3A_1729 = arith.constant 14 : i32
      %broadcast_in_dim3A_1730 = vector.broadcast %broadcast_in_dim3A_1729 : i32 to vector<16x1xi32>
      %gather3A_1731 = vector.shape_cast %broadcast_in_dim3A_1730 : vector<16x1xi32> to vector<16xi32>
      %gather3A_1732 = tpu.dynamic_gather %mul3A_202[%gather3A_1731] in [0] : vector<16xi32>, vector<16xi32> -> vector<16xi32>
      %add3A_1733 = arith.constant 0 : i32
      %add3A_1734 = vector.broadcast %add3A_1733 : i32 to vector<16xi32>
      %add3A_1735 = arith.addi %add3A_1734, %iota3A : vector<16xi32>
      %add3A_1736 = arith.addi %gather3A_1732, %add3A_1735 : vector<16xi32>
      %gather3A_1737 = tpu.vector_load_idx %arg6[%add3A_1736] : memref<1728xf32, #tpu.memory_space<vmem>>[vector<16xi32>], vector<16xf32>,
      %add3A_1738 = arith.constant 16 : i32
      %add3A_1739 = vector.broadcast %add3A_1738 : i32 to vector<16xi32>
      %add3A_1740 = arith.addi %add3A_1739, %iota3A : vector<16xi32>
      %add3A_1741 = arith.addi %gather3A_1732, %add3A_1740 : vector<16xi32>
      %gather3A_1742 = tpu.vector_load_idx %arg6[%add3A_1741] : memref<1728xf32, #tpu.memory_space<vmem>>[vector<16xi32>], vector<16xf32>,
      %broadcast_in_dim3A_1743 = arith.constant 15 : i32
      %broadcast_in_dim3A_1744 = vector.broadcast %broadcast_in_dim3A_1743 : i32 to vector<16x1xi32>
      %gather3A_1745 = vector.shape_cast %broadcast_in_dim3A_1744 : vector<16x1xi32> to vector<16xi32>
      %gather3A_1746 = tpu.dynamic_gather %mul3A_184[%gather3A_1745] in [0] : vector<16xi32>, vector<16xi32> -> vector<16xi32>
      %add3A_1747 = arith.constant 0 : i32
      %add3A_1748 = vector.broadcast %add3A_1747 : i32 to vector<16xi32>
      %add3A_1749 = arith.addi %add3A_1748, %iota3A : vector<16xi32>
      %add3A_1750 = arith.addi %gather3A_1746, %add3A_1749 : vector<16xi32>
      %gather3A_1751 = tpu.vector_load_idx %arg6[%add3A_1750] : memref<1728xf32, #tpu.memory_space<vmem>>[vector<16xi32>], vector<16xf32>,
      %add3A_1752 = arith.constant 16 : i32
      %add3A_1753 = vector.broadcast %add3A_1752 : i32 to vector<16xi32>
      %add3A_1754 = arith.addi %add3A_1753, %iota3A : vector<16xi32>
      %add3A_1755 = arith.addi %gather3A_1746, %add3A_1754 : vector<16xi32>
      %gather3A_1756 = tpu.vector_load_idx %arg6[%add3A_1755] : memref<1728xf32, #tpu.memory_space<vmem>>[vector<16xi32>], vector<16xf32>,
      %broadcast_in_dim3A_1757 = arith.constant 15 : i32
      %broadcast_in_dim3A_1758 = vector.broadcast %broadcast_in_dim3A_1757 : i32 to vector<16x1xi32>
      %gather3A_1759 = vector.shape_cast %broadcast_in_dim3A_1758 : vector<16x1xi32> to vector<16xi32>
      %gather3A_1760 = tpu.dynamic_gather %mul3A_190[%gather3A_1759] in [0] : vector<16xi32>, vector<16xi32> -> vector<16xi32>
      %add3A_1761 = arith.constant 0 : i32
      %add3A_1762 = vector.broadcast %add3A_1761 : i32 to vector<16xi32>
      %add3A_1763 = arith.addi %add3A_1762, %iota3A : vector<16xi32>
      %add3A_1764 = arith.addi %gather3A_1760, %add3A_1763 : vector<16xi32>
      %gather3A_1765 = tpu.vector_load_idx %arg6[%add3A_1764] : memref<1728xf32, #tpu.memory_space<vmem>>[vector<16xi32>], vector<16xf32>,
      %add3A_1766 = arith.constant 16 : i32
      %add3A_1767 = vector.broadcast %add3A_1766 : i32 to vector<16xi32>
      %add3A_1768 = arith.addi %add3A_1767, %iota3A : vector<16xi32>
      %add3A_1769 = arith.addi %gather3A_1760, %add3A_1768 : vector<16xi32>
      %gather3A_1770 = tpu.vector_load_idx %arg6[%add3A_1769] : memref<1728xf32, #tpu.memory_space<vmem>>[vector<16xi32>], vector<16xf32>,
      %broadcast_in_dim3A_1771 = arith.constant 15 : i32
      %broadcast_in_dim3A_1772 = vector.broadcast %broadcast_in_dim3A_1771 : i32 to vector<16x1xi32>
      %gather3A_1773 = vector.shape_cast %broadcast_in_dim3A_1772 : vector<16x1xi32> to vector<16xi32>
      %gather3A_1774 = tpu.dynamic_gather %mul3A_196[%gather3A_1773] in [0] : vector<16xi32>, vector<16xi32> -> vector<16xi32>
      %add3A_1775 = arith.constant 0 : i32
      %add3A_1776 = vector.broadcast %add3A_1775 : i32 to vector<16xi32>
      %add3A_1777 = arith.addi %add3A_1776, %iota3A : vector<16xi32>
      %add3A_1778 = arith.addi %gather3A_1774, %add3A_1777 : vector<16xi32>
      %gather3A_1779 = tpu.vector_load_idx %arg6[%add3A_1778] : memref<1728xf32, #tpu.memory_space<vmem>>[vector<16xi32>], vector<16xf32>,
      %add3A_1780 = arith.constant 16 : i32
      %add3A_1781 = vector.broadcast %add3A_1780 : i32 to vector<16xi32>
      %add3A_1782 = arith.addi %add3A_1781, %iota3A : vector<16xi32>
      %add3A_1783 = arith.addi %gather3A_1774, %add3A_1782 : vector<16xi32>
      %gather3A_1784 = tpu.vector_load_idx %arg6[%add3A_1783] : memref<1728xf32, #tpu.memory_space<vmem>>[vector<16xi32>], vector<16xf32>,
      %broadcast_in_dim3A_1785 = arith.constant 15 : i32
      %broadcast_in_dim3A_1786 = vector.broadcast %broadcast_in_dim3A_1785 : i32 to vector<16x1xi32>
      %gather3A_1787 = vector.shape_cast %broadcast_in_dim3A_1786 : vector<16x1xi32> to vector<16xi32>
      %gather3A_1788 = tpu.dynamic_gather %mul3A_202[%gather3A_1787] in [0] : vector<16xi32>, vector<16xi32> -> vector<16xi32>
      %add3A_1789 = arith.constant 0 : i32
      %add3A_1790 = vector.broadcast %add3A_1789 : i32 to vector<16xi32>
      %add3A_1791 = arith.addi %add3A_1790, %iota3A : vector<16xi32>
      %add3A_1792 = arith.addi %gather3A_1788, %add3A_1791 : vector<16xi32>
      %gather3A_1793 = tpu.vector_load_idx %arg6[%add3A_1792] : memref<1728xf32, #tpu.memory_space<vmem>>[vector<16xi32>], vector<16xf32>,
      %add3A_1794 = arith.constant 16 : i32
      %add3A_1795 = vector.broadcast %add3A_1794 : i32 to vector<16xi32>
      %add3A_1796 = arith.addi %add3A_1795, %iota3A : vector<16xi32>
      %add3A_1797 = arith.addi %gather3A_1788, %add3A_1796 : vector<16xi32>
      %gather3A_1798 = tpu.vector_load_idx %arg6[%add3A_1797] : memref<1728xf32, #tpu.memory_space<vmem>>[vector<16xi32>], vector<16xf32>,
      %add3A_1799 = arith.constant 1792 : i32
      %add3A_1800 = arith.addi %mul3A_204, %add3A_1799 : i32
      %add3A_1801 = arith.constant 0 : i32
      %add3A_1802 = arith.addi %add3A_1800, %add3A_1801 : i32
      %add3A_1803 = arith.constant 0 : i32
      %add3A_1804 = arith.addi %add3A_1802, %add3A_1803 : i32
      %swap3A_1805 = arith.index_cast %add3A_1804 : i32 to index
      %swap3A_1806 = tpu.vector_load %arg7[%swap3A_1805] {strides = array<i32>} : memref<65536xf32, #tpu.memory_space<vmem>>, vector<16xf32>,
      tpu.vector_store %arg7[%swap3A_1805], %gather3A_1695 {strides = array<i32>} : memref<65536xf32, #tpu.memory_space<vmem>>, vector<16xf32>,
      %add3A_1807 = arith.constant 0 : i32
      %add3A_1808 = arith.addi %add3A_1800, %add3A_1807 : i32
      %add3A_1809 = arith.constant 16 : i32
      %add3A_1810 = arith.addi %add3A_1808, %add3A_1809 : i32
      %swap3A_1811 = arith.index_cast %add3A_1810 : i32 to index
      %swap3A_1812 = tpu.vector_load %arg7[%swap3A_1811] {strides = array<i32>} : memref<65536xf32, #tpu.memory_space<vmem>>, vector<16xf32>,
      tpu.vector_store %arg7[%swap3A_1811], %gather3A_1700 {strides = array<i32>} : memref<65536xf32, #tpu.memory_space<vmem>>, vector<16xf32>,
      %add3A_1813 = arith.constant 32 : i32
      %add3A_1814 = arith.addi %add3A_1800, %add3A_1813 : i32
      %add3A_1815 = arith.constant 0 : i32
      %add3A_1816 = arith.addi %add3A_1814, %add3A_1815 : i32
      %swap3A_1817 = arith.index_cast %add3A_1816 : i32 to index
      %swap3A_1818 = tpu.vector_load %arg7[%swap3A_1817] {strides = array<i32>} : memref<65536xf32, #tpu.memory_space<vmem>>, vector<16xf32>,
      tpu.vector_store %arg7[%swap3A_1817], %gather3A_1709 {strides = array<i32>} : memref<65536xf32, #tpu.memory_space<vmem>>, vector<16xf32>,
      %add3A_1819 = arith.constant 32 : i32
      %add3A_1820 = arith.addi %add3A_1800, %add3A_1819 : i32
      %add3A_1821 = arith.constant 16 : i32
      %add3A_1822 = arith.addi %add3A_1820, %add3A_1821 : i32
      %swap3A_1823 = arith.index_cast %add3A_1822 : i32 to index
      %swap3A_1824 = tpu.vector_load %arg7[%swap3A_1823] {strides = array<i32>} : memref<65536xf32, #tpu.memory_space<vmem>>, vector<16xf32>,
      tpu.vector_store %arg7[%swap3A_1823], %gather3A_1714 {strides = array<i32>} : memref<65536xf32, #tpu.memory_space<vmem>>, vector<16xf32>,
      %add3A_1825 = arith.constant 64 : i32
      %add3A_1826 = arith.addi %add3A_1800, %add3A_1825 : i32
      %add3A_1827 = arith.constant 0 : i32
      %add3A_1828 = arith.addi %add3A_1826, %add3A_1827 : i32
      %swap3A_1829 = arith.index_cast %add3A_1828 : i32 to index
      %swap3A_1830 = tpu.vector_load %arg7[%swap3A_1829] {strides = array<i32>} : memref<65536xf32, #tpu.memory_space<vmem>>, vector<16xf32>,
      tpu.vector_store %arg7[%swap3A_1829], %gather3A_1723 {strides = array<i32>} : memref<65536xf32, #tpu.memory_space<vmem>>, vector<16xf32>,
      %add3A_1831 = arith.constant 64 : i32
      %add3A_1832 = arith.addi %add3A_1800, %add3A_1831 : i32
      %add3A_1833 = arith.constant 16 : i32
      %add3A_1834 = arith.addi %add3A_1832, %add3A_1833 : i32
      %swap3A_1835 = arith.index_cast %add3A_1834 : i32 to index
      %swap3A_1836 = tpu.vector_load %arg7[%swap3A_1835] {strides = array<i32>} : memref<65536xf32, #tpu.memory_space<vmem>>, vector<16xf32>,
      tpu.vector_store %arg7[%swap3A_1835], %gather3A_1728 {strides = array<i32>} : memref<65536xf32, #tpu.memory_space<vmem>>, vector<16xf32>,
      %add3A_1837 = arith.constant 96 : i32
      %add3A_1838 = arith.addi %add3A_1800, %add3A_1837 : i32
      %add3A_1839 = arith.constant 0 : i32
      %add3A_1840 = arith.addi %add3A_1838, %add3A_1839 : i32
      %swap3A_1841 = arith.index_cast %add3A_1840 : i32 to index
      %swap3A_1842 = tpu.vector_load %arg7[%swap3A_1841] {strides = array<i32>} : memref<65536xf32, #tpu.memory_space<vmem>>, vector<16xf32>,
      tpu.vector_store %arg7[%swap3A_1841], %gather3A_1737 {strides = array<i32>} : memref<65536xf32, #tpu.memory_space<vmem>>, vector<16xf32>,
      %add3A_1843 = arith.constant 96 : i32
      %add3A_1844 = arith.addi %add3A_1800, %add3A_1843 : i32
      %add3A_1845 = arith.constant 16 : i32
      %add3A_1846 = arith.addi %add3A_1844, %add3A_1845 : i32
      %swap3A_1847 = arith.index_cast %add3A_1846 : i32 to index
      %swap3A_1848 = tpu.vector_load %arg7[%swap3A_1847] {strides = array<i32>} : memref<65536xf32, #tpu.memory_space<vmem>>, vector<16xf32>,
      tpu.vector_store %arg7[%swap3A_1847], %gather3A_1742 {strides = array<i32>} : memref<65536xf32, #tpu.memory_space<vmem>>, vector<16xf32>,
      %add3A_1849 = arith.constant 1920 : i32
      %add3A_1850 = arith.addi %mul3A_204, %add3A_1849 : i32
      %add3A_1851 = arith.constant 0 : i32
      %add3A_1852 = arith.addi %add3A_1850, %add3A_1851 : i32
      %add3A_1853 = arith.constant 0 : i32
      %add3A_1854 = arith.addi %add3A_1852, %add3A_1853 : i32
      %swap3A_1855 = arith.index_cast %add3A_1854 : i32 to index
      %swap3A_1856 = tpu.vector_load %arg7[%swap3A_1855] {strides = array<i32>} : memref<65536xf32, #tpu.memory_space<vmem>>, vector<16xf32>,
      tpu.vector_store %arg7[%swap3A_1855], %gather3A_1751 {strides = array<i32>} : memref<65536xf32, #tpu.memory_space<vmem>>, vector<16xf32>,
      %add3A_1857 = arith.constant 0 : i32
      %add3A_1858 = arith.addi %add3A_1850, %add3A_1857 : i32
      %add3A_1859 = arith.constant 16 : i32
      %add3A_1860 = arith.addi %add3A_1858, %add3A_1859 : i32
      %swap3A_1861 = arith.index_cast %add3A_1860 : i32 to index
      %swap3A_1862 = tpu.vector_load %arg7[%swap3A_1861] {strides = array<i32>} : memref<65536xf32, #tpu.memory_space<vmem>>, vector<16xf32>,
      tpu.vector_store %arg7[%swap3A_1861], %gather3A_1756 {strides = array<i32>} : memref<65536xf32, #tpu.memory_space<vmem>>, vector<16xf32>,
      %add3A_1863 = arith.constant 32 : i32
      %add3A_1864 = arith.addi %add3A_1850, %add3A_1863 : i32
      %add3A_1865 = arith.constant 0 : i32
      %add3A_1866 = arith.addi %add3A_1864, %add3A_1865 : i32
      %swap3A_1867 = arith.index_cast %add3A_1866 : i32 to index
      %swap3A_1868 = tpu.vector_load %arg7[%swap3A_1867] {strides = array<i32>} : memref<65536xf32, #tpu.memory_space<vmem>>, vector<16xf32>,
      tpu.vector_store %arg7[%swap3A_1867], %gather3A_1765 {strides = array<i32>} : memref<65536xf32, #tpu.memory_space<vmem>>, vector<16xf32>,
      %add3A_1869 = arith.constant 32 : i32
      %add3A_1870 = arith.addi %add3A_1850, %add3A_1869 : i32
      %add3A_1871 = arith.constant 16 : i32
      %add3A_1872 = arith.addi %add3A_1870, %add3A_1871 : i32
      %swap3A_1873 = arith.index_cast %add3A_1872 : i32 to index
      %swap3A_1874 = tpu.vector_load %arg7[%swap3A_1873] {strides = array<i32>} : memref<65536xf32, #tpu.memory_space<vmem>>, vector<16xf32>,
      tpu.vector_store %arg7[%swap3A_1873], %gather3A_1770 {strides = array<i32>} : memref<65536xf32, #tpu.memory_space<vmem>>, vector<16xf32>,
      %add3A_1875 = arith.constant 64 : i32
      %add3A_1876 = arith.addi %add3A_1850, %add3A_1875 : i32
      %add3A_1877 = arith.constant 0 : i32
      %add3A_1878 = arith.addi %add3A_1876, %add3A_1877 : i32
      %swap3A_1879 = arith.index_cast %add3A_1878 : i32 to index
      %swap3A_1880 = tpu.vector_load %arg7[%swap3A_1879] {strides = array<i32>} : memref<65536xf32, #tpu.memory_space<vmem>>, vector<16xf32>,
      tpu.vector_store %arg7[%swap3A_1879], %gather3A_1779 {strides = array<i32>} : memref<65536xf32, #tpu.memory_space<vmem>>, vector<16xf32>,
      %add3A_1881 = arith.constant 64 : i32
      %add3A_1882 = arith.addi %add3A_1850, %add3A_1881 : i32
      %add3A_1883 = arith.constant 16 : i32
      %add3A_1884 = arith.addi %add3A_1882, %add3A_1883 : i32
      %swap3A_1885 = arith.index_cast %add3A_1884 : i32 to index
      %swap3A_1886 = tpu.vector_load %arg7[%swap3A_1885] {strides = array<i32>} : memref<65536xf32, #tpu.memory_space<vmem>>, vector<16xf32>,
      tpu.vector_store %arg7[%swap3A_1885], %gather3A_1784 {strides = array<i32>} : memref<65536xf32, #tpu.memory_space<vmem>>, vector<16xf32>,
      %add3A_1887 = arith.constant 96 : i32
      %add3A_1888 = arith.addi %add3A_1850, %add3A_1887 : i32
      %add3A_1889 = arith.constant 0 : i32
      %add3A_1890 = arith.addi %add3A_1888, %add3A_1889 : i32
      %swap3A_1891 = arith.index_cast %add3A_1890 : i32 to index
      %swap3A_1892 = tpu.vector_load %arg7[%swap3A_1891] {strides = array<i32>} : memref<65536xf32, #tpu.memory_space<vmem>>, vector<16xf32>,
      tpu.vector_store %arg7[%swap3A_1891], %gather3A_1793 {strides = array<i32>} : memref<65536xf32, #tpu.memory_space<vmem>>, vector<16xf32>,
      %add3A_1893 = arith.constant 96 : i32
      %add3A_1894 = arith.addi %add3A_1850, %add3A_1893 : i32
      %add3A_1895 = arith.constant 16 : i32
      %add3A_1896 = arith.addi %add3A_1894, %add3A_1895 : i32
      %swap3A_1897 = arith.index_cast %add3A_1896 : i32 to index
      %swap3A_1898 = tpu.vector_load %arg7[%swap3A_1897] {strides = array<i32>} : memref<65536xf32, #tpu.memory_space<vmem>>, vector<16xf32>,
      tpu.vector_store %arg7[%swap3A_1897], %gather3A_1798 {strides = array<i32>} : memref<65536xf32, #tpu.memory_space<vmem>>, vector<16xf32>,
      %rem3A = arith.constant 2 : i32
      %rem3A_1899 = arith.remsi %scan3A_108, %rem3A : i32
      %eq3A = arith.constant 1 : i32
      %eq3A_1900 = arith.cmpi eq, %rem3A_1899, %eq3A : i32
      %convert_element_type3A_1901 = arith.extui %eq3A_1900 : i1 to i32
      %cond3A = arith.constant 0 : i32
      %cond3A_1902 = arith.cmpi ne, %convert_element_type3A_1901, %cond3A : i32
      scf.if %cond3A_1902 {
        %sub3A_1903 = arith.constant 2048 : i32
        %sub3A_1904 = arith.subi %mul3A_204, %sub3A_1903 : i32
        %add3A_1905 = arith.addi %mul3A_6, %sub3A_1904 : i32
        %dma_start3A_1906 = tpu.memref_slice %arg7[%sub3A_1904] : memref<65536xf32, #tpu.memory_space<vmem>> -> memref<4096xf32, #tpu.memory_space<vmem>>
        %dma_start3A_1907 = tpu.memref_slice %arg4[%add3A_1905] : memref<2097152xf32, #tpu.memory_space<hbm>> -> memref<4096xf32, #tpu.memory_space<hbm>>
        %dma_start3A_1908 = tpu.memref_slice %arg4[%add3A_1905] : memref<2097152xf32, #tpu.memory_space<hbm>> -> memref<4096xf32, #tpu.memory_space<hbm>>
        %dma_start3A_1909 = tpu.memref_slice %arg7[%sub3A_1904] : memref<65536xf32, #tpu.memory_space<vmem>> -> memref<4096xf32, #tpu.memory_space<vmem>>
        tpu.enqueue_dma source(%dma_start3A_1909 : memref<4096xf32, #tpu.memory_space<vmem>>) target(%dma_start3A_1908 : memref<4096xf32, #tpu.memory_space<hbm>>) target_semaphore(%arg8 : memref<!tpu.dma_semaphore, #tpu.memory_space<semaphore_mem>>)
      } else {
      }
    }
    %scan3A_11 = arith.constant 32 : i32
    %dma_wait3A_12 = arith.constant 0 : i32
    %dma_wait3A_13 = tpu.memref_slice %arg7[%dma_wait3A_12] : memref<65536xf32, #tpu.memory_space<vmem>> -> memref<4096xf32, #tpu.memory_space<vmem>>
    %dma_wait3A_14 = tpu.memref_slice %arg4[%mul3A_6] : memref<2097152xf32, #tpu.memory_space<hbm>> -> memref<4096xf32, #tpu.memory_space<hbm>>
    %dma_wait3A_15 = tpu.memref_slice %arg4[%mul3A_6] : memref<2097152xf32, #tpu.memory_space<hbm>> -> memref<4096xf32, #tpu.memory_space<hbm>>
    %dma_wait3A_16 = arith.constant 0 : i32
    %dma_wait3A_17 = tpu.memref_slice %arg7[%dma_wait3A_16] : memref<65536xf32, #tpu.memory_space<vmem>> -> memref<4096xf32, #tpu.memory_space<vmem>>
    tpu.wait_dma2 semaphore(%arg8 : memref<!tpu.dma_semaphore, #tpu.memory_space<semaphore_mem>>) src(%dma_wait3A_17 : memref<4096xf32, #tpu.memory_space<vmem>>) dst(%dma_wait3A_15 : memref<4096xf32, #tpu.memory_space<hbm>>)
    %dma_wait3A_18 = arith.constant 0 : i32
    %dma_wait3A_19 = tpu.memref_slice %arg7[%dma_wait3A_18] : memref<65536xf32, #tpu.memory_space<vmem>> -> memref<4096xf32, #tpu.memory_space<vmem>>
    %dma_wait3A_20 = tpu.memref_slice %arg4[%mul3A_6] : memref<2097152xf32, #tpu.memory_space<hbm>> -> memref<4096xf32, #tpu.memory_space<hbm>>
    %dma_wait3A_21 = tpu.memref_slice %arg4[%mul3A_6] : memref<2097152xf32, #tpu.memory_space<hbm>> -> memref<4096xf32, #tpu.memory_space<hbm>>
    %dma_wait3A_22 = arith.constant 0 : i32
    %dma_wait3A_23 = tpu.memref_slice %arg7[%dma_wait3A_22] : memref<65536xf32, #tpu.memory_space<vmem>> -> memref<4096xf32, #tpu.memory_space<vmem>>
    tpu.wait_dma2 semaphore(%arg8 : memref<!tpu.dma_semaphore, #tpu.memory_space<semaphore_mem>>) src(%dma_wait3A_23 : memref<4096xf32, #tpu.memory_space<vmem>>) dst(%dma_wait3A_21 : memref<4096xf32, #tpu.memory_space<hbm>>)
    %dma_wait3A_24 = arith.constant 0 : i32
    %dma_wait3A_25 = tpu.memref_slice %arg7[%dma_wait3A_24] : memref<65536xf32, #tpu.memory_space<vmem>> -> memref<4096xf32, #tpu.memory_space<vmem>>
    %dma_wait3A_26 = tpu.memref_slice %arg4[%mul3A_6] : memref<2097152xf32, #tpu.memory_space<hbm>> -> memref<4096xf32, #tpu.memory_space<hbm>>
    %dma_wait3A_27 = tpu.memref_slice %arg4[%mul3A_6] : memref<2097152xf32, #tpu.memory_space<hbm>> -> memref<4096xf32, #tpu.memory_space<hbm>>
    %dma_wait3A_28 = arith.constant 0 : i32
    %dma_wait3A_29 = tpu.memref_slice %arg7[%dma_wait3A_28] : memref<65536xf32, #tpu.memory_space<vmem>> -> memref<4096xf32, #tpu.memory_space<vmem>>
    tpu.wait_dma2 semaphore(%arg8 : memref<!tpu.dma_semaphore, #tpu.memory_space<semaphore_mem>>) src(%dma_wait3A_29 : memref<4096xf32, #tpu.memory_space<vmem>>) dst(%dma_wait3A_27 : memref<4096xf32, #tpu.memory_space<hbm>>)
    %dma_wait3A_30 = arith.constant 0 : i32
    %dma_wait3A_31 = tpu.memref_slice %arg7[%dma_wait3A_30] : memref<65536xf32, #tpu.memory_space<vmem>> -> memref<4096xf32, #tpu.memory_space<vmem>>
    %dma_wait3A_32 = tpu.memref_slice %arg4[%mul3A_6] : memref<2097152xf32, #tpu.memory_space<hbm>> -> memref<4096xf32, #tpu.memory_space<hbm>>
    %dma_wait3A_33 = tpu.memref_slice %arg4[%mul3A_6] : memref<2097152xf32, #tpu.memory_space<hbm>> -> memref<4096xf32, #tpu.memory_space<hbm>>
    %dma_wait3A_34 = arith.constant 0 : i32
    %dma_wait3A_35 = tpu.memref_slice %arg7[%dma_wait3A_34] : memref<65536xf32, #tpu.memory_space<vmem>> -> memref<4096xf32, #tpu.memory_space<vmem>>
    tpu.wait_dma2 semaphore(%arg8 : memref<!tpu.dma_semaphore, #tpu.memory_space<semaphore_mem>>) src(%dma_wait3A_35 : memref<4096xf32, #tpu.memory_space<vmem>>) dst(%dma_wait3A_33 : memref<4096xf32, #tpu.memory_space<hbm>>)
    %dma_wait3A_36 = arith.constant 0 : i32
    %dma_wait3A_37 = tpu.memref_slice %arg7[%dma_wait3A_36] : memref<65536xf32, #tpu.memory_space<vmem>> -> memref<4096xf32, #tpu.memory_space<vmem>>
    %dma_wait3A_38 = tpu.memref_slice %arg4[%mul3A_6] : memref<2097152xf32, #tpu.memory_space<hbm>> -> memref<4096xf32, #tpu.memory_space<hbm>>
    %dma_wait3A_39 = tpu.memref_slice %arg4[%mul3A_6] : memref<2097152xf32, #tpu.memory_space<hbm>> -> memref<4096xf32, #tpu.memory_space<hbm>>
    %dma_wait3A_40 = arith.constant 0 : i32
    %dma_wait3A_41 = tpu.memref_slice %arg7[%dma_wait3A_40] : memref<65536xf32, #tpu.memory_space<vmem>> -> memref<4096xf32, #tpu.memory_space<vmem>>
    tpu.wait_dma2 semaphore(%arg8 : memref<!tpu.dma_semaphore, #tpu.memory_space<semaphore_mem>>) src(%dma_wait3A_41 : memref<4096xf32, #tpu.memory_space<vmem>>) dst(%dma_wait3A_39 : memref<4096xf32, #tpu.memory_space<hbm>>)
    %dma_wait3A_42 = arith.constant 0 : i32
    %dma_wait3A_43 = tpu.memref_slice %arg7[%dma_wait3A_42] : memref<65536xf32, #tpu.memory_space<vmem>> -> memref<4096xf32, #tpu.memory_space<vmem>>
    %dma_wait3A_44 = tpu.memref_slice %arg4[%mul3A_6] : memref<2097152xf32, #tpu.memory_space<hbm>> -> memref<4096xf32, #tpu.memory_space<hbm>>
    %dma_wait3A_45 = tpu.memref_slice %arg4[%mul3A_6] : memref<2097152xf32, #tpu.memory_space<hbm>> -> memref<4096xf32, #tpu.memory_space<hbm>>
    %dma_wait3A_46 = arith.constant 0 : i32
    %dma_wait3A_47 = tpu.memref_slice %arg7[%dma_wait3A_46] : memref<65536xf32, #tpu.memory_space<vmem>> -> memref<4096xf32, #tpu.memory_space<vmem>>
    tpu.wait_dma2 semaphore(%arg8 : memref<!tpu.dma_semaphore, #tpu.memory_space<semaphore_mem>>) src(%dma_wait3A_47 : memref<4096xf32, #tpu.memory_space<vmem>>) dst(%dma_wait3A_45 : memref<4096xf32, #tpu.memory_space<hbm>>)
    %dma_wait3A_48 = arith.constant 0 : i32
    %dma_wait3A_49 = tpu.memref_slice %arg7[%dma_wait3A_48] : memref<65536xf32, #tpu.memory_space<vmem>> -> memref<4096xf32, #tpu.memory_space<vmem>>
    %dma_wait3A_50 = tpu.memref_slice %arg4[%mul3A_6] : memref<2097152xf32, #tpu.memory_space<hbm>> -> memref<4096xf32, #tpu.memory_space<hbm>>
    %dma_wait3A_51 = tpu.memref_slice %arg4[%mul3A_6] : memref<2097152xf32, #tpu.memory_space<hbm>> -> memref<4096xf32, #tpu.memory_space<hbm>>
    %dma_wait3A_52 = arith.constant 0 : i32
    %dma_wait3A_53 = tpu.memref_slice %arg7[%dma_wait3A_52] : memref<65536xf32, #tpu.memory_space<vmem>> -> memref<4096xf32, #tpu.memory_space<vmem>>
    tpu.wait_dma2 semaphore(%arg8 : memref<!tpu.dma_semaphore, #tpu.memory_space<semaphore_mem>>) src(%dma_wait3A_53 : memref<4096xf32, #tpu.memory_space<vmem>>) dst(%dma_wait3A_51 : memref<4096xf32, #tpu.memory_space<hbm>>)
    %dma_wait3A_54 = arith.constant 0 : i32
    %dma_wait3A_55 = tpu.memref_slice %arg7[%dma_wait3A_54] : memref<65536xf32, #tpu.memory_space<vmem>> -> memref<4096xf32, #tpu.memory_space<vmem>>
    %dma_wait3A_56 = tpu.memref_slice %arg4[%mul3A_6] : memref<2097152xf32, #tpu.memory_space<hbm>> -> memref<4096xf32, #tpu.memory_space<hbm>>
    %dma_wait3A_57 = tpu.memref_slice %arg4[%mul3A_6] : memref<2097152xf32, #tpu.memory_space<hbm>> -> memref<4096xf32, #tpu.memory_space<hbm>>
    %dma_wait3A_58 = arith.constant 0 : i32
    %dma_wait3A_59 = tpu.memref_slice %arg7[%dma_wait3A_58] : memref<65536xf32, #tpu.memory_space<vmem>> -> memref<4096xf32, #tpu.memory_space<vmem>>
    tpu.wait_dma2 semaphore(%arg8 : memref<!tpu.dma_semaphore, #tpu.memory_space<semaphore_mem>>) src(%dma_wait3A_59 : memref<4096xf32, #tpu.memory_space<vmem>>) dst(%dma_wait3A_57 : memref<4096xf32, #tpu.memory_space<hbm>>)
    %dma_wait3A_60 = arith.constant 0 : i32
    %dma_wait3A_61 = tpu.memref_slice %arg7[%dma_wait3A_60] : memref<65536xf32, #tpu.memory_space<vmem>> -> memref<4096xf32, #tpu.memory_space<vmem>>
    %dma_wait3A_62 = tpu.memref_slice %arg4[%mul3A_6] : memref<2097152xf32, #tpu.memory_space<hbm>> -> memref<4096xf32, #tpu.memory_space<hbm>>
    %dma_wait3A_63 = tpu.memref_slice %arg4[%mul3A_6] : memref<2097152xf32, #tpu.memory_space<hbm>> -> memref<4096xf32, #tpu.memory_space<hbm>>
    %dma_wait3A_64 = arith.constant 0 : i32
    %dma_wait3A_65 = tpu.memref_slice %arg7[%dma_wait3A_64] : memref<65536xf32, #tpu.memory_space<vmem>> -> memref<4096xf32, #tpu.memory_space<vmem>>
    tpu.wait_dma2 semaphore(%arg8 : memref<!tpu.dma_semaphore, #tpu.memory_space<semaphore_mem>>) src(%dma_wait3A_65 : memref<4096xf32, #tpu.memory_space<vmem>>) dst(%dma_wait3A_63 : memref<4096xf32, #tpu.memory_space<hbm>>)
    %dma_wait3A_66 = arith.constant 0 : i32
    %dma_wait3A_67 = tpu.memref_slice %arg7[%dma_wait3A_66] : memref<65536xf32, #tpu.memory_space<vmem>> -> memref<4096xf32, #tpu.memory_space<vmem>>
    %dma_wait3A_68 = tpu.memref_slice %arg4[%mul3A_6] : memref<2097152xf32, #tpu.memory_space<hbm>> -> memref<4096xf32, #tpu.memory_space<hbm>>
    %dma_wait3A_69 = tpu.memref_slice %arg4[%mul3A_6] : memref<2097152xf32, #tpu.memory_space<hbm>> -> memref<4096xf32, #tpu.memory_space<hbm>>
    %dma_wait3A_70 = arith.constant 0 : i32
    %dma_wait3A_71 = tpu.memref_slice %arg7[%dma_wait3A_70] : memref<65536xf32, #tpu.memory_space<vmem>> -> memref<4096xf32, #tpu.memory_space<vmem>>
    tpu.wait_dma2 semaphore(%arg8 : memref<!tpu.dma_semaphore, #tpu.memory_space<semaphore_mem>>) src(%dma_wait3A_71 : memref<4096xf32, #tpu.memory_space<vmem>>) dst(%dma_wait3A_69 : memref<4096xf32, #tpu.memory_space<hbm>>)
    %dma_wait3A_72 = arith.constant 0 : i32
    %dma_wait3A_73 = tpu.memref_slice %arg7[%dma_wait3A_72] : memref<65536xf32, #tpu.memory_space<vmem>> -> memref<4096xf32, #tpu.memory_space<vmem>>
    %dma_wait3A_74 = tpu.memref_slice %arg4[%mul3A_6] : memref<2097152xf32, #tpu.memory_space<hbm>> -> memref<4096xf32, #tpu.memory_space<hbm>>
    %dma_wait3A_75 = tpu.memref_slice %arg4[%mul3A_6] : memref<2097152xf32, #tpu.memory_space<hbm>> -> memref<4096xf32, #tpu.memory_space<hbm>>
    %dma_wait3A_76 = arith.constant 0 : i32
    %dma_wait3A_77 = tpu.memref_slice %arg7[%dma_wait3A_76] : memref<65536xf32, #tpu.memory_space<vmem>> -> memref<4096xf32, #tpu.memory_space<vmem>>
    tpu.wait_dma2 semaphore(%arg8 : memref<!tpu.dma_semaphore, #tpu.memory_space<semaphore_mem>>) src(%dma_wait3A_77 : memref<4096xf32, #tpu.memory_space<vmem>>) dst(%dma_wait3A_75 : memref<4096xf32, #tpu.memory_space<hbm>>)
    %dma_wait3A_78 = arith.constant 0 : i32
    %dma_wait3A_79 = tpu.memref_slice %arg7[%dma_wait3A_78] : memref<65536xf32, #tpu.memory_space<vmem>> -> memref<4096xf32, #tpu.memory_space<vmem>>
    %dma_wait3A_80 = tpu.memref_slice %arg4[%mul3A_6] : memref<2097152xf32, #tpu.memory_space<hbm>> -> memref<4096xf32, #tpu.memory_space<hbm>>
    %dma_wait3A_81 = tpu.memref_slice %arg4[%mul3A_6] : memref<2097152xf32, #tpu.memory_space<hbm>> -> memref<4096xf32, #tpu.memory_space<hbm>>
    %dma_wait3A_82 = arith.constant 0 : i32
    %dma_wait3A_83 = tpu.memref_slice %arg7[%dma_wait3A_82] : memref<65536xf32, #tpu.memory_space<vmem>> -> memref<4096xf32, #tpu.memory_space<vmem>>
    tpu.wait_dma2 semaphore(%arg8 : memref<!tpu.dma_semaphore, #tpu.memory_space<semaphore_mem>>) src(%dma_wait3A_83 : memref<4096xf32, #tpu.memory_space<vmem>>) dst(%dma_wait3A_81 : memref<4096xf32, #tpu.memory_space<hbm>>)
    %dma_wait3A_84 = arith.constant 0 : i32
    %dma_wait3A_85 = tpu.memref_slice %arg7[%dma_wait3A_84] : memref<65536xf32, #tpu.memory_space<vmem>> -> memref<4096xf32, #tpu.memory_space<vmem>>
    %dma_wait3A_86 = tpu.memref_slice %arg4[%mul3A_6] : memref<2097152xf32, #tpu.memory_space<hbm>> -> memref<4096xf32, #tpu.memory_space<hbm>>
    %dma_wait3A_87 = tpu.memref_slice %arg4[%mul3A_6] : memref<2097152xf32, #tpu.memory_space<hbm>> -> memref<4096xf32, #tpu.memory_space<hbm>>
    %dma_wait3A_88 = arith.constant 0 : i32
    %dma_wait3A_89 = tpu.memref_slice %arg7[%dma_wait3A_88] : memref<65536xf32, #tpu.memory_space<vmem>> -> memref<4096xf32, #tpu.memory_space<vmem>>
    tpu.wait_dma2 semaphore(%arg8 : memref<!tpu.dma_semaphore, #tpu.memory_space<semaphore_mem>>) src(%dma_wait3A_89 : memref<4096xf32, #tpu.memory_space<vmem>>) dst(%dma_wait3A_87 : memref<4096xf32, #tpu.memory_space<hbm>>)
    %dma_wait3A_90 = arith.constant 0 : i32
    %dma_wait3A_91 = tpu.memref_slice %arg7[%dma_wait3A_90] : memref<65536xf32, #tpu.memory_space<vmem>> -> memref<4096xf32, #tpu.memory_space<vmem>>
    %dma_wait3A_92 = tpu.memref_slice %arg4[%mul3A_6] : memref<2097152xf32, #tpu.memory_space<hbm>> -> memref<4096xf32, #tpu.memory_space<hbm>>
    %dma_wait3A_93 = tpu.memref_slice %arg4[%mul3A_6] : memref<2097152xf32, #tpu.memory_space<hbm>> -> memref<4096xf32, #tpu.memory_space<hbm>>
    %dma_wait3A_94 = arith.constant 0 : i32
    %dma_wait3A_95 = tpu.memref_slice %arg7[%dma_wait3A_94] : memref<65536xf32, #tpu.memory_space<vmem>> -> memref<4096xf32, #tpu.memory_space<vmem>>
    tpu.wait_dma2 semaphore(%arg8 : memref<!tpu.dma_semaphore, #tpu.memory_space<semaphore_mem>>) src(%dma_wait3A_95 : memref<4096xf32, #tpu.memory_space<vmem>>) dst(%dma_wait3A_93 : memref<4096xf32, #tpu.memory_space<hbm>>)
    %dma_wait3A_96 = arith.constant 0 : i32
    %dma_wait3A_97 = tpu.memref_slice %arg7[%dma_wait3A_96] : memref<65536xf32, #tpu.memory_space<vmem>> -> memref<4096xf32, #tpu.memory_space<vmem>>
    %dma_wait3A_98 = tpu.memref_slice %arg4[%mul3A_6] : memref<2097152xf32, #tpu.memory_space<hbm>> -> memref<4096xf32, #tpu.memory_space<hbm>>
    %dma_wait3A_99 = tpu.memref_slice %arg4[%mul3A_6] : memref<2097152xf32, #tpu.memory_space<hbm>> -> memref<4096xf32, #tpu.memory_space<hbm>>
    %dma_wait3A_100 = arith.constant 0 : i32
    %dma_wait3A_101 = tpu.memref_slice %arg7[%dma_wait3A_100] : memref<65536xf32, #tpu.memory_space<vmem>> -> memref<4096xf32, #tpu.memory_space<vmem>>
    tpu.wait_dma2 semaphore(%arg8 : memref<!tpu.dma_semaphore, #tpu.memory_space<semaphore_mem>>) src(%dma_wait3A_101 : memref<4096xf32, #tpu.memory_space<vmem>>) dst(%dma_wait3A_99 : memref<4096xf32, #tpu.memory_space<hbm>>)
    %dma_wait3A_102 = arith.constant 0 : i32
    %dma_wait3A_103 = tpu.memref_slice %arg7[%dma_wait3A_102] : memref<65536xf32, #tpu.memory_space<vmem>> -> memref<4096xf32, #tpu.memory_space<vmem>>
    %dma_wait3A_104 = tpu.memref_slice %arg4[%mul3A_6] : memref<2097152xf32, #tpu.memory_space<hbm>> -> memref<4096xf32, #tpu.memory_space<hbm>>
    %dma_wait3A_105 = tpu.memref_slice %arg4[%mul3A_6] : memref<2097152xf32, #tpu.memory_space<hbm>> -> memref<4096xf32, #tpu.memory_space<hbm>>
    %dma_wait3A_106 = arith.constant 0 : i32
    %dma_wait3A_107 = tpu.memref_slice %arg7[%dma_wait3A_106] : memref<65536xf32, #tpu.memory_space<vmem>> -> memref<4096xf32, #tpu.memory_space<vmem>>
    tpu.wait_dma2 semaphore(%arg8 : memref<!tpu.dma_semaphore, #tpu.memory_space<semaphore_mem>>) src(%dma_wait3A_107 : memref<4096xf32, #tpu.memory_space<vmem>>) dst(%dma_wait3A_105 : memref<4096xf32, #tpu.memory_space<hbm>>)
    return
  }
}

</mosaic_0001>

<sc_bundles>
// kernel: _sc_lookup.3.cloned.1.call-start
scs
__scs_entry_jumppad:
0x0: {  	(pc) =	sbr.rel $0x88, $3  }
0x1: {  	(tag) =	ssettag $0x0;
	lr =	simm.s32 $0x1  }
0x2: {  	[smem:$0x3F9F] =	sst lr;
	_ =	strace $0xD0000000  }
0x3: {  	_ = 	snop  }
0x4: {  	_ = 	snop  }
0x5: {  	_ = 	snop  }
0x6: {  	_ = 	snop  }
0x7: {  	_ = 	snop  }
__scs_overlays_trampoline_lowered:
0x8: {  	[smem:$0x3FAE] =	sst s0  }
0x9: {  	[smem:$0x3FAF] =	sst s1  }
0xa: {  	[smem:$0x3FB0] =	sst s2  }
0xb: {  	[smem:$0x3FB1] =	sst s3  }
0xc: {  	[smem:$0x3FB2] =	sst s4  }
0xd: {  	[smem:$0x3FB3] =	sst s5  }
0xe: {  	[smem:$0x3FB4] =	sst s6  }
0xf: {  	[smem:$0x3FB5] =	sst s7  }
0x10: {  	[smem:$0x3FB6] =	sst s8  }
0x11: {  	[smem:$0x3FB7] =	sst s9;
	s0 =	simm.s32 @!p0 $0x0  }
0x12: {  	s1 =	sld [smem:$0x3F9D];
	s0 =	simm.s32 @p0 $0x1  }
0x13: {  	[smem:$0x3FB8] =	sst s0;
	s0 =	simm.s32 @!p1 $0x0  }
0x14: {  	s2 =	sld [smem:$0x3F9C];
	s0 =	simm.s32 @p1 $0x1  }
0x15: {  	[smem:$0x3FB9] =	sst s0;
	s0 =	simm.s32 @!p2 $0x0  }
0x16: {  	s3 =	sld [smem:$0x3FDB];
	s0 =	simm.s32 @p2 $0x1  }
0x17: {  	s4 =	simm.s32 $0x1BF5;
	[smem:$0x3FBB] =	sst s0  }
0x18: {  	s0 =	sld [smem:$0x3F9E];
	_ =	swait.ge [sflag:s4], $0x0  }
0x19: {  	s7 =	sld [smem:$0x3F9F]  }
0x1a: {  	s8 =	sadd.s32 $0xFFFFE003, lr  }
0x1b: {  	s9 =	sadd.s32 $0xFFFFFEF7, lr;
	s5 =	simm.s32 $0xFFFFFFFF;
	p2 =	slt.u32 s8, $0xFFFFF086  }
0x1c: {  	p1 =	slt.u32 s9, $0xF7A;
	s5 =	simm.s32 @!p2 $0x0  }
0x1d: {  	s5 =	simm.s32 @p1 $0x1;
	p0 =	seq.s32 s7, s2  }
0x1e: {  	s7 =	smul.u32 @!p0 $0xF7A, s2;
	p2 =	seq.s32 @!p0 s5, $0x0  }
0x1f: {  	s9 =	smul.u32 $0xF7A, s1;
	s8 =	simm.s32 @!p0 $0x1BF5;
	p2 =	por !p2, p0  }
0x20: {  	[sflag:s8] =	ssyncset.s32 @!p0 $0xFFFFF086;
	s6 =	sadd.s32 @!p0 s3, s7;
	s7 =	simm.s32 @!p0 $0x108  }
0x21: {  	s3 =	sadd.s32 s3, s9;
	s6 =	sadd.s32 @!p0 $0x88, s6;
	s7 =	simm.s32 @p2 $0x1082  }
0x22: {  	[simem:s7], [sflag:s8] =	dma.local @!p0 [hbm:s6], $0xF7A  }
0x23: {  	s9 =	sor.u32 $0xD0000000, s2;
	s6 =	simm.s32 $0x108;
	_ =	swait.ge @!p0 [sflag:s8], $0x0  }
0x24: {  	s3 =	sadd.s32 $0x88, s3;
	s6 =	simm.s32 @!p1 $0x1082;
	[sflag:s4] =	ssyncset.s32 $0xFFFFF086  }
0x25: {  	[simem:s6], [sflag:s4] =	dma.local [hbm:s3], $0xF7A  }
0x26: {  	[smem:$0x3F9F] =	sst s1;
	(tag) =	ssettag s2;
	_ =	strace s9  }
0x27: {  	s1 =	sld [smem:$0x3FAF]  }
0x28: {  	s2 =	sld [smem:$0x3FB0]  }
0x29: {  	s4 =	sld [smem:$0x3FB2]  }
0x2a: {  	p0 =	seq.s32 s5, $0x0;
	s5 =	sld [smem:$0x3FB3]  }
0x2b: {  	s6 =	sld [smem:$0x3FB4]  }
0x2c: {  	s7 =	sld [smem:$0x3FB5]  }
0x2d: {  	s3 =	simm.s32 $0x108;
	s8 =	sld [smem:$0x3FB6]  }
0x2e: {  	s3 =	simm.s32 @!p0 $0x1082;
	s9 =	sld [smem:$0x3FB7]  }
0x2f: {  	lr =	sadd.s32 s0, s3;
	s0 =	sld [smem:$0x3FAE]  }
0x30: {  	s3 =	sld [smem:$0x3FB1]  }
0x31: {  	[smem:$0x3FBA] =	sst s10  }
0x32: {  	s10 =	sld [smem:$0x3FB8];
	_ =	sdelay $0x3  }
0x33: {  	p0 =	seq.s32 s10, $0x1;
	s10 =	sld [smem:$0x3FBA];
	_ =	sdelay $0x3  }
0x34: {  	[smem:$0x3FBA] =	sst s10  }
0x35: {  	s10 =	sld [smem:$0x3FB9];
	_ =	sdelay $0x3  }
0x36: {  	p1 =	seq.s32 s10, $0x1;
	s10 =	sld [smem:$0x3FBA];
	_ =	sdelay $0x3  }
0x37: {  	[smem:$0x3FBA] =	sst s10  }
0x38: {  	s10 =	sld [smem:$0x3FBB]  }
0x39: {  	_ = 	snop;
	(pc) =	sbr.ind lr, $3  }
0x3a: {  	_ = 	snop  }
0x3b: {  	_ = 	snop  }
0x3c: {  	p2 =	seq.s32 s10, $0x1;
	s10 =	sld [smem:$0x3FBA]  }
0x3d: {  	_ =	shalt  }
0x3e: {  	_ =	shalt  }
0x3f: {  	_ =	shalt  }
0x40: {  	_ =	shalt  }
0x41: {  	_ =	shalt  }
0x42: {  	_ =	shalt  }
0x43: {  	_ =	shalt  }
0x44: {  	_ =	shalt  }
0x45: {  	_ =	shalt  }
0x46: {  	_ =	shalt  }
0x47: {  	_ =	shalt  }
0x48: {  	_ =	shalt  }
0x49: {  	_ =	shalt  }
0x4a: {  	_ =	shalt  }
0x4b: {  	_ =	shalt  }
0x4c: {  	_ =	shalt  }
0x4d: {  	_ =	shalt  }
0x4e: {  	_ =	shalt  }
0x4f: {  	_ =	shalt  }
0x50: {  	_ =	shalt  }
0x51: {  	_ =	shalt  }
0x52: {  	_ =	shalt  }
0x53: {  	_ =	shalt  }
0x54: {  	_ =	shalt  }
0x55: {  	_ =	shalt  }
0x56: {  	_ =	shalt  }
0x57: {  	_ =	shalt  }
0x58: {  	_ =	shalt  }
0x59: {  	_ =	shalt  }
0x5a: {  	_ =	shalt  }
0x5b: {  	_ =	shalt  }
0x5c: {  	_ =	shalt  }
0x5d: {  	_ =	shalt  }
0x5e: {  	_ =	shalt  }
0x5f: {  	_ =	shalt  }
0x60: {  	_ =	shalt  }
0x61: {  	_ =	shalt  }
0x62: {  	_ =	shalt  }
0x63: {  	_ =	shalt  }
0x64: {  	_ =	shalt  }
0x65: {  	_ =	shalt  }
0x66: {  	_ =	shalt  }
0x67: {  	_ =	shalt  }
0x68: {  	_ =	shalt  }
0x69: {  	_ =	shalt  }
0x6a: {  	_ =	shalt  }
0x6b: {  	_ =	shalt  }
0x6c: {  	_ =	shalt  }
0x6d: {  	_ =	shalt  }
0x6e: {  	_ =	shalt  }
0x6f: {  	_ =	shalt  }
0x70: {  	_ =	shalt  }
0x71: {  	_ =	shalt  }
0x72: {  	_ =	shalt  }
0x73: {  	_ =	shalt  }
0x74: {  	_ =	shalt  }
0x75: {  	_ =	shalt  }
0x76: {  	_ =	shalt  }
0x77: {  	_ =	shalt  }
0x78: {  	_ =	shalt  }
0x79: {  	_ =	shalt  }
0x7a: {  	_ =	shalt  }
0x7b: {  	_ =	shalt  }
0x7c: {  	_ =	shalt  }
0x7d: {  	_ =	shalt  }
0x7e: {  	_ =	shalt  }
0x7f: {  	_ =	shalt  }
0x80: {  	_ =	shalt  }
0x81: {  	_ =	shalt  }
0x82: {  	_ =	shalt  }
0x83: {  	_ =	shalt  }
0x84: {  	_ =	shalt  }
0x85: {  	_ =	shalt  }
0x86: {  	_ =	shalt  }
0x87: {  	_ =	shalt  }
.Lfunc_end0:
.L_simem_size_0:
called_computation_lowered:
.L_overlay_start_0:
0x88: {  	s2 =	sld [smem:$0x3FD9]  }
0x89: {  	s3 =	sld [smem:$0x3FFE];
	_ =	sdelay $0x1  }
0x8a: {  	s1 =	srdreg.scid  }
0x8b: {  	s0 =	sand.u32 $0x1, s1  }
0x8c: {  	s18 =	sshll.u32 s0, $0xA;
	s2 =	sadd.s32 s3, s2  }
0x8d: {  	s2 =	sadd.s32 s2, s18  }
0x8e: {  	[smem:$0x3FC6] =	sst s2  }
0x8f: {  	_ = 	snop  }
0x90: {  	s2 =	sld [smem:$0x3FC9]  }
0x91: {  	s19 =	sld [smem:$0x3FC8]  }
0x92: {  	s4 =	sld [smem:$0x3FD0];
	(tm) =	ssettm $0x1  }
0x93: {  	s5 =	sld [smem:$0x3FFB];
	_ =	sdelay $0x3  }
0x94: {  	_ =	strace s5  }
0x95: {  	s5 =	sld [smem:$0x3FFC];
	_ =	sdelay $0x3  }
0x96: {  	_ =	strace s5  }
0x97: {  	s5 =	sld [smem:$0x3FFD];
	_ =	sdelay $0x3  }
0x98: {  	_ =	strace s5  }
0x99: {  	_ =	strace $0x8FFFFFFF  }
0x9a: {  	s20 =	sld [smem:$0x3FDB];
	_ =	sdelay $0x1  }
0x9b: {  	s6 =	simm.s32 $_scs_section_size  }
0x9c: {  	s7 =	simm.s32 $_size__tile_overlayer_lowered;
	s8 =	simm.s32 $_tile_overlayer_lowered  }
0x9d: {  	s23 =	simm.s32 $0x1BFF;
	s22 =	sshll.u32 s8, $0x1;
	s5 =	sadd.s32 s6, s20  }
0x9e: {  	s9 =	simm.s32 $0x0;
	s21 =	sshll.u32 s7, $0x1;
	s7 =	sadd.s32 s22, s5  }
0x9f: {  	[timem:s9], [sflag:s23] =	dma.local [hbm:s7], s21  }
0xa0: {  	_ =	swait.ge [sflag:s23], s21  }
0xa1: {  	s6 =	ssub.s32 $0x0, s21;
	[sflag:s23] =	ssyncset.done $0x0  }
0xa2: {  	[sflag:s23] =	ssyncadd.s32 s6;
	_ =	sdelay $0x1  }
0xa3: {  	s24 =	simm.s32 $0x1B8B  }
0xa4: {  	_ =	swait.ge [sflag:s24], $0x1  }
0xa5: {  	[sflag:s24] =	ssyncset.done $0x0  }
0xa6: {  	s25 =	simm.s32 $0x1B8E;
	[sflag:s24] =	ssyncadd.s32 $0xFFFFFFFF  }
0xa7: {  	s26 =	simm.s32 $execute0_lowered;
	[smem:$0x3FD2] =	sst s25  }
0xa8: {  	s6 =	sshll.u32 s26, $0x1;
	_ =	strace $0x80000046;
	[dreg:$0x1] =	wrdreg $0xFFFFFFFF  }
0xa9: {  	s28 =	simm.s32 $_size_execute0_lowered;
	s5 =	sadd.s32 s5, s6;
	[dreg:$0x0] =	wrdreg $0x0  }
0xaa: {  	s6 =	sshll.u32 s28, $0x1;
	[dreg:$0x2] =	wrdreg s5  }
0xab: {  	[dreg:$0x3] =	wrdreg s6  }
0xac: {  	[dreg:$0x4] =	wrdreg $0xC0  }
0xad: {  	_ =	task [dreg:s9], $0x5FFFF  }
0xae: {  	[dreg:$0x1] =	wrdreg $0xFFFFFFFF  }
0xaf: {  	[dreg:$0x0] =	wrdreg $0x60  }
0xb0: {  	[dreg:$0x2] =	wrdreg s2  }
0xb1: {  	[dreg:$0x3] =	wrdreg s19  }
0xb2: {  	[dreg:$0x4] =	wrdreg s4  }
0xb3: {  	[dreg:$0x5] =	wrdreg $0x9  }
0xb4: {  	_ =	task.clear_ibuf [dreg:s9], $0x6FFFF;
	_ =	strace $0x90000046  }
0xb5: {  	s29 =	simm.s32 $0x9;
	_ =	strace $0x80000048  }
0xb6: {  	_ =	swait.ge [sflag:s29], $0x1  }
0xb7: {  	[sflag:s29] =	ssyncadd.s32 $0xFFFFFFFF  }
0xb8: {  	_ =	strace $0x90000048  }
0xb9: {  	_ =	sfence  }
0xba: {  	s30 =	sld [smem:$0x0];
	_ =	sdelay $0x2  }
0xbb: {  	s31 =	sshll.u32 s1, $0xD;
	s1 =	sshrl.u32 s1, $0x2  }
0xbc: {  	s3 =	sand.u32 $0x4000, s31;
	s1 =	sadd.s32 s1, s30  }
0xbd: {  	s0 =	sor.u32 s3, s0;
	s1 =	sshll.u32 s1, $0x11  }
0xbe: {  	s0 =	sor.u32 s1, s0  }
0xbf: {  	s0 =	sadd.s32 $0x8F2B, s0  }
0xc0: {  	[sflag:s0] =	ssyncadd.remote.s32 $0x1  }
0xc1: {  	_ =	sfence.sel $0xFFFF  }
0xc2: {  	[dreg:$0x0] =	wrdreg $0xFFFFFFFF;
	(pc) =	sbr.abs _section_cstart, $3  }
0xc3: {  	[dreg:$0x1] =	wrdreg $0xFFFFFFFF  }
0xc4: {  	_ =	task.clear_ibuf [dreg:s9], $0x2FFFF;
	_ =	strace $0x9FFFFFFF  }
0xc5: {  	(tm) =	ssettm $0x7FFFFFFF  }
tec
execute0_lowered:
.L_overlay_start_1:
0x0: {  	(tag) =	ssettag $0x1  }
0x1: {  	s5 =	rddreg [dreg:$0x0]  }
0x2: {  	s1 =	rddreg [dreg:$0x1]  }
0x3: {  	s0 =	srdreg.scid;
	s2 =	rddreg [dreg:$0x2];
	s4 =	simm.s32 $0x0  }
0x4: {  	v0 =	vimm.s32 $0x0;
	s3 =	stileid.u32;
	s6 =	sand.u32 $0x1, s0;
	s0 =	rddreg [dreg:$0x3]  }
0x5: {  	v1 =	vimm.s32 $0xF;
	v2 =	vimm.s32 $0xC;
	v3 =	vimm.s32 $0xFFFFFFF4;
	[smem:$0x7FF] =	sst s4;
	s30 =	sshll.u32 s3, $0x7  }
0x6: {  	v4 =	vimm.s32 $0xB;
	v5 =	vimm.s32 $0x5;
	v6 =	vlaneseq.u32;
	s10 =	sshll.u32 s3, $0x11;
	s7 =	ssub.s32 $0x2, s6;
	s9 =	sshll.u32 s6, $0x6  }
0x7: {  	v8 =	vimm.s32 $0x1;
	v9 =	vimm.s32 $0x2;
	v10 =	vimm.s32 $0x3;
	s6 =	sshll.u32 s6, $0x10;
	_ =	strace $0x80000047;
	s8 =	sshrl.u32 s7, $0x1  }
0x8: {  	v11 =	vimm.s32 $0x4;
	v12 =	vimm.s32 $0x6;
	v13 =	vimm.s32 $0x7;
	s31 =	sor.u32 s6, s10;
	s7 =	ssub.s32 s7, s8;
	s8 =	sor.u32 s9, s30  }
0x9: {  	v14 =	vimm.s32 $0x8;
	v15 =	vimm.s32 $0x9;
	v16 =	vimm.s32 $0xA;
	s10 =	simm.s32 $0x0;
	s9 =	simm.s32 $0x1;
	s5 =	sadd.s32 s5, s8  }
0xa: {  	v17 =	vimm.s32 $0xD;
	v18 =	vimm.s32 $0xE;
	v7 =	vor.u32 $0x10, v6;
	s6 =	smax.u32 s7, $0x1;
	s7 =	sadd.s32 $0xFFFFF800, s31;
	s8 =	simm.s32 $0x200  }
.LBB2_1:
0xb: {  	[tilespmem:s8], [sflag:$0x1] =	stream.linear.gather [hbm4b:s1+s4], $0x6C0, $0x38;
	[tilespmem:$0x108C0] =	vst v63  }
0xc: {  	_ = 	snop  }
0xd: {  	[tilespmem:s4], [sflag:$0x1] =	stream.linear.gather [hbm4b:s5+s4], $0x200, $0x38;
	[tilespmem:$0x108C0] =	vst v63  }
0xe: {  	_ =	swait.ge [sflag:s9], $0x200  }
0xf: {  	[sflag:s9] =	ssyncset.done $0x0  }
0x10: {  	[sflag:s9] =	ssyncadd.s32 $0xFFFFFE00  }
0x11: {  	_ =	swait.ge [sflag:s9], $0x6C0  }
0x12: {  	s11 =	simm.s32 $0xC0;
	s12 =	simm.s32 $0x0;
	[sflag:s9] =	ssyncset.done $0x0  }
0x13: {  	s13 =	smov.u32 s7;
	s14 =	simm.s32 $0x0;
	[sflag:s9] =	ssyncadd.s32 $0xFFFFF940  }
.LBB2_2:
0x14: {  	v19 =	vld [tilespmem:s12+$0x0];
	_ =	sdelay $0x4  }
0x15: {  	v20 =	vcvt.s32.f32 v19;
	_ =	sdelay $0x1  }
0x16: {  	v20 =	vmul.f32 $1.157407410e-05, v20;
	_ =	sdelay $0x1  }
0x17: {  	v20 =	vtrunc.f32 v20  }
0x18: {  	v20 =	vcvt.f32.s32 v20;
	_ =	sdelay $0x1  }
0x19: {  	v21 =	vmul.u32 $0xFFFEAE80, v20;
	_ =	sdelay $0x1  }
0x1a: {  	v19 =	vadd.s32 v19, v21  }
0x1b: {  	vm0 =	vgt.s32 v19, $0x1517F;
	v19 =	vshra.s32 v19, $0x1F  }
0x1c: {  	v44 =	vsel vm0, $0x1, v0;
	v19 =	vadd.s32 v20, v19  }
0x1d: {  	v19 =	vadd.s32 v44, v19  }
0x1e: {  	v20 =	vmul.u32 $0x59C7, v19;
	_ =	sdelay $0x1  }
0x1f: {  	v20 =	vshra.s32 v20, $0x17  }
0x20: {  	v21 =	vmul.u32 $0x4925, v19;
	v20 =	vmul.u32 $0xFFFFFE93, v20;
	_ =	sdelay $0x1  }
0x21: {  	v21 =	vshra.s32 v21, $0x11;
	v20 =	vadd.s32 v19, v20  }
0x22: {  	v21 =	vmul.u32 $0x7FFFFF9, v21;
	v22 =	vmul.u32 $0x445, v20;
	_ =	sdelay $0x1  }
0x23: {  	v19 =	vadd.s32 v19, v21;
	v22 =	vshra.s32 v22, $0xF  }
0x24: {  	v23 =	vmul.u32 $0x1085, v20;
	v21 =	vshll.u32 v19, $0x5;
	vm15 =	vlt.s32 v22, $0xC  }
0x25: {  	v24 =	vperm.xlane v21, v0;
	v45 =	vsel vm15, $0x0, v3  }
0x26: {  	v31 =	vperm.xlane v21, v8;
	v23 =	vshra.s32 v23, $0x11;
	v22 =	vadd.s32 v22, v45  }
0x27: {  	v23 =	vmul.u32 $0x7FFFFE1, v23;
	v25 =	vadd.s32 v6, v24;
	v19 =	vshll.u32 v22, $0x5  }
0x28: {  	v24 =	vadd.s32 v7, v24;
	v46 =	vmul.u32 $0xB, v22;
	v22 =	vadd.s32 $0xE0, v19  }
0x29: {  	v32 =	vadd.s32 v6, v31;
	v26 =	vperm.xlane v22, v0  }
0x2a: {  	v31 =	vadd.s32 v7, v31;
	v20 =	vadd.s32 v20, v23  }
0x2b: {  	v19 =	vshll.u32 v20, $0x5;
	v33 =	vperm.xlane v22, v8;
	v47 =	vadd.s32 v6, v26  }
0x2c: {  	v19 =	vadd.s32 $0x260, v19;
	v25 =	vld.idx.msk [tilespmem:v25+s8+$0x0], $0xffff;
	v26 =	vadd.s32 v7, v26  }
0x2d: {  	v24 =	vld.idx.msk [tilespmem:v24+s8+$0x0], $0xffff;
	v27 =	vperm.xlane v19, v0;
	v34 =	vadd.s32 v6, v33  }
0x2e: {  	v32 =	vld.idx.msk [tilespmem:v32+s8+$0x0], $0xffff;
	v33 =	vadd.s32 v7, v33  }
0x2f: {  	v20 =	vand.u32 $0xFFFFFFE0, v46;
	v31 =	vld.idx.msk [tilespmem:v31+s8+$0x0], $0xffff;
	v35 =	vperm.xlane v19, v8;
	v28 =	vadd.s32 v6, v27  }
0x30: {  	v20 =	vadd.s32 $0x640, v20;
	v27 =	vadd.s32 v7, v27;
	v23 =	vld.idx.msk [tilespmem:v47+s8+$0x0], $0xffff  }
0x31: {  	v29 =	vperm.xlane v20, v0;
	v36 =	vadd.s32 v6, v35;
	v26 =	vld.idx.msk [tilespmem:v26+s8+$0x0], $0xffff  }
0x32: {  	v35 =	vadd.s32 v7, v35;
	v34 =	vld.idx.msk [tilespmem:v34+s8+$0x0], $0xffff  }
0x33: {  	v37 =	vperm.xlane v20, v8;
	v30 =	vadd.s32 v6, v29;
	v33 =	vld.idx.msk [tilespmem:v33+s8+$0x0], $0xffff  }
0x34: {  	v29 =	vadd.s32 v7, v29;
	v28 =	vld.idx.msk [tilespmem:v28+s8+$0x0], $0xffff  }
0x35: {  	v38 =	vadd.s32 v6, v37;
	v27 =	vld.idx.msk [tilespmem:v27+s8+$0x0], $0xffff  }
0x36: {  	v37 =	vadd.s32 v7, v37;
	v36 =	vld.idx.msk [tilespmem:v36+s8+$0x0], $0xffff  }
0x37: {  	v35 =	vld.idx.msk [tilespmem:v35+s8+$0x0], $0xffff  }
0x38: {  	v30 =	vld.idx.msk [tilespmem:v30+s8+$0x0], $0xffff  }
0x39: {  	v29 =	vld.idx.msk [tilespmem:v29+s8+$0x0], $0xffff  }
0x3a: {  	v38 =	vld.idx.msk [tilespmem:v38+s8+$0x0], $0xffff  }
0x3b: {  	v37 =	vld.idx.msk [tilespmem:v37+s8+$0x0], $0xffff;
	[tilespmem:s11+$0x800] =	vst v25  }
0x3c: {  	[tilespmem:s11+$0x810] =	vst v24  }
0x3d: {  	[tilespmem:s11+$0x880] =	vst v32  }
0x3e: {  	[tilespmem:s11+$0x890] =	vst v31  }
0x3f: {  	[tilespmem:s11+$0x820] =	vst v23  }
0x40: {  	[tilespmem:s11+$0x830] =	vst v26  }
0x41: {  	[tilespmem:s11+$0x8A0] =	vst v34  }
0x42: {  	[tilespmem:s11+$0x8B0] =	vst v33  }
0x43: {  	[tilespmem:s11+$0x840] =	vst v28  }
0x44: {  	v48 =	vperm.xlane v21, v9;
	[tilespmem:s11+$0x850] =	vst v27  }
0x45: {  	v50 =	vperm.xlane v22, v9;
	[tilespmem:s11+$0x8C0] =	vst v36  }
0x46: {  	v49 =	vadd.s32 v6, v48;
	[tilespmem:s11+$0x8D0] =	vst v35  }
0x47: {  	v52 =	vperm.xlane v19, v9;
	v51 =	vadd.s32 v6, v50;
	[tilespmem:s11+$0x860] =	vst v30  }
0x48: {  	v54 =	vperm.xlane v20, v9;
	v25 =	vadd.s32 v7, v50;
	[tilespmem:s11+$0x870] =	vst v29  }
0x49: {  	v56 =	vperm.xlane v21, v10;
	v53 =	vadd.s32 v6, v52;
	[tilespmem:s11+$0x8E0] =	vst v38  }
0x4a: {  	v55 =	vadd.s32 v6, v54;
	[tilespmem:s11+$0x8F0] =	vst v37  }
0x4b: {  	v57 =	vadd.s32 v6, v56;
	v58 =	vperm.xlane v22, v10;
	v24 =	vld.idx.msk [tilespmem:v49+s8+$0x0], $0xffff  }
0x4c: {  	v60 =	vperm.xlane v19, v10;
	v31 =	vadd.s32 v7, v56;
	v26 =	vld.idx.msk [tilespmem:v51+s8+$0x0], $0xffff  }
0x4d: {  	v59 =	vadd.s32 v6, v58;
	v62 =	vperm.xlane v20, v10;
	v25 =	vld.idx.msk [tilespmem:v25+s8+$0x0], $0xffff  }
0x4e: {  	v61 =	vadd.s32 v6, v60;
	v28 =	vld.idx.msk [tilespmem:v53+s8+$0x0], $0xffff  }
0x4f: {  	v63 =	vadd.s32 v6, v62;
	v30 =	vld.idx.msk [tilespmem:v55+s8+$0x0], $0xffff  }
0x50: {  	v23 =	vadd.s32 v7, v48;
	v32 =	vld.idx.msk [tilespmem:v57+s8+$0x0], $0xffff  }
0x51: {  	v33 =	vadd.s32 v7, v58;
	v31 =	vld.idx.msk [tilespmem:v31+s8+$0x0], $0xffff  }
0x52: {  	v27 =	vadd.s32 v7, v52;
	v34 =	vld.idx.msk [tilespmem:v59+s8+$0x0], $0xffff  }
0x53: {  	v35 =	vadd.s32 v7, v60;
	v36 =	vld.idx.msk [tilespmem:v61+s8+$0x0], $0xffff  }
0x54: {  	v29 =	vadd.s32 v7, v54;
	v38 =	vld.idx.msk [tilespmem:v63+s8+$0x0], $0xffff  }
0x55: {  	v37 =	vadd.s32 v7, v62;
	v23 =	vld.idx.msk [tilespmem:v23+s8+$0x0], $0xffff  }
0x56: {  	v33 =	vld.idx.msk [tilespmem:v33+s8+$0x0], $0xffff  }
0x57: {  	v27 =	vld.idx.msk [tilespmem:v27+s8+$0x0], $0xffff  }
0x58: {  	v35 =	vld.idx.msk [tilespmem:v35+s8+$0x0], $0xffff  }
0x59: {  	v29 =	vld.idx.msk [tilespmem:v29+s8+$0x0], $0xffff  }
0x5a: {  	v37 =	vld.idx.msk [tilespmem:v37+s8+$0x0], $0xffff;
	[tilespmem:s11+$0x900] =	vst v24  }
0x5b: {  	[tilespmem:s11+$0x920] =	vst v26  }
0x5c: {  	[tilespmem:s11+$0x930] =	vst v25  }
0x5d: {  	[tilespmem:s11+$0x940] =	vst v28  }
0x5e: {  	[tilespmem:s11+$0x960] =	vst v30  }
0x5f: {  	[tilespmem:s11+$0x980] =	vst v32  }
0x60: {  	[tilespmem:s11+$0x990] =	vst v31  }
0x61: {  	[tilespmem:s11+$0x9A0] =	vst v34  }
0x62: {  	[tilespmem:s11+$0x9C0] =	vst v36  }
0x63: {  	v40 =	vperm.xlane v21, v5;
	[tilespmem:s11+$0x9E0] =	vst v38  }
0x64: {  	[tilespmem:s11+$0x910] =	vst v23  }
0x65: {  	v41 =	vadd.s32 v6, v40;
	v42 =	vperm.xlane v22, v5;
	[tilespmem:s11+$0x9B0] =	vst v33  }
0x66: {  	v44 =	vperm.xlane v19, v5;
	v31 =	vadd.s32 v7, v40;
	[tilespmem:s11+$0x950] =	vst v27  }
0x67: {  	v43 =	vadd.s32 v6, v42;
	v46 =	vperm.xlane v20, v5;
	[tilespmem:s11+$0x9D0] =	vst v35  }
0x68: {  	v45 =	vadd.s32 v6, v44;
	v32 =	vperm.xlane v21, v11;
	[tilespmem:s11+$0x970] =	vst v29  }
0x69: {  	v47 =	vadd.s32 v6, v46;
	[tilespmem:s11+$0x9F0] =	vst v37  }
0x6a: {  	v34 =	vperm.xlane v22, v11;
	v33 =	vadd.s32 v6, v32;
	v23 =	vadd.s32 v7, v32;
	v32 =	vld.idx.msk [tilespmem:v41+s8+$0x0], $0xffff  }
0x6b: {  	v36 =	vperm.xlane v19, v11;
	v38 =	vperm.xlane v20, v11;
	v31 =	vld.idx.msk [tilespmem:v31+s8+$0x0], $0xffff  }
0x6c: {  	v25 =	vadd.s32 v7, v34;
	v35 =	vadd.s32 v6, v34;
	v34 =	vld.idx.msk [tilespmem:v43+s8+$0x0], $0xffff  }
0x6d: {  	v39 =	vadd.s32 v6, v38;
	v27 =	vadd.s32 v7, v36;
	v37 =	vadd.s32 v6, v36;
	v36 =	vld.idx.msk [tilespmem:v45+s8+$0x0], $0xffff  }
0x6e: {  	v29 =	vadd.s32 v7, v38;
	v38 =	vld.idx.msk [tilespmem:v47+s8+$0x0], $0xffff  }
0x6f: {  	v24 =	vld.idx.msk [tilespmem:v33+s8+$0x0], $0xffff  }
0x70: {  	v23 =	vld.idx.msk [tilespmem:v23+s8+$0x0], $0xffff  }
0x71: {  	v25 =	vld.idx.msk [tilespmem:v25+s8+$0x0], $0xffff  }
0x72: {  	v30 =	vld.idx.msk [tilespmem:v39+s8+$0x0], $0xffff;
	v33 =	vadd.s32 v7, v42  }
0x73: {  	v26 =	vld.idx.msk [tilespmem:v35+s8+$0x0], $0xffff;
	v35 =	vadd.s32 v7, v44  }
0x74: {  	v28 =	vld.idx.msk [tilespmem:v37+s8+$0x0], $0xffff;
	v37 =	vadd.s32 v7, v46  }
0x75: {  	v27 =	vld.idx.msk [tilespmem:v27+s8+$0x0], $0xffff  }
0x76: {  	v29 =	vld.idx.msk [tilespmem:v29+s8+$0x0], $0xffff  }
0x77: {  	v33 =	vld.idx.msk [tilespmem:v33+s8+$0x0], $0xffff  }
0x78: {  	v35 =	vld.idx.msk [tilespmem:v35+s8+$0x0], $0xffff  }
0x79: {  	v37 =	vld.idx.msk [tilespmem:v37+s8+$0x0], $0xffff;
	[tilespmem:s11+$0xA00] =	vst v24  }
0x7a: {  	[tilespmem:s11+$0xA10] =	vst v23  }
0x7b: {  	[tilespmem:s11+$0xA20] =	vst v26  }
0x7c: {  	[tilespmem:s11+$0xA30] =	vst v25  }
0x7d: {  	[tilespmem:s11+$0xA40] =	vst v28  }
0x7e: {  	[tilespmem:s11+$0xA50] =	vst v27  }
0x7f: {  	[tilespmem:s11+$0xA60] =	vst v30  }
0x80: {  	[tilespmem:s11+$0xA70] =	vst v29  }
0x81: {  	[tilespmem:s11+$0xA80] =	vst v32  }
0x82: {  	v48 =	vperm.xlane v21, v12;
	[tilespmem:s11+$0xA90] =	vst v31  }
0x83: {  	[tilespmem:s11+$0xAA0] =	vst v34  }
0x84: {  	v50 =	vperm.xlane v22, v12;
	v49 =	vadd.s32 v6, v48;
	[tilespmem:s11+$0xAC0] =	vst v36  }
0x85: {  	v23 =	vadd.s32 v7, v48;
	[tilespmem:s11+$0xAE0] =	vst v38  }
0x86: {  	v52 =	vperm.xlane v19, v12;
	v51 =	vadd.s32 v6, v50;
	[tilespmem:s11+$0xAB0] =	vst v33  }
0x87: {  	v25 =	vadd.s32 v7, v50;
	[tilespmem:s11+$0xAD0] =	vst v35  }
0x88: {  	v54 =	vperm.xlane v20, v12;
	v53 =	vadd.s32 v6, v52;
	[tilespmem:s11+$0xAF0] =	vst v37  }
0x89: {  	v27 =	vadd.s32 v7, v52;
	v24 =	vld.idx.msk [tilespmem:v49+s8+$0x0], $0xffff  }
0x8a: {  	v56 =	vperm.xlane v21, v13;
	v55 =	vadd.s32 v6, v54;
	v23 =	vld.idx.msk [tilespmem:v23+s8+$0x0], $0xffff  }
0x8b: {  	v29 =	vadd.s32 v7, v54;
	v26 =	vld.idx.msk [tilespmem:v51+s8+$0x0], $0xffff  }
0x8c: {  	v58 =	vperm.xlane v22, v13;
	v57 =	vadd.s32 v6, v56;
	v25 =	vld.idx.msk [tilespmem:v25+s8+$0x0], $0xffff  }
0x8d: {  	v60 =	vperm.xlane v19, v13;
	v31 =	vadd.s32 v7, v56;
	v28 =	vld.idx.msk [tilespmem:v53+s8+$0x0], $0xffff  }
0x8e: {  	v62 =	vperm.xlane v20, v13;
	v59 =	vadd.s32 v6, v58;
	v27 =	vld.idx.msk [tilespmem:v27+s8+$0x0], $0xffff  }
0x8f: {  	v61 =	vadd.s32 v6, v60;
	v30 =	vld.idx.msk [tilespmem:v55+s8+$0x0], $0xffff  }
0x90: {  	v63 =	vadd.s32 v6, v62;
	v29 =	vld.idx.msk [tilespmem:v29+s8+$0x0], $0xffff  }
0x91: {  	v33 =	vadd.s32 v7, v58;
	v32 =	vld.idx.msk [tilespmem:v57+s8+$0x0], $0xffff  }
0x92: {  	v35 =	vadd.s32 v7, v60;
	v31 =	vld.idx.msk [tilespmem:v31+s8+$0x0], $0xffff  }
0x93: {  	v37 =	vadd.s32 v7, v62;
	v34 =	vld.idx.msk [tilespmem:v59+s8+$0x0], $0xffff  }
0x94: {  	v36 =	vld.idx.msk [tilespmem:v61+s8+$0x0], $0xffff  }
0x95: {  	v38 =	vld.idx.msk [tilespmem:v63+s8+$0x0], $0xffff  }
0x96: {  	v33 =	vld.idx.msk [tilespmem:v33+s8+$0x0], $0xffff  }
0x97: {  	v35 =	vld.idx.msk [tilespmem:v35+s8+$0x0], $0xffff  }
0x98: {  	v37 =	vld.idx.msk [tilespmem:v37+s8+$0x0], $0xffff;
	[tilespmem:s11+$0xB00] =	vst v24  }
0x99: {  	[tilespmem:s11+$0xB10] =	vst v23  }
0x9a: {  	[tilespmem:s11+$0xB20] =	vst v26  }
0x9b: {  	[tilespmem:s11+$0xB30] =	vst v25  }
0x9c: {  	[tilespmem:s11+$0xB40] =	vst v28  }
0x9d: {  	[tilespmem:s11+$0xB50] =	vst v27  }
0x9e: {  	[tilespmem:s11+$0xB60] =	vst v30  }
0x9f: {  	[tilespmem:s11+$0xB70] =	vst v29  }
0xa0: {  	[tilespmem:s11+$0xB80] =	vst v32  }
0xa1: {  	v40 =	vperm.xlane v21, v15;
	[tilespmem:s11+$0xB90] =	vst v31  }
0xa2: {  	[tilespmem:s11+$0xBA0] =	vst v34  }
0xa3: {  	v41 =	vadd.s32 v6, v40;
	v42 =	vperm.xlane v22, v15;
	[tilespmem:s11+$0xBC0] =	vst v36  }
0xa4: {  	v44 =	vperm.xlane v19, v15;
	[tilespmem:s11+$0xBE0] =	vst v38;
	v31 =	vadd.s32 v7, v40  }
0xa5: {  	v43 =	vadd.s32 v6, v42;
	v46 =	vperm.xlane v20, v15;
	[tilespmem:s11+$0xBB0] =	vst v33  }
0xa6: {  	v45 =	vadd.s32 v6, v44;
	v32 =	vperm.xlane v21, v14;
	[tilespmem:s11+$0xBD0] =	vst v35  }
0xa7: {  	v47 =	vadd.s32 v6, v46;
	[tilespmem:s11+$0xBF0] =	vst v37  }
0xa8: {  	v34 =	vperm.xlane v22, v14;
	v33 =	vadd.s32 v6, v32;
	v23 =	vadd.s32 v7, v32;
	v32 =	vld.idx.msk [tilespmem:v41+s8+$0x0], $0xffff  }
0xa9: {  	v36 =	vperm.xlane v19, v14;
	v31 =	vld.idx.msk [tilespmem:v31+s8+$0x0], $0xffff  }
0xaa: {  	v38 =	vperm.xlane v20, v14;
	v25 =	vadd.s32 v7, v34;
	v35 =	vadd.s32 v6, v34;
	v34 =	vld.idx.msk [tilespmem:v43+s8+$0x0], $0xffff  }
0xab: {  	v27 =	vadd.s32 v7, v36;
	v37 =	vadd.s32 v6, v36;
	v36 =	vld.idx.msk [tilespmem:v45+s8+$0x0], $0xffff  }
0xac: {  	v39 =	vadd.s32 v6, v38;
	v29 =	vadd.s32 v7, v38;
	v38 =	vld.idx.msk [tilespmem:v47+s8+$0x0], $0xffff  }
0xad: {  	v24 =	vld.idx.msk [tilespmem:v33+s8+$0x0], $0xffff  }
0xae: {  	v23 =	vld.idx.msk [tilespmem:v23+s8+$0x0], $0xffff  }
0xaf: {  	v25 =	vld.idx.msk [tilespmem:v25+s8+$0x0], $0xffff  }
0xb0: {  	v27 =	vld.idx.msk [tilespmem:v27+s8+$0x0], $0xffff;
	v33 =	vadd.s32 v7, v42  }
0xb1: {  	v26 =	vld.idx.msk [tilespmem:v35+s8+$0x0], $0xffff;
	v35 =	vadd.s32 v7, v44  }
0xb2: {  	v28 =	vld.idx.msk [tilespmem:v37+s8+$0x0], $0xffff;
	v37 =	vadd.s32 v7, v46  }
0xb3: {  	v30 =	vld.idx.msk [tilespmem:v39+s8+$0x0], $0xffff  }
0xb4: {  	v29 =	vld.idx.msk [tilespmem:v29+s8+$0x0], $0xffff  }
0xb5: {  	v33 =	vld.idx.msk [tilespmem:v33+s8+$0x0], $0xffff  }
0xb6: {  	v35 =	vld.idx.msk [tilespmem:v35+s8+$0x0], $0xffff  }
0xb7: {  	v37 =	vld.idx.msk [tilespmem:v37+s8+$0x0], $0xffff;
	[tilespmem:s11+$0xC00] =	vst v24  }
0xb8: {  	[tilespmem:s11+$0xC10] =	vst v23  }
0xb9: {  	[tilespmem:s11+$0xC20] =	vst v26  }
0xba: {  	[tilespmem:s11+$0xC30] =	vst v25  }
0xbb: {  	[tilespmem:s11+$0xC40] =	vst v28  }
0xbc: {  	[tilespmem:s11+$0xC50] =	vst v27  }
0xbd: {  	[tilespmem:s11+$0xC60] =	vst v30  }
0xbe: {  	[tilespmem:s11+$0xC70] =	vst v29  }
0xbf: {  	[tilespmem:s11+$0xC80] =	vst v32  }
0xc0: {  	v48 =	vperm.xlane v21, v16;
	[tilespmem:s11+$0xC90] =	vst v31  }
0xc1: {  	[tilespmem:s11+$0xCA0] =	vst v34  }
0xc2: {  	v50 =	vperm.xlane v22, v16;
	v49 =	vadd.s32 v6, v48;
	[tilespmem:s11+$0xCC0] =	vst v36  }
0xc3: {  	v23 =	vadd.s32 v7, v48;
	[tilespmem:s11+$0xCE0] =	vst v38  }
0xc4: {  	v52 =	vperm.xlane v19, v16;
	v51 =	vadd.s32 v6, v50;
	[tilespmem:s11+$0xCB0] =	vst v33  }
0xc5: {  	v25 =	vadd.s32 v7, v50;
	[tilespmem:s11+$0xCD0] =	vst v35  }
0xc6: {  	v54 =	vperm.xlane v20, v16;
	v53 =	vadd.s32 v6, v52;
	[tilespmem:s11+$0xCF0] =	vst v37  }
0xc7: {  	v27 =	vadd.s32 v7, v52;
	v24 =	vld.idx.msk [tilespmem:v49+s8+$0x0], $0xffff  }
0xc8: {  	v56 =	vperm.xlane v21, v4;
	v55 =	vadd.s32 v6, v54;
	v23 =	vld.idx.msk [tilespmem:v23+s8+$0x0], $0xffff  }
0xc9: {  	v29 =	vadd.s32 v7, v54;
	v26 =	vld.idx.msk [tilespmem:v51+s8+$0x0], $0xffff  }
0xca: {  	v58 =	vperm.xlane v22, v4;
	v57 =	vadd.s32 v6, v56;
	v25 =	vld.idx.msk [tilespmem:v25+s8+$0x0], $0xffff  }
0xcb: {  	v60 =	vperm.xlane v19, v4;
	v31 =	vadd.s32 v7, v56;
	v28 =	vld.idx.msk [tilespmem:v53+s8+$0x0], $0xffff  }
0xcc: {  	v62 =	vperm.xlane v20, v4;
	v59 =	vadd.s32 v6, v58;
	v27 =	vld.idx.msk [tilespmem:v27+s8+$0x0], $0xffff  }
0xcd: {  	v61 =	vadd.s32 v6, v60;
	v30 =	vld.idx.msk [tilespmem:v55+s8+$0x0], $0xffff  }
0xce: {  	v63 =	vadd.s32 v6, v62;
	v29 =	vld.idx.msk [tilespmem:v29+s8+$0x0], $0xffff  }
0xcf: {  	v33 =	vadd.s32 v7, v58;
	v32 =	vld.idx.msk [tilespmem:v57+s8+$0x0], $0xffff  }
0xd0: {  	v35 =	vadd.s32 v7, v60;
	v31 =	vld.idx.msk [tilespmem:v31+s8+$0x0], $0xffff  }
0xd1: {  	v37 =	vadd.s32 v7, v62;
	v34 =	vld.idx.msk [tilespmem:v59+s8+$0x0], $0xffff  }
0xd2: {  	v36 =	vld.idx.msk [tilespmem:v61+s8+$0x0], $0xffff  }
0xd3: {  	v38 =	vld.idx.msk [tilespmem:v63+s8+$0x0], $0xffff  }
0xd4: {  	v33 =	vld.idx.msk [tilespmem:v33+s8+$0x0], $0xffff  }
0xd5: {  	v35 =	vld.idx.msk [tilespmem:v35+s8+$0x0], $0xffff  }
0xd6: {  	v37 =	vld.idx.msk [tilespmem:v37+s8+$0x0], $0xffff;
	[tilespmem:s11+$0xD00] =	vst v24  }
0xd7: {  	[tilespmem:s11+$0xD10] =	vst v23  }
0xd8: {  	[tilespmem:s11+$0xD20] =	vst v26  }
0xd9: {  	[tilespmem:s11+$0xD30] =	vst v25  }
0xda: {  	[tilespmem:s11+$0xD40] =	vst v28  }
0xdb: {  	[tilespmem:s11+$0xD50] =	vst v27  }
0xdc: {  	[tilespmem:s11+$0xD60] =	vst v30  }
0xdd: {  	[tilespmem:s11+$0xD70] =	vst v29  }
0xde: {  	[tilespmem:s11+$0xD80] =	vst v32  }
0xdf: {  	v40 =	vperm.xlane v19, v2;
	[tilespmem:s11+$0xD90] =	vst v31  }
0xe0: {  	[tilespmem:s11+$0xDA0] =	vst v34  }
0xe1: {  	v41 =	vadd.s32 v6, v40;
	v42 =	vperm.xlane v20, v2;
	[tilespmem:s11+$0xDC0] =	vst v36  }
0xe2: {  	[tilespmem:s11+$0xDE0] =	vst v38;
	v27 =	vadd.s32 v7, v40  }
0xe3: {  	v44 =	vperm.xlane v21, v17;
	v43 =	vadd.s32 v6, v42;
	[tilespmem:s11+$0xDB0] =	vst v33  }
0xe4: {  	v29 =	vadd.s32 v7, v42;
	[tilespmem:s11+$0xDD0] =	vst v35  }
0xe5: {  	v46 =	vperm.xlane v22, v17;
	v45 =	vadd.s32 v6, v44;
	[tilespmem:s11+$0xDF0] =	vst v37  }
0xe6: {  	v48 =	vperm.xlane v19, v17;
	v31 =	vadd.s32 v7, v44;
	v28 =	vld.idx.msk [tilespmem:v41+s8+$0x0], $0xffff  }
0xe7: {  	v47 =	vadd.s32 v6, v46;
	v50 =	vperm.xlane v20, v17;
	v27 =	vld.idx.msk [tilespmem:v27+s8+$0x0], $0xffff  }
0xe8: {  	v49 =	vadd.s32 v6, v48;
	v32 =	vperm.xlane v21, v2;
	v30 =	vld.idx.msk [tilespmem:v43+s8+$0x0], $0xffff  }
0xe9: {  	v51 =	vadd.s32 v6, v50;
	v29 =	vld.idx.msk [tilespmem:v29+s8+$0x0], $0xffff  }
0xea: {  	v34 =	vperm.xlane v22, v2;
	v33 =	vadd.s32 v6, v32;
	v23 =	vadd.s32 v7, v32;
	v32 =	vld.idx.msk [tilespmem:v45+s8+$0x0], $0xffff  }
0xeb: {  	v31 =	vld.idx.msk [tilespmem:v31+s8+$0x0], $0xffff  }
0xec: {  	v39 =	vadd.s32 v6, v34;
	v25 =	vadd.s32 v7, v34;
	v34 =	vld.idx.msk [tilespmem:v47+s8+$0x0], $0xffff  }
0xed: {  	v36 =	vld.idx.msk [tilespmem:v49+s8+$0x0], $0xffff  }
0xee: {  	v35 =	vadd.s32 v7, v48;
	v38 =	vld.idx.msk [tilespmem:v51+s8+$0x0], $0xffff  }
0xef: {  	v37 =	vadd.s32 v7, v50;
	v24 =	vld.idx.msk [tilespmem:v33+s8+$0x0], $0xffff  }
0xf0: {  	v23 =	vld.idx.msk [tilespmem:v23+s8+$0x0], $0xffff;
	v33 =	vadd.s32 v7, v46  }
0xf1: {  	v26 =	vld.idx.msk [tilespmem:v39+s8+$0x0], $0xffff  }
0xf2: {  	v25 =	vld.idx.msk [tilespmem:v25+s8+$0x0], $0xffff  }
0xf3: {  	v35 =	vld.idx.msk [tilespmem:v35+s8+$0x0], $0xffff  }
0xf4: {  	v37 =	vld.idx.msk [tilespmem:v37+s8+$0x0], $0xffff  }
0xf5: {  	v33 =	vld.idx.msk [tilespmem:v33+s8+$0x0], $0xffff;
	[tilespmem:s11+$0xE00] =	vst v24  }
0xf6: {  	[tilespmem:s11+$0xE10] =	vst v23  }
0xf7: {  	[tilespmem:s11+$0xE20] =	vst v26  }
0xf8: {  	[tilespmem:s11+$0xE30] =	vst v25  }
0xf9: {  	[tilespmem:s11+$0xE40] =	vst v28  }
0xfa: {  	[tilespmem:s11+$0xE50] =	vst v27  }
0xfb: {  	[tilespmem:s11+$0xE60] =	vst v30  }
0xfc: {  	[tilespmem:s11+$0xE70] =	vst v29  }
0xfd: {  	[tilespmem:s11+$0xE80] =	vst v32  }
0xfe: {  	v52 =	vperm.xlane v21, v18;
	[tilespmem:s11+$0xE90] =	vst v31  }
0xff: {  	[tilespmem:s11+$0xEA0] =	vst v34  }
0x100: {  	v54 =	vperm.xlane v22, v18;
	v53 =	vadd.s32 v6, v52;
	[tilespmem:s11+$0xEC0] =	vst v36  }
0x101: {  	v23 =	vadd.s32 v7, v52;
	[tilespmem:s11+$0xEE0] =	vst v38  }
0x102: {  	v56 =	vperm.xlane v19, v18;
	v55 =	vadd.s32 v6, v54;
	[tilespmem:s11+$0xED0] =	vst v35  }
0x103: {  	v25 =	vadd.s32 v7, v54;
	[tilespmem:s11+$0xEF0] =	vst v37  }
0x104: {  	v58 =	vperm.xlane v20, v18;
	v57 =	vadd.s32 v6, v56;
	[tilespmem:s11+$0xEB0] =	vst v33  }
0x105: {  	v27 =	vadd.s32 v7, v56;
	v24 =	vld.idx.msk [tilespmem:v53+s8+$0x0], $0xffff  }
0x106: {  	v59 =	vadd.s32 v6, v58;
	v21 =	vperm.xlane v21, v1;
	v23 =	vld.idx.msk [tilespmem:v23+s8+$0x0], $0xffff  }
0x107: {  	v29 =	vadd.s32 v7, v58;
	v26 =	vld.idx.msk [tilespmem:v55+s8+$0x0], $0xffff  }
0x108: {  	v22 =	vperm.xlane v22, v1;
	v60 =	vadd.s32 v6, v21;
	v25 =	vld.idx.msk [tilespmem:v25+s8+$0x0], $0xffff  }
0x109: {  	v21 =	vadd.s32 v7, v21;
	v28 =	vld.idx.msk [tilespmem:v57+s8+$0x0], $0xffff  }
0x10a: {  	v19 =	vperm.xlane v19, v1;
	v61 =	vadd.s32 v6, v22;
	v27 =	vld.idx.msk [tilespmem:v27+s8+$0x0], $0xffff  }
0x10b: {  	v22 =	vadd.s32 v7, v22;
	v30 =	vld.idx.msk [tilespmem:v59+s8+$0x0], $0xffff  }
0x10c: {  	v20 =	vperm.xlane v20, v1;
	v62 =	vadd.s32 v6, v19;
	v29 =	vld.idx.msk [tilespmem:v29+s8+$0x0], $0xffff  }
0x10d: {  	v19 =	vadd.s32 v7, v19;
	v31 =	vld.idx.msk [tilespmem:v60+s8+$0x0], $0xffff  }
0x10e: {  	v63 =	vadd.s32 v6, v20;
	v21 =	vld.idx.msk [tilespmem:v21+s8+$0x0], $0xffff  }
0x10f: {  	v20 =	vadd.s32 v7, v20;
	v32 =	vld.idx.msk [tilespmem:v61+s8+$0x0], $0xffff  }
0x110: {  	v22 =	vld.idx.msk [tilespmem:v22+s8+$0x0], $0xffff  }
0x111: {  	v33 =	vld.idx.msk [tilespmem:v62+s8+$0x0], $0xffff  }
0x112: {  	v19 =	vld.idx.msk [tilespmem:v19+s8+$0x0], $0xffff  }
0x113: {  	v34 =	vld.idx.msk [tilespmem:v63+s8+$0x0], $0xffff  }
0x114: {  	v20 =	vld.idx.msk [tilespmem:v20+s8+$0x0], $0xffff;
	[tilespmem:s11+$0xF00] =	vst v24  }
0x115: {  	[tilespmem:s11+$0xF10] =	vst v23  }
0x116: {  	[tilespmem:s11+$0xF20] =	vst v26  }
0x117: {  	[tilespmem:s11+$0xF30] =	vst v25  }
0x118: {  	[tilespmem:s11+$0xF40] =	vst v28  }
0x119: {  	[tilespmem:s11+$0xF50] =	vst v27  }
0x11a: {  	[tilespmem:s11+$0xF60] =	vst v30  }
0x11b: {  	[tilespmem:s11+$0xF70] =	vst v29  }
0x11c: {  	[tilespmem:s11+$0xF80] =	vst v31  }
0x11d: {  	[tilespmem:s11+$0xF90] =	vst v21  }
0x11e: {  	[tilespmem:s11+$0xFA0] =	vst v32  }
0x11f: {  	[tilespmem:s11+$0xFB0] =	vst v22  }
0x120: {  	s15 =	sand.u32 $0x1, s14;
	[tilespmem:s11+$0xFC0] =	vst v33  }
0x121: {  	p0 =	seq.s32 s15, $0x0;
	[tilespmem:s11+$0xFD0] =	vst v19  }
0x122: {  	s15 =	sshrl.u32 @!p0 s13, $0x3;
	[tilespmem:s11+$0xFE0] =	vst v34  }
0x123: {  	s14 =	sadd.s32 $0x1, s14;
	s16 =	simm.s32 @!p0 $0x0;
	s15 =	sadd.s32 @!p0 s2, s15;
	[tilespmem:s11+$0xFF0] =	vst v20  }
0x124: {  	[hbm4b:s15+s16] =	stream.linear.scatter @!p0 [tilespmem:s11], [sflag:$0x1], $0x1000, $0x38;
	[tilespmem:$0x108C0] =	vst v63  }
0x125: {  	p0 =	sne.s32 s14, $0x20  }
.Ltmp0:
0x126: {  	_ = 	snop;
	(pc) =	sbr.rel @p0 .LBB2_2-.Ltmp0, $2  }
0x127: {  	_ =	sdelay $0x2  }
0x128: {  	s12 =	sadd.s32 $0x10, s12;
	s13 =	sadd.s32 $0x800, s13;
	s11 =	sadd.s32 $0x800, s11  }
0x129: {  	_ =	swait.ge [sflag:s9], $0x1000  }
0x12a: {  	[sflag:s9] =	ssyncset.done $0x0  }
0x12b: {  	[sflag:s9] =	ssyncadd.s32 $0xFFFFF000  }
0x12c: {  	_ =	swait.ge [sflag:s9], $0x1000  }
0x12d: {  	[sflag:s9] =	ssyncset.done $0x0  }
0x12e: {  	[sflag:s9] =	ssyncadd.s32 $0xFFFFF000  }
0x12f: {  	_ =	swait.ge [sflag:s9], $0x1000  }
0x130: {  	[sflag:s9] =	ssyncset.done $0x0  }
0x131: {  	[sflag:s9] =	ssyncadd.s32 $0xFFFFF000  }
0x132: {  	_ =	swait.ge [sflag:s9], $0x1000  }
0x133: {  	[sflag:s9] =	ssyncset.done $0x0  }
0x134: {  	[sflag:s9] =	ssyncadd.s32 $0xFFFFF000  }
0x135: {  	_ =	swait.ge [sflag:s9], $0x1000  }
0x136: {  	[sflag:s9] =	ssyncset.done $0x0  }
0x137: {  	[sflag:s9] =	ssyncadd.s32 $0xFFFFF000  }
0x138: {  	_ =	swait.ge [sflag:s9], $0x1000  }
0x139: {  	[sflag:s9] =	ssyncset.done $0x0  }
0x13a: {  	[sflag:s9] =	ssyncadd.s32 $0xFFFFF000  }
0x13b: {  	_ =	swait.ge [sflag:s9], $0x1000  }
0x13c: {  	[sflag:s9] =	ssyncset.done $0x0  }
0x13d: {  	[sflag:s9] =	ssyncadd.s32 $0xFFFFF000  }
0x13e: {  	_ =	swait.ge [sflag:s9], $0x1000  }
0x13f: {  	[sflag:s9] =	ssyncset.done $0x0  }
0x140: {  	[sflag:s9] =	ssyncadd.s32 $0xFFFFF000  }
0x141: {  	_ =	swait.ge [sflag:s9], $0x1000  }
0x142: {  	[sflag:s9] =	ssyncset.done $0x0  }
0x143: {  	[sflag:s9] =	ssyncadd.s32 $0xFFFFF000  }
0x144: {  	_ =	swait.ge [sflag:s9], $0x1000  }
0x145: {  	[sflag:s9] =	ssyncset.done $0x0  }
0x146: {  	[sflag:s9] =	ssyncadd.s32 $0xFFFFF000  }
0x147: {  	_ =	swait.ge [sflag:s9], $0x1000  }
0x148: {  	[sflag:s9] =	ssyncset.done $0x0  }
0x149: {  	[sflag:s9] =	ssyncadd.s32 $0xFFFFF000  }
0x14a: {  	_ =	swait.ge [sflag:s9], $0x1000  }
0x14b: {  	[sflag:s9] =	ssyncset.done $0x0  }
0x14c: {  	[sflag:s9] =	ssyncadd.s32 $0xFFFFF000  }
0x14d: {  	_ =	swait.ge [sflag:s9], $0x1000  }
0x14e: {  	[sflag:s9] =	ssyncset.done $0x0  }
0x14f: {  	[sflag:s9] =	ssyncadd.s32 $0xFFFFF000  }
0x150: {  	_ =	swait.ge [sflag:s9], $0x1000  }
0x151: {  	[sflag:s9] =	ssyncset.done $0x0  }
0x152: {  	s10 =	sadd.s32 $0x1, s10;
	[sflag:s9] =	ssyncadd.s32 $0xFFFFF000  }
0x153: {  	p0 =	sne.s32 s10, s6;
	_ =	swait.ge [sflag:s9], $0x1000  }
.Ltmp1:
0x154: {  	[sflag:s9] =	ssyncset.done $0x0;
	(pc) =	sbr.rel @p0 .LBB2_1-.Ltmp1, $4  }
0x155: {  	[sflag:s9] =	ssyncadd.s32 $0xFFFFF000  }
0x156: {  	_ =	swait.ge [sflag:s9], $0x1000  }
0x157: {  	[sflag:s9] =	ssyncset.done $0x0  }
0x158: {  	[sflag:s9] =	ssyncadd.s32 $0xFFFFF000  }
0x159: {  	_ =	sfence.sel $0x180000  }
0x15a: {  	[bflag:$0x0] =	sbarrier.arrive $0xFFFF  }
0x15b: {  	p0 =	sne.s32 s3, $0x0;
	_ =	strace $0x90000047  }
0x15c: {  	s0 =	sadd.s32 @!p0 $0x100000, s0;
	[bflag:$0x2] =	sbarrier.arrive $0xFFFF  }
0x15d: {  	[sflag:s0] =	ssyncadd.tile.s32 @!p0 $0x1;
	_ =	shalt  }
.Lfunc_end2:
_tile_overlayer_lowered:
.L_overlay_start_2:
0x15e: {  	(tag) =	ssettag $0x2  }
0x15f: {  	s0 =	rddreg [dreg:$0x0];
	s2 =	stileid.u32  }
0x160: {  	s1 =	rddreg [dreg:$0x1];
	p0 =	sne.s32 s2, $0x0  }
0x161: {  	s3 =	rddreg [dreg:$0x2];
	[bflag:$0x3] =	sbarrier.arrive $0xFFFF;
	s2 =	simm.s32 @!p0 $0x1C02  }
0x162: {  	[timem:s3], [sflag:s2] =	dma.local @!p0 [hbm:s0], s1  }
0x163: {  	s0 =	simm.s32 @!p0 $0x2  }
0x164: {  	_ =	swait.ge @!p0 [sflag:s0], s1  }
0x165: {  	s1 =	ssub.s32 @!p0 $0x0, s1;
	[sflag:s0] =	ssyncset.done @!p0 $0x0  }
0x166: {  	[sflag:s0] =	ssyncadd.s32 @!p0 s1  }
0x167: {  	[bflag:$0x3] =	sbarrier.arrive $0xFFFF  }
0x168: {  	_ =	shalt  }

</sc_bundles>
